<compile_context>
chip_gen: v7x
topology: tpu7x:2x2x1
jax: 0.10.2.dev20260603
libtpu: 0.0.44.dev20260713+nightly
codegen_flags: <defaults>
</compile_context>

<pallas_src>
import functools

import jax
import jax.numpy as jnp
from jax import lax
from jax.experimental import pallas as pl
from jax.experimental.pallas import tpu as pltpu
from jax.experimental.pallas import tpu_sc as plsc

N = 10000
E = 160000
IN_DIM = 128
HID_DIM = 128
LAT_DIM = 64
NUM_GRAPHS = 64
OUT_CLASSES = 10

NC = 2
NS = 16
NW = NC * NS

EPW = E // NW
CH = 40
EPS2 = E // NC // NS
NCH = EPS2 // CH
ZCH = N // CH

@functools.cache
def _sc_mesh():
    return plsc.VectorSubcoreMesh(core_axis_name="c", subcore_axis_name="s",
                                  num_cores=NC, num_subcores=NS)


DCH = 80
DZCH = N // DCH


def _deg_body(dst_hbm, out_hbm, dstbuf, onesbuf, zbuf, acc):
    c = lax.axis_index("c")
    s = lax.axis_index("s")
    z16 = jnp.zeros((16,), jnp.float32)
    ones16 = jnp.ones((16,), jnp.float32)

    for i in range(DCH // 16):
        zbuf[pl.ds(i * 16, 16)] = z16
    for i in range(48 // 16):
        onesbuf[pl.ds(i * 16, 16)] = ones16

    def zacc_step(i, _):
        k = i * NS + s

        @pl.when(k < DZCH)
        def _():
            pltpu.sync_copy(zbuf, acc.at[pl.ds(k * DCH, DCH)])

        return 0

    lax.fori_loop(0, (DZCH + NS - 1) // NS, zacc_step, 0)
    plsc.subcore_barrier()

    w = c * NS + s
    pltpu.sync_copy(dst_hbm.at[w], dstbuf)

    def edge_step(j, _):
        pltpu.sync_copy(onesbuf.at[pl.ds(0, CH)], acc.at[dstbuf.at[j]], add=True)
        return 0

    lax.fori_loop(0, NCH, edge_step, 0)
    plsc.subcore_barrier()

    def drain_step(i, _):
        k = i * NS + s

        @pl.when(k < DZCH)
        def _():
            pltpu.sync_copy(acc.at[pl.ds(k * DCH, DCH)], zbuf)
            pltpu.sync_copy(zbuf, out_hbm.at[pl.ds(c * N + k * DCH, DCH)])

        return 0

    lax.fori_loop(0, (DZCH + NS - 1) // NS, drain_step, 0)


@functools.cache
def _deg_call():
    return pl.kernel(
        _deg_body,
        out_type=jax.ShapeDtypeStruct((NC * N,), jnp.float32),
        mesh=_sc_mesh(),
        scratch_types=[
            pltpu.VMEM((NCH, CH), jnp.int32),
            pltpu.VMEM((48,), jnp.float32),
            pltpu.VMEM((DCH,), jnp.float32),
            pltpu.VMEM_SHARED((N,), jnp.float32),
        ],
    )


NSLOT = 5


def _spmm_body(y_hbm, src_hbm, dst_hbm, out_hbm, srcbuf, dstbuf,
               r0, r1, r2, r3, r4, g0, g1, g2, g3, g4, acc):
    rbufs = (r0, r1, r2, r3, r4)
    gsems = (g0, g1, g2, g3, g4)
    c = lax.axis_index("c")
    s = lax.axis_index("s")
    z16 = jnp.zeros((16,), jnp.float32)

    def zbuf_step(i, _):
        r0[i // 8, pl.ds((i % 8) * 16, 16)] = z16
        return 0

    lax.fori_loop(0, CH * (128 // 16), zbuf_step, 0)

    def zacc_step(i, _):
        k = i * NS + s

        @pl.when(k < ZCH)
        def _():
            pltpu.sync_copy(r0, acc.at[pl.ds(k * CH, CH)])

        return 0

    lax.fori_loop(0, (ZCH + NS - 1) // NS, zacc_step, 0)
    plsc.subcore_barrier()

    w = c * NS + s
    pltpu.sync_copy(src_hbm.at[pl.ds(w * EPS2, EPS2)], srcbuf)
    pltpu.sync_copy(dst_hbm.at[w], dstbuf)

    def gref(j):
        return y_hbm.at[srcbuf.at[pl.ds(j * CH, CH)]]

    for b in range(NSLOT):
        pltpu.async_copy(gref(b), rbufs[b], gsems[b])

    def outer_step(g, _):
        base = g * NSLOT
        for b in range(NSLOT):
            j = base + b
            pltpu.make_async_copy(gref(j), rbufs[b], gsems[b]).wait()
            pltpu.sync_copy(rbufs[b], acc.at[dstbuf.at[j]], add=True)

            @pl.when(j + NSLOT < NCH)
            def _():
                pltpu.async_copy(gref(j + NSLOT), rbufs[b], gsems[b])

        return 0

    lax.fori_loop(0, NCH // NSLOT, outer_step, 0)
    plsc.subcore_barrier()

    def drain_step(i, _):
        k = i * NS + s

        @pl.when(k < ZCH)
        def _():
            pltpu.sync_copy(acc.at[pl.ds(k * CH, CH)], out_hbm.at[c, pl.ds(k * CH, CH)])

        return 0

    lax.fori_loop(0, (ZCH + NS - 1) // NS, drain_step, 0)


@functools.cache
def _spmm_call():
    return pl.kernel(
        _spmm_body,
        out_type=jax.ShapeDtypeStruct((NC, N, HID_DIM), jnp.float32),
        mesh=_sc_mesh(),
        scratch_types=(
            [pltpu.VMEM((EPS2,), jnp.int32), pltpu.VMEM((NCH, CH), jnp.int32)]
            + [pltpu.VMEM((CH, HID_DIM), jnp.float32)] * NSLOT
            + [pltpu.SemaphoreType.DMA] * NSLOT
            + [pltpu.VMEM_SHARED((N, HID_DIM), jnp.float32)]
        ),
    )


BN = 1024
_NBLK = (N + BN - 1) // BN


def _t1_body(deg_ref, x_ref, w1_ref, dinv_ref, y1_ref):
    deg = deg_ref[...]
    ones = jnp.ones((NC, 1), jnp.float32)
    degsum = lax.dot_general(deg, ones, (((0,), (0,)), ((), ())),
                             preferred_element_type=jnp.float32)
    dinv = lax.rsqrt(1.0 + degsum)
    xw = jnp.dot(x_ref[...], w1_ref[...], preferred_element_type=jnp.float32)
    dinv_ref[...] = dinv
    y1_ref[...] = xw * dinv


def _t2_body(dinv_ref, y1_ref, agg_ref, b1_ref, wml_ref, y2_ref):
    dinv = dinv_ref[...]
    a = agg_ref[0] + agg_ref[1] + y1_ref[...]
    h = jnp.maximum(dinv * a + b1_ref[...], 0.0)
    y2_ref[...] = jnp.dot(h, wml_ref[...], preferred_element_type=jnp.float32) * dinv


def _t3_body(dinv_ref, y2_ref, agg_ref, bml_ref, eps_ref, batch_ref,
             wc1_ref, bc1_ref, wc2_ref, bc2_ref,
             mu_ref, lv_ref, zb_ref, logits_ref, sums_ref, cnts_ref):
    i = pl.program_id(0)
    dinv = dinv_ref[...]
    mulv = dinv * (agg_ref[0] + agg_ref[1] + y2_ref[...]) + bml_ref[...]
    mu = mulv[:, :LAT_DIM]
    lv = mulv[:, LAT_DIM:]
    mu_ref[...] = mu
    lv_ref[...] = lv
    z = mu + eps_ref[...] * jnp.exp(0.5 * lv)
    zb_ref[...] = z.astype(jnp.bfloat16)

    @pl.when(i == 0)
    def _():
        sums_ref[...] = jnp.zeros_like(sums_ref)
        cnts_ref[...] = jnp.zeros_like(cnts_ref)

    b = batch_ref[...]
    gids = lax.broadcasted_iota(jnp.int32, (BN, NUM_GRAPHS), 1)
    rows = lax.broadcasted_iota(jnp.int32, (BN, NUM_GRAPHS), 0) + i * BN
    onehot = ((b == gids) & (rows < N)).astype(jnp.float32)
    rowmask = (lax.broadcasted_iota(jnp.int32, (BN, 1), 0) + i * BN) < N
    zm = jnp.where(rowmask, z, 0.0)
    sums_ref[...] += lax.dot_general(onehot, zm, (((0,), (0,)), ((), ())),
                                     preferred_element_type=jnp.float32)
    cnts_ref[...] += lax.dot_general(onehot, jnp.ones((BN, 1), jnp.float32),
                                     (((0,), (0,)), ((), ())),
                                     preferred_element_type=jnp.float32)
    ge = sums_ref[...] / jnp.maximum(cnts_ref[...], 1.0)
    hc = jnp.maximum(jnp.dot(ge, wc1_ref[...], preferred_element_type=jnp.float32)
                     + bc1_ref[...], 0.0)
    logits_ref[...] = jnp.dot(hc, wc2_ref[...], preferred_element_type=jnp.float32) + bc2_ref[...]


BI = 2000
BJ = 2048


def _t4_body(zi_ref, zj_ref, out_ref):
    t = lax.dot_general(zi_ref[...], zj_ref[...], (((1,), (1,)), ((), ())),
                        preferred_element_type=jnp.float32)
    out_ref[...] = 0.5 + 0.5 * jnp.tanh(0.5 * t)


def kernel(x, edge_index, batch, eps, W1, b1, Wmu, bmu, Wlv, blv, Wc1, bc1, Wc2, bc2):
    f32 = jnp.float32
    src = edge_index[0].astype(jnp.int32)
    dst = edge_index[1].astype(jnp.int32)
    dst40 = dst.reshape(NW, NCH, CH)

    Wml = jnp.concatenate([Wmu, Wlv], axis=1)
    bml = jnp.concatenate([bmu, blv]).reshape(1, HID_DIM)
    b1r = b1.reshape(1, HID_DIM)
    bc1r = bc1.reshape(1, 64)
    bc2r = bc2.reshape(1, OUT_CLASSES)
    batch2d = batch.astype(jnp.int32).reshape(N, 1)

    deg_part = _deg_call()(dst40).reshape(NC, N)

    dinv, Y1 = pl.pallas_call(
        _t1_body,
        grid=(_NBLK,),
        in_specs=[
            pl.BlockSpec((NC, BN), lambda i: (0, i)),
            pl.BlockSpec((BN, IN_DIM), lambda i: (i, 0)),
            pl.BlockSpec((IN_DIM, HID_DIM), lambda i: (0, 0)),
        ],
        out_specs=[
            pl.BlockSpec((BN, 1), lambda i: (i, 0)),
            pl.BlockSpec((BN, HID_DIM), lambda i: (i, 0)),
        ],
        out_shape=[
            jax.ShapeDtypeStruct((N, 1), f32),
            jax.ShapeDtypeStruct((N, HID_DIM), f32),
        ],
    )(deg_part, x, W1)

    agg1 = _spmm_call()(Y1, src, dst40)

    Y2 = pl.pallas_call(
        _t2_body,
        grid=(_NBLK,),
        in_specs=[
            pl.BlockSpec((BN, 1), lambda i: (i, 0)),
            pl.BlockSpec((BN, HID_DIM), lambda i: (i, 0)),
            pl.BlockSpec((NC, BN, HID_DIM), lambda i: (0, i, 0)),
            pl.BlockSpec((1, HID_DIM), lambda i: (0, 0)),
            pl.BlockSpec((HID_DIM, HID_DIM), lambda i: (0, 0)),
        ],
        out_specs=pl.BlockSpec((BN, HID_DIM), lambda i: (i, 0)),
        out_shape=jax.ShapeDtypeStruct((N, HID_DIM), f32),
    )(dinv, Y1, agg1, b1r, Wml)

    agg2 = _spmm_call()(Y2, src, dst40)

    mu, logvar, zb, class_logits = pl.pallas_call(
        _t3_body,
        grid=(_NBLK,),
        in_specs=[
            pl.BlockSpec((BN, 1), lambda i: (i, 0)),
            pl.BlockSpec((BN, HID_DIM), lambda i: (i, 0)),
            pl.BlockSpec((NC, BN, HID_DIM), lambda i: (0, i, 0)),
            pl.BlockSpec((1, HID_DIM), lambda i: (0, 0)),
            pl.BlockSpec((BN, LAT_DIM), lambda i: (i, 0)),
            pl.BlockSpec((BN, 1), lambda i: (i, 0)),
            pl.BlockSpec((LAT_DIM, 64), lambda i: (0, 0)),
            pl.BlockSpec((1, 64), lambda i: (0, 0)),
            pl.BlockSpec((64, OUT_CLASSES), lambda i: (0, 0)),
            pl.BlockSpec((1, OUT_CLASSES), lambda i: (0, 0)),
        ],
        out_specs=[
            pl.BlockSpec((BN, LAT_DIM), lambda i: (i, 0)),
            pl.BlockSpec((BN, LAT_DIM), lambda i: (i, 0)),
            pl.BlockSpec((BN, LAT_DIM), lambda i: (i, 0)),
            pl.BlockSpec((NUM_GRAPHS, OUT_CLASSES), lambda i: (0, 0)),
        ],
        out_shape=[
            jax.ShapeDtypeStruct((N, LAT_DIM), f32),
            jax.ShapeDtypeStruct((N, LAT_DIM), f32),
            jax.ShapeDtypeStruct((N, LAT_DIM), jnp.bfloat16),
            jax.ShapeDtypeStruct((NUM_GRAPHS, OUT_CLASSES), f32),
        ],
        scratch_shapes=[
            pltpu.VMEM((NUM_GRAPHS, LAT_DIM), f32),
            pltpu.VMEM((NUM_GRAPHS, 1), f32),
        ],
    )(dinv, Y2, agg2, bml, eps, batch2d, Wc1, bc1r, Wc2, bc2r)

    adj_pred = pl.pallas_call(
        _t4_body,
        grid=((N + BI - 1) // BI, (N + BJ - 1) // BJ),
        in_specs=[
            pl.BlockSpec((BI, LAT_DIM), lambda i, j: (i, 0)),
            pl.BlockSpec((BJ, LAT_DIM), lambda i, j: (j, 0)),
        ],
        out_specs=pl.BlockSpec((BI, BJ), lambda i, j: (i, j)),
        out_shape=jax.ShapeDtypeStruct((N, N), f32),
    )(zb, zb)

    return (adj_pred, mu, logvar, class_logits)

# --- scband reference (transcript-rebuilt; emitter-appended) ---
"""Pipeline reference for scband-vgae-all-38053410242771 (READ-ONLY COPY).

The authoritative reference and input builder live on the scoring server;
editing this copy changes nothing except your own understanding.
"""

import jax, jax.numpy as jnp
import numpy as np

N = 10000
E = 160000
IN_DIM = 128
HID_DIM = 128
LAT_DIM = 64
NUM_GRAPHS = 64
OUT_CLASSES = 10


def setup_inputs(seed: int = 0) -> dict:
    key = jax.random.key(seed)
    ks = jax.random.split(key, 16)
    x = jax.random.normal(ks[0], (N, IN_DIM), dtype=jnp.float32)
    edge_index = jax.random.randint(ks[1], (2, E), 0, N, dtype=jnp.int64 if jax.config.read('jax_enable_x64') else jnp.int32)
    batch = jnp.sort(jax.random.randint(ks[2], (N,), 0, NUM_GRAPHS))
    # GCN layer params
    W1 = jax.random.normal(ks[3], (IN_DIM, HID_DIM), dtype=jnp.float32) * 0.05
    b1 = jnp.zeros((HID_DIM,), dtype=jnp.float32)
    Wmu = jax.random.normal(ks[4], (HID_DIM, LAT_DIM), dtype=jnp.float32) * 0.05
    bmu = jnp.zeros((LAT_DIM,), dtype=jnp.float32)
    Wlv = jax.random.normal(ks[5], (HID_DIM, LAT_DIM), dtype=jnp.float32) * 0.05
    blv = jnp.zeros((LAT_DIM,), dtype=jnp.float32)
    # classifier params
    Wc1 = jax.random.normal(ks[6], (LAT_DIM, 64), dtype=jnp.float32) * 0.05
    bc1 = jnp.zeros((64,), dtype=jnp.float32)
    Wc2 = jax.random.normal(ks[7], (64, OUT_CLASSES), dtype=jnp.float32) * 0.05
    bc2 = jnp.zeros((OUT_CLASSES,), dtype=jnp.float32)
    # fixed reparameterization noise (torch uses randn_like; fixed here for determinism)
    eps = jax.random.normal(ks[8], (N, LAT_DIM), dtype=jnp.float32)
    return {"x": x, "edge_index": edge_index, "batch": batch, "eps": eps,
            "W1": W1, "b1": b1, "Wmu": Wmu, "bmu": bmu, "Wlv": Wlv, "blv": blv,
            "Wc1": Wc1, "bc1": bc1, "Wc2": Wc2, "bc2": bc2}


def gcn_conv(x, edge_index, W, b):
    # GCNConv with symmetric normalization and self-loops
    n = x.shape[0]
    h = x @ W
    loop = jnp.arange(n, dtype=edge_index.dtype)
    src = jnp.concatenate([edge_index[0], loop])
    dst = jnp.concatenate([edge_index[1], loop])
    deg = jnp.zeros((n,), dtype=h.dtype).at[dst].add(1.0)
    dinv = jax.lax.rsqrt(deg)  # deg >= 1 due to self-loops
    norm = dinv[src] * dinv[dst]
    out = jnp.zeros((n, h.shape[1]), dtype=h.dtype).at[dst].add(h[src] * norm[:, None])
    return out + b


def reference(x, edge_index, batch, eps, W1, b1, Wmu, bmu, Wlv, blv, Wc1, bc1, Wc2, bc2):
    # encoder
    h = jax.nn.relu(gcn_conv(x, edge_index, W1, b1))
    mu = gcn_conv(h, edge_index, Wmu, bmu)
    logvar = gcn_conv(h, edge_index, Wlv, blv)
    # reparametrize
    z = mu + eps * jnp.exp(0.5 * logvar)
    # inner-product decoder
    adj_pred = jax.nn.sigmoid(z @ z.T)
    # global mean pool by graph id
    ones = jnp.ones((z.shape[0],), dtype=z.dtype)
    counts = jax.ops.segment_sum(ones, batch, num_segments=NUM_GRAPHS)
    sums = jax.ops.segment_sum(z, batch, num_segments=NUM_GRAPHS)
    graph_embedding = sums / jnp.maximum(counts, 1.0)[:, None]
    # classifier (dropout = identity in eval)
    hc = jax.nn.relu(graph_embedding @ Wc1 + bc1)
    class_logits = hc @ Wc2 + bc2
    return (adj_pred, mu, logvar, class_logits)

if __name__ == "__main__":
    import jax
    _d = setup_inputs()
    print(jax.jit(kernel)(*tuple(_d.values())))

</pallas_src>

<mosaic_0001>
#map = affine_map<(d0, d1) -> (0, 0, 0)>
#map1 = affine_map<(d0, d1) -> (0)>
module attributes {stable_mosaic.version = 14 : i64} {
  func.func @_deg_body(%arg0: i32, %arg1: i32, %arg2: memref<32x125x40xi32, #tpu.memory_space<hbm>>, %arg3: memref<20000xf32, #tpu.memory_space<hbm>>, %arg4: memref<125x40xi32, #tpu.memory_space<vmem>>, %arg5: memref<48xf32, #tpu.memory_space<vmem>>, %arg6: memref<80xf32, #tpu.memory_space<vmem>>, %arg7: memref<10000xf32, #tpu.memory_space<vmem_shared>>) attributes {dimension_semantics = [#tpu.dimension_semantics<core_parallel>, #tpu.dimension_semantics<subcore_parallel>], iteration_bounds = array<i64: 2, 16>, scalar_prefetch = 0 : i64, scratch_operands = 4 : i64, tpu.core_type = #tpu.core_type<sc_vector_subcore>, window_params = [{transform_indices = #map}, {transform_indices = #map1}]} {
    %broadcast_in_dim3A = arith.constant 0.000000e+00 : f32
    %broadcast_in_dim3A_0 = vector.broadcast %broadcast_in_dim3A : f32 to vector<16xf32>
    %broadcast_in_dim3A_1 = arith.constant 1.000000e+00 : f32
    %broadcast_in_dim3A_2 = vector.broadcast %broadcast_in_dim3A_1 : f32 to vector<16xf32>
    %swap3A = arith.constant 0 : index
    %swap3A_3 = tpu.vector_load %arg6[%swap3A] {strides = array<i32>} : memref<80xf32, #tpu.memory_space<vmem>>, vector<16xf32>,
    %swap3A_4 = vector.shape_cast %swap3A_3 : vector<16xf32> to vector<16xf32>
    %swap3A_5 = vector.shape_cast %broadcast_in_dim3A_0 : vector<16xf32> to vector<16xf32>
    tpu.vector_store %arg6[%swap3A], %swap3A_5 {strides = array<i32>} : memref<80xf32, #tpu.memory_space<vmem>>, vector<16xf32>,
    %swap3A_6 = arith.constant 16 : index
    %swap3A_7 = tpu.vector_load %arg6[%swap3A_6] {strides = array<i32>} : memref<80xf32, #tpu.memory_space<vmem>>, vector<16xf32>,
    %swap3A_8 = vector.shape_cast %swap3A_7 : vector<16xf32> to vector<16xf32>
    %swap3A_9 = vector.shape_cast %broadcast_in_dim3A_0 : vector<16xf32> to vector<16xf32>
    tpu.vector_store %arg6[%swap3A_6], %swap3A_9 {strides = array<i32>} : memref<80xf32, #tpu.memory_space<vmem>>, vector<16xf32>,
    %swap3A_10 = arith.constant 32 : index
    %swap3A_11 = tpu.vector_load %arg6[%swap3A_10] {strides = array<i32>} : memref<80xf32, #tpu.memory_space<vmem>>, vector<16xf32>,
    %swap3A_12 = vector.shape_cast %swap3A_11 : vector<16xf32> to vector<16xf32>
    %swap3A_13 = vector.shape_cast %broadcast_in_dim3A_0 : vector<16xf32> to vector<16xf32>
    tpu.vector_store %arg6[%swap3A_10], %swap3A_13 {strides = array<i32>} : memref<80xf32, #tpu.memory_space<vmem>>, vector<16xf32>,
    %swap3A_14 = arith.constant 48 : index
    %swap3A_15 = tpu.vector_load %arg6[%swap3A_14] {strides = array<i32>} : memref<80xf32, #tpu.memory_space<vmem>>, vector<16xf32>,
    %swap3A_16 = vector.shape_cast %swap3A_15 : vector<16xf32> to vector<16xf32>
    %swap3A_17 = vector.shape_cast %broadcast_in_dim3A_0 : vector<16xf32> to vector<16xf32>
    tpu.vector_store %arg6[%swap3A_14], %swap3A_17 {strides = array<i32>} : memref<80xf32, #tpu.memory_space<vmem>>, vector<16xf32>,
    %swap3A_18 = arith.constant 64 : index
    %swap3A_19 = tpu.vector_load %arg6[%swap3A_18] {strides = array<i32>} : memref<80xf32, #tpu.memory_space<vmem>>, vector<16xf32>,
    %swap3A_20 = vector.shape_cast %swap3A_19 : vector<16xf32> to vector<16xf32>
    %swap3A_21 = vector.shape_cast %broadcast_in_dim3A_0 : vector<16xf32> to vector<16xf32>
    tpu.vector_store %arg6[%swap3A_18], %swap3A_21 {strides = array<i32>} : memref<80xf32, #tpu.memory_space<vmem>>, vector<16xf32>,
    %swap3A_22 = arith.constant 0 : index
    %swap3A_23 = tpu.vector_load %arg5[%swap3A_22] {strides = array<i32>} : memref<48xf32, #tpu.memory_space<vmem>>, vector<16xf32>,
    %swap3A_24 = vector.shape_cast %swap3A_23 : vector<16xf32> to vector<16xf32>
    %swap3A_25 = vector.shape_cast %broadcast_in_dim3A_2 : vector<16xf32> to vector<16xf32>
    tpu.vector_store %arg5[%swap3A_22], %swap3A_25 {strides = array<i32>} : memref<48xf32, #tpu.memory_space<vmem>>, vector<16xf32>,
    %swap3A_26 = arith.constant 16 : index
    %swap3A_27 = tpu.vector_load %arg5[%swap3A_26] {strides = array<i32>} : memref<48xf32, #tpu.memory_space<vmem>>, vector<16xf32>,
    %swap3A_28 = vector.shape_cast %swap3A_27 : vector<16xf32> to vector<16xf32>
    %swap3A_29 = vector.shape_cast %broadcast_in_dim3A_2 : vector<16xf32> to vector<16xf32>
    tpu.vector_store %arg5[%swap3A_26], %swap3A_29 {strides = array<i32>} : memref<48xf32, #tpu.memory_space<vmem>>, vector<16xf32>,
    %swap3A_30 = arith.constant 32 : index
    %swap3A_31 = tpu.vector_load %arg5[%swap3A_30] {strides = array<i32>} : memref<48xf32, #tpu.memory_space<vmem>>, vector<16xf32>,
    %swap3A_32 = vector.shape_cast %swap3A_31 : vector<16xf32> to vector<16xf32>
    %swap3A_33 = vector.shape_cast %broadcast_in_dim3A_2 : vector<16xf32> to vector<16xf32>
    tpu.vector_store %arg5[%swap3A_30], %swap3A_33 {strides = array<i32>} : memref<48xf32, #tpu.memory_space<vmem>>, vector<16xf32>,
    %scan3A = arith.constant 0 : i32
    %scan3A_34 = arith.constant 0 : i32
    %scan3A_35 = arith.constant 8 : i32
    %scan3A_36 = arith.addi %scan3A_34, %scan3A_35 : i32
    %scan3A_37 = arith.constant 1 : i32
    %scan3A_38 = scf.for %scan3A_56 = %scan3A_34 to %scan3A_36 step %scan3A_37 iter_args(%scan3A_57 = %scan3A) -> (i32)  : i32 {
      %mul3A_58 = arith.constant 16 : i32
      %mul3A_59 = arith.muli %scan3A_56, %mul3A_58 : i32
      %add3A_60 = arith.addi %mul3A_59, %arg1 : i32
      %lt3A = arith.constant 125 : i32
      %lt3A_61 = arith.cmpi slt, %add3A_60, %lt3A : i32
      %convert_element_type3A = arith.extui %lt3A_61 : i1 to i32
      %cond3A = arith.constant 0 : i32
      %cond3A_62 = arith.cmpi ne, %convert_element_type3A, %cond3A : i32
      scf.if %cond3A_62 {
        %mul3A_64 = arith.constant 80 : i32
        %mul3A_65 = arith.muli %add3A_60, %mul3A_64 : i32
        "tpu.region"() ({
          %run_scoped3A = tpu.sem_alloc : memref<!tpu.dma_semaphore, #tpu.memory_space<semaphore_mem>>
          %dma_start3A = tpu.memref_slice %arg7[%mul3A_65] : memref<10000xf32, #tpu.memory_space<vmem_shared>> -> memref<80xf32, #tpu.memory_space<vmem_shared>>
          %dma_start3A_66 = tpu.memref_slice %arg7[%mul3A_65] : memref<10000xf32, #tpu.memory_space<vmem_shared>> -> memref<80xf32, #tpu.memory_space<vmem_shared>>
          tpu.enqueue_dma source(%arg6 : memref<80xf32, #tpu.memory_space<vmem>>) target(%dma_start3A_66 : memref<80xf32, #tpu.memory_space<vmem_shared>>) target_semaphore(%run_scoped3A : memref<!tpu.dma_semaphore, #tpu.memory_space<semaphore_mem>>)
          %dma_wait3A = tpu.memref_slice %arg7[%mul3A_65] : memref<10000xf32, #tpu.memory_space<vmem_shared>> -> memref<80xf32, #tpu.memory_space<vmem_shared>>
          %dma_wait3A_67 = tpu.memref_slice %arg7[%mul3A_65] : memref<10000xf32, #tpu.memory_space<vmem_shared>> -> memref<80xf32, #tpu.memory_space<vmem_shared>>
          tpu.wait_dma2 semaphore(%run_scoped3A : memref<!tpu.dma_semaphore, #tpu.memory_space<semaphore_mem>>) src(%arg6 : memref<80xf32, #tpu.memory_space<vmem>>) dst(%dma_wait3A_67 : memref<80xf32, #tpu.memory_space<vmem_shared>>)
          tpu.yield
        }) : () -> ()
      } else {
      }
      %scan3A_63 = arith.constant 0 : i32
      scf.yield %scan3A_63 : i32
    }
    %scan3A_39 = arith.constant 8 : i32
    %barrier3A = arith.constant 0 : index
    tpu.barrier barrier_id(%barrier3A)
    %mul3A = arith.constant 16 : i32
    %mul3A_40 = arith.muli %arg0, %mul3A : i32
    %add3A = arith.addi %mul3A_40, %arg1 : i32
    "tpu.region"() ({
      %run_scoped3A = tpu.sem_alloc : memref<!tpu.dma_semaphore, #tpu.memory_space<semaphore_mem>>
      %dma_start3A = arith.constant 0 : i32
      %dma_start3A_56 = arith.constant 0 : i32
      %dma_start3A_57 = tpu.memref_slice %arg2[%add3A, %dma_start3A, %dma_start3A_56] : memref<32x125x40xi32, #tpu.memory_space<hbm>> -> memref<1x125x40xi32, #tpu.memory_space<hbm>>
      %dma_start3A_58 = tpu.memref_squeeze %dma_start3A_57 : memref<1x125x40xi32, #tpu.memory_space<hbm>> -> memref<125x40xi32, #tpu.memory_space<hbm>>
      %dma_start3A_59 = arith.constant 0 : i32
      %dma_start3A_60 = arith.constant 0 : i32
      %dma_start3A_61 = tpu.memref_slice %arg2[%add3A, %dma_start3A_59, %dma_start3A_60] : memref<32x125x40xi32, #tpu.memory_space<hbm>> -> memref<1x125x40xi32, #tpu.memory_space<hbm>>
      %dma_start3A_62 = tpu.memref_squeeze %dma_start3A_61 : memref<1x125x40xi32, #tpu.memory_space<hbm>> -> memref<125x40xi32, #tpu.memory_space<hbm>>
      tpu.enqueue_dma source(%dma_start3A_62 : memref<125x40xi32, #tpu.memory_space<hbm>>) target(%arg4 : memref<125x40xi32, #tpu.memory_space<vmem>>) target_semaphore(%run_scoped3A : memref<!tpu.dma_semaphore, #tpu.memory_space<semaphore_mem>>)
      %dma_wait3A = arith.constant 0 : i32
      %dma_wait3A_63 = arith.constant 0 : i32
      %dma_wait3A_64 = tpu.memref_slice %arg2[%add3A, %dma_wait3A, %dma_wait3A_63] : memref<32x125x40xi32, #tpu.memory_space<hbm>> -> memref<1x125x40xi32, #tpu.memory_space<hbm>>
      %dma_wait3A_65 = tpu.memref_squeeze %dma_wait3A_64 : memref<1x125x40xi32, #tpu.memory_space<hbm>> -> memref<125x40xi32, #tpu.memory_space<hbm>>
      %dma_wait3A_66 = arith.constant 0 : i32
      %dma_wait3A_67 = arith.constant 0 : i32
      %dma_wait3A_68 = tpu.memref_slice %arg2[%add3A, %dma_wait3A_66, %dma_wait3A_67] : memref<32x125x40xi32, #tpu.memory_space<hbm>> -> memref<1x125x40xi32, #tpu.memory_space<hbm>>
      %dma_wait3A_69 = tpu.memref_squeeze %dma_wait3A_68 : memref<1x125x40xi32, #tpu.memory_space<hbm>> -> memref<125x40xi32, #tpu.memory_space<hbm>>
      tpu.wait_dma2 semaphore(%run_scoped3A : memref<!tpu.dma_semaphore, #tpu.memory_space<semaphore_mem>>) src(%dma_wait3A_69 : memref<125x40xi32, #tpu.memory_space<hbm>>) dst(%arg4 : memref<125x40xi32, #tpu.memory_space<vmem>>)
      tpu.yield
    }) : () -> ()
    %scan3A_41 = arith.constant 0 : i32
    %scan3A_42 = arith.constant 0 : i32
    %scan3A_43 = arith.constant 125 : i32
    %scan3A_44 = arith.addi %scan3A_42, %scan3A_43 : i32
    %scan3A_45 = arith.constant 1 : i32
    %scan3A_46 = scf.for %scan3A_56 = %scan3A_42 to %scan3A_44 step %scan3A_45 iter_args(%scan3A_57 = %scan3A_41) -> (i32)  : i32 {
      "tpu.region"() ({
        %run_scoped3A = tpu.sem_alloc : memref<!tpu.dma_semaphore, #tpu.memory_space<semaphore_mem>>
        %dma_start3A = arith.constant 0 : i32
        %dma_start3A_59 = tpu.memref_slice %arg5[%dma_start3A] : memref<48xf32, #tpu.memory_space<vmem>> -> memref<40xf32, #tpu.memory_space<vmem>>
        %dma_start3A_60 = arith.constant 0 : i32
        %dma_start3A_61 = tpu.memref_slice %arg4[%scan3A_56, %dma_start3A_60] : memref<125x40xi32, #tpu.memory_space<vmem>> -> memref<1x40xi32, #tpu.memory_space<vmem>>
        %dma_start3A_62 = tpu.memref_squeeze %dma_start3A_61 : memref<1x40xi32, #tpu.memory_space<vmem>> -> memref<40xi32, #tpu.memory_space<vmem>>
        %dma_start3A_63 = arith.constant 0 : i32
        %dma_start3A_64 = tpu.memref_slice %arg7[%dma_start3A_63] : memref<10000xf32, #tpu.memory_space<vmem_shared>> -> memref<10000xf32, #tpu.memory_space<vmem_shared>>
        tpu.enqueue_indirect_dma source(%dma_start3A_59 : memref<40xf32, #tpu.memory_space<vmem>>) target(%dma_start3A_64 : memref<10000xf32, #tpu.memory_space<vmem_shared>>) offsets(%dma_start3A_62 : memref<40xi32, #tpu.memory_space<vmem>>) semaphore(%run_scoped3A : memref<!tpu.dma_semaphore, #tpu.memory_space<semaphore_mem>>) {add = true}
        %dma_wait3A = arith.constant 0 : i32
        %dma_wait3A_65 = tpu.memref_slice %arg5[%dma_wait3A] : memref<48xf32, #tpu.memory_space<vmem>> -> memref<40xf32, #tpu.memory_space<vmem>>
        %dma_wait3A_66 = arith.constant 0 : i32
        %dma_wait3A_67 = tpu.memref_slice %arg4[%scan3A_56, %dma_wait3A_66] : memref<125x40xi32, #tpu.memory_space<vmem>> -> memref<1x40xi32, #tpu.memory_space<vmem>>
        %dma_wait3A_68 = tpu.memref_squeeze %dma_wait3A_67 : memref<1x40xi32, #tpu.memory_space<vmem>> -> memref<40xi32, #tpu.memory_space<vmem>>
        %dma_wait3A_69 = arith.constant 0 : i32
        %dma_wait3A_70 = tpu.memref_slice %arg7[%dma_wait3A_69] : memref<10000xf32, #tpu.memory_space<vmem_shared>> -> memref<10000xf32, #tpu.memory_space<vmem_shared>>
        tpu.wait_indirect_dma semaphore(%run_scoped3A : memref<!tpu.dma_semaphore, #tpu.memory_space<semaphore_mem>>) src(%dma_wait3A_65 : memref<40xf32, #tpu.memory_space<vmem>>) dst(%dma_wait3A_70 : memref<10000xf32, #tpu.memory_space<vmem_shared>>)
        tpu.yield
      }) : () -> ()
      %scan3A_58 = arith.constant 0 : i32
      scf.yield %scan3A_58 : i32
    }
    %scan3A_47 = arith.constant 125 : i32
    %barrier3A_48 = arith.constant 0 : index
    tpu.barrier barrier_id(%barrier3A_48)
    %scan3A_49 = arith.constant 0 : i32
    %scan3A_50 = arith.constant 0 : i32
    %scan3A_51 = arith.constant 8 : i32
    %scan3A_52 = arith.addi %scan3A_50, %scan3A_51 : i32
    %scan3A_53 = arith.constant 1 : i32
    %scan3A_54 = scf.for %scan3A_56 = %scan3A_50 to %scan3A_52 step %scan3A_53 iter_args(%scan3A_57 = %scan3A_49) -> (i32)  : i32 {
      %mul3A_58 = arith.constant 16 : i32
      %mul3A_59 = arith.muli %scan3A_56, %mul3A_58 : i32
      %add3A_60 = arith.addi %mul3A_59, %arg1 : i32
      %lt3A = arith.constant 125 : i32
      %lt3A_61 = arith.cmpi slt, %add3A_60, %lt3A : i32
      %convert_element_type3A = arith.extui %lt3A_61 : i1 to i32
      %cond3A = arith.constant 0 : i32
      %cond3A_62 = arith.cmpi ne, %convert_element_type3A, %cond3A : i32
      scf.if %cond3A_62 {
        %mul3A_64 = arith.constant 80 : i32
        %mul3A_65 = arith.muli %add3A_60, %mul3A_64 : i32
        "tpu.region"() ({
          %run_scoped3A = tpu.sem_alloc : memref<!tpu.dma_semaphore, #tpu.memory_space<semaphore_mem>>
          %dma_start3A = tpu.memref_slice %arg7[%mul3A_65] : memref<10000xf32, #tpu.memory_space<vmem_shared>> -> memref<80xf32, #tpu.memory_space<vmem_shared>>
          %dma_start3A_71 = tpu.memref_slice %arg7[%mul3A_65] : memref<10000xf32, #tpu.memory_space<vmem_shared>> -> memref<80xf32, #tpu.memory_space<vmem_shared>>
          tpu.enqueue_dma source(%dma_start3A_71 : memref<80xf32, #tpu.memory_space<vmem_shared>>) target(%arg6 : memref<80xf32, #tpu.memory_space<vmem>>) target_semaphore(%run_scoped3A : memref<!tpu.dma_semaphore, #tpu.memory_space<semaphore_mem>>)
          %dma_wait3A = tpu.memref_slice %arg7[%mul3A_65] : memref<10000xf32, #tpu.memory_space<vmem_shared>> -> memref<80xf32, #tpu.memory_space<vmem_shared>>
          %dma_wait3A_72 = tpu.memref_slice %arg7[%mul3A_65] : memref<10000xf32, #tpu.memory_space<vmem_shared>> -> memref<80xf32, #tpu.memory_space<vmem_shared>>
          tpu.wait_dma2 semaphore(%run_scoped3A : memref<!tpu.dma_semaphore, #tpu.memory_space<semaphore_mem>>) src(%dma_wait3A_72 : memref<80xf32, #tpu.memory_space<vmem_shared>>) dst(%arg6 : memref<80xf32, #tpu.memory_space<vmem>>)
          tpu.yield
        }) : () -> ()
        %mul3A_66 = arith.constant 10000 : i32
        %mul3A_67 = arith.muli %arg0, %mul3A_66 : i32
        %mul3A_68 = arith.constant 80 : i32
        %mul3A_69 = arith.muli %add3A_60, %mul3A_68 : i32
        %add3A_70 = arith.addi %mul3A_67, %mul3A_69 : i32
        "tpu.region"() ({
          %run_scoped3A = tpu.sem_alloc : memref<!tpu.dma_semaphore, #tpu.memory_space<semaphore_mem>>
          %dma_start3A = tpu.memref_slice %arg3[%add3A_70] : memref<20000xf32, #tpu.memory_space<hbm>> -> memref<80xf32, #tpu.memory_space<hbm>>
          %dma_start3A_71 = tpu.memref_slice %arg3[%add3A_70] : memref<20000xf32, #tpu.memory_space<hbm>> -> memref<80xf32, #tpu.memory_space<hbm>>
          tpu.enqueue_dma source(%arg6 : memref<80xf32, #tpu.memory_space<vmem>>) target(%dma_start3A_71 : memref<80xf32, #tpu.memory_space<hbm>>) target_semaphore(%run_scoped3A : memref<!tpu.dma_semaphore, #tpu.memory_space<semaphore_mem>>)
          %dma_wait3A = tpu.memref_slice %arg3[%add3A_70] : memref<20000xf32, #tpu.memory_space<hbm>> -> memref<80xf32, #tpu.memory_space<hbm>>
          %dma_wait3A_72 = tpu.memref_slice %arg3[%add3A_70] : memref<20000xf32, #tpu.memory_space<hbm>> -> memref<80xf32, #tpu.memory_space<hbm>>
          tpu.wait_dma2 semaphore(%run_scoped3A : memref<!tpu.dma_semaphore, #tpu.memory_space<semaphore_mem>>) src(%arg6 : memref<80xf32, #tpu.memory_space<vmem>>) dst(%dma_wait3A_72 : memref<80xf32, #tpu.memory_space<hbm>>)
          tpu.yield
        }) : () -> ()
      } else {
      }
      %scan3A_63 = arith.constant 0 : i32
      scf.yield %scan3A_63 : i32
    }
    %scan3A_55 = arith.constant 8 : i32
    return
  }
}

#map = affine_map<(d0, d1) -> (0, 0)>
#map1 = affine_map<(d0, d1) -> (0)>
#map2 = affine_map<(d0, d1) -> (0, 0, 0)>
module attributes {stable_mosaic.version = 14 : i64} {
  func.func @_spmm_body(%arg0: i32, %arg1: i32, %arg2: memref<10000x128xf32, #tpu.memory_space<hbm>>, %arg3: memref<160000xi32, #tpu.memory_space<hbm>>, %arg4: memref<32x125x40xi32, #tpu.memory_space<hbm>>, %arg5: memref<2x10000x128xf32, #tpu.memory_space<hbm>>, %arg6: memref<5000xi32, #tpu.memory_space<vmem>>, %arg7: memref<125x40xi32, #tpu.memory_space<vmem>>, %arg8: memref<40x128xf32, #tpu.memory_space<vmem>>, %arg9: memref<40x128xf32, #tpu.memory_space<vmem>>, %arg10: memref<40x128xf32, #tpu.memory_space<vmem>>, %arg11: memref<40x128xf32, #tpu.memory_space<vmem>>, %arg12: memref<40x128xf32, #tpu.memory_space<vmem>>, %arg13: memref<!tpu.dma_semaphore, #tpu.memory_space<semaphore_mem>>, %arg14: memref<!tpu.dma_semaphore, #tpu.memory_space<semaphore_mem>>, %arg15: memref<!tpu.dma_semaphore, #tpu.memory_space<semaphore_mem>>, %arg16: memref<!tpu.dma_semaphore, #tpu.memory_space<semaphore_mem>>, %arg17: memref<!tpu.dma_semaphore, #tpu.memory_space<semaphore_mem>>, %arg18: memref<10000x128xf32, #tpu.memory_space<vmem_shared>>) attributes {dimension_semantics = [#tpu.dimension_semantics<core_parallel>, #tpu.dimension_semantics<subcore_parallel>], iteration_bounds = array<i64: 2, 16>, scalar_prefetch = 0 : i64, scratch_operands = 13 : i64, tpu.core_type = #tpu.core_type<sc_vector_subcore>, window_params = [{transform_indices = #map}, {transform_indices = #map1}, {transform_indices = #map2}, {transform_indices = #map2}]} {
    %broadcast_in_dim3A = arith.constant 0.000000e+00 : f32
    %broadcast_in_dim3A_0 = vector.broadcast %broadcast_in_dim3A : f32 to vector<16xf32>
    %scan3A = arith.constant 0 : i32
    %scan3A_1 = arith.constant 0 : i32
    %scan3A_2 = arith.constant 320 : i32
    %scan3A_3 = arith.addi %scan3A_1, %scan3A_2 : i32
    %scan3A_4 = arith.constant 1 : i32
    %scan3A_5 = scf.for %scan3A_56 = %scan3A_1 to %scan3A_3 step %scan3A_4 iter_args(%scan3A_57 = %scan3A) -> (i32)  : i32 {
      %jit3A = arith.constant 8 : i32
      %div3A = arith.divsi %scan3A_56, %jit3A : i32
      %sign3A = arith.constant 0 : i32
      %sign3A_58 = arith.cmpi sgt, %scan3A_56, %sign3A : i32
      %sign3A_59 = arith.extui %sign3A_58 : i1 to i32
      %sign3A_60 = arith.constant 0 : i32
      %sign3A_61 = arith.cmpi slt, %scan3A_56, %sign3A_60 : i32
      %sign3A_62 = arith.extui %sign3A_61 : i1 to i32
      %sign3A_63 = arith.subi %sign3A_59, %sign3A_62 : i32
      %sign3A_64 = arith.constant 0 : i32
      %sign3A_65 = arith.cmpi sgt, %jit3A, %sign3A_64 : i32
      %sign3A_66 = arith.extui %sign3A_65 : i1 to i32
      %sign3A_67 = arith.constant 0 : i32
      %sign3A_68 = arith.cmpi slt, %jit3A, %sign3A_67 : i32
      %sign3A_69 = arith.extui %sign3A_68 : i1 to i32
      %sign3A_70 = arith.subi %sign3A_66, %sign3A_69 : i32
      %ne3A = arith.cmpi ne, %sign3A_63, %sign3A_70 : i32
      %rem3A = arith.remsi %scan3A_56, %jit3A : i32
      %ne3A_71 = arith.constant 0 : i32
      %ne3A_72 = arith.cmpi ne, %rem3A, %ne3A_71 : i32
      %and3A = arith.andi %ne3A, %ne3A_72 : i1
      %sub3A = arith.constant 1 : i32
      %sub3A_73 = arith.subi %div3A, %sub3A : i32
      %select_n3A = arith.select %and3A, %sub3A_73, %div3A : i32
      %jit3A_74 = arith.constant 8 : i32
      %eq3A = arith.constant 0 : i32
      %eq3A_75 = arith.cmpi eq, %jit3A_74, %eq3A : i32
      %jit3A_76 = arith.constant 1 : i32
      %select_n3A_77 = arith.select %eq3A_75, %jit3A_76, %jit3A_74 : i32
      %rem3A_78 = arith.remsi %scan3A_56, %select_n3A_77 : i32
      %ne3A_79 = arith.constant 0 : i32
      %ne3A_80 = arith.cmpi ne, %rem3A_78, %ne3A_79 : i32
      %lt3A = arith.constant 0 : i32
      %lt3A_81 = arith.cmpi slt, %rem3A_78, %lt3A : i32
      %lt3A_82 = arith.constant 0 : i32
      %lt3A_83 = arith.cmpi slt, %select_n3A_77, %lt3A_82 : i32
      %ne3A_84 = arith.xori %lt3A_81, %lt3A_83 : i1
      %and3A_85 = arith.andi %ne3A_84, %ne3A_80 : i1
      %add3A_86 = arith.addi %rem3A_78, %select_n3A_77 : i32
      %select_n3A_87 = arith.select %and3A_85, %add3A_86, %rem3A_78 : i32
      %mul3A_88 = arith.constant 16 : i32
      %mul3A_89 = arith.muli %select_n3A_87, %mul3A_88 : i32
      %swap3A = arith.index_cast %select_n3A : i32 to index
      %swap3A_90 = arith.index_cast %mul3A_89 : i32 to index
      %swap3A_91 = tpu.vector_load %arg8[%swap3A, %swap3A_90] {strides = array<i32>} : memref<40x128xf32, #tpu.memory_space<vmem>>, vector<1x16xf32>,
      %swap3A_92 = vector.shape_cast %swap3A_91 : vector<1x16xf32> to vector<16xf32>
      %swap3A_93 = vector.shape_cast %broadcast_in_dim3A_0 : vector<16xf32> to vector<1x16xf32>
      tpu.vector_store %arg8[%swap3A, %swap3A_90], %swap3A_93 {strides = array<i32>} : memref<40x128xf32, #tpu.memory_space<vmem>>, vector<1x16xf32>,
      %scan3A_94 = arith.constant 0 : i32
      scf.yield %scan3A_94 : i32
    }
    %scan3A_6 = arith.constant 320 : i32
    %scan3A_7 = arith.constant 0 : i32
    %scan3A_8 = arith.constant 0 : i32
    %scan3A_9 = arith.constant 16 : i32
    %scan3A_10 = arith.addi %scan3A_8, %scan3A_9 : i32
    %scan3A_11 = arith.constant 1 : i32
    %scan3A_12 = scf.for %scan3A_56 = %scan3A_8 to %scan3A_10 step %scan3A_11 iter_args(%scan3A_57 = %scan3A_7) -> (i32)  : i32 {
      %mul3A_58 = arith.constant 16 : i32
      %mul3A_59 = arith.muli %scan3A_56, %mul3A_58 : i32
      %add3A_60 = arith.addi %mul3A_59, %arg1 : i32
      %lt3A = arith.constant 250 : i32
      %lt3A_61 = arith.cmpi slt, %add3A_60, %lt3A : i32
      %convert_element_type3A = arith.extui %lt3A_61 : i1 to i32
      %cond3A = arith.constant 0 : i32
      %cond3A_62 = arith.cmpi ne, %convert_element_type3A, %cond3A : i32
      scf.if %cond3A_62 {
        %mul3A_64 = arith.constant 40 : i32
        %mul3A_65 = arith.muli %add3A_60, %mul3A_64 : i32
        "tpu.region"() ({
          %run_scoped3A = tpu.sem_alloc : memref<!tpu.dma_semaphore, #tpu.memory_space<semaphore_mem>>
          %dma_start3A_66 = arith.constant 0 : i32
          %dma_start3A_67 = tpu.memref_slice %arg18[%mul3A_65, %dma_start3A_66] : memref<10000x128xf32, #tpu.memory_space<vmem_shared>> -> memref<40x128xf32, #tpu.memory_space<vmem_shared>>
          %dma_start3A_68 = arith.constant 0 : i32
          %dma_start3A_69 = tpu.memref_slice %arg18[%mul3A_65, %dma_start3A_68] : memref<10000x128xf32, #tpu.memory_space<vmem_shared>> -> memref<40x128xf32, #tpu.memory_space<vmem_shared>>
          tpu.enqueue_dma source(%arg8 : memref<40x128xf32, #tpu.memory_space<vmem>>) target(%dma_start3A_69 : memref<40x128xf32, #tpu.memory_space<vmem_shared>>) target_semaphore(%run_scoped3A : memref<!tpu.dma_semaphore, #tpu.memory_space<semaphore_mem>>)
          %dma_wait3A = arith.constant 0 : i32
          %dma_wait3A_70 = tpu.memref_slice %arg18[%mul3A_65, %dma_wait3A] : memref<10000x128xf32, #tpu.memory_space<vmem_shared>> -> memref<40x128xf32, #tpu.memory_space<vmem_shared>>
          %dma_wait3A_71 = arith.constant 0 : i32
          %dma_wait3A_72 = tpu.memref_slice %arg18[%mul3A_65, %dma_wait3A_71] : memref<10000x128xf32, #tpu.memory_space<vmem_shared>> -> memref<40x128xf32, #tpu.memory_space<vmem_shared>>
          tpu.wait_dma2 semaphore(%run_scoped3A : memref<!tpu.dma_semaphore, #tpu.memory_space<semaphore_mem>>) src(%arg8 : memref<40x128xf32, #tpu.memory_space<vmem>>) dst(%dma_wait3A_72 : memref<40x128xf32, #tpu.memory_space<vmem_shared>>)
          tpu.yield
        }) : () -> ()
      } else {
      }
      %scan3A_63 = arith.constant 0 : i32
      scf.yield %scan3A_63 : i32
    }
    %scan3A_13 = arith.constant 16 : i32
    %barrier3A = arith.constant 0 : index
    tpu.barrier barrier_id(%barrier3A)
    %mul3A = arith.constant 16 : i32
    %mul3A_14 = arith.muli %arg0, %mul3A : i32
    %add3A = arith.addi %mul3A_14, %arg1 : i32
    %mul3A_15 = arith.constant 5000 : i32
    %mul3A_16 = arith.muli %add3A, %mul3A_15 : i32
    "tpu.region"() ({
      %run_scoped3A = tpu.sem_alloc : memref<!tpu.dma_semaphore, #tpu.memory_space<semaphore_mem>>
      %dma_start3A_56 = tpu.memref_slice %arg3[%mul3A_16] : memref<160000xi32, #tpu.memory_space<hbm>> -> memref<5000xi32, #tpu.memory_space<hbm>>
      %dma_start3A_57 = tpu.memref_slice %arg3[%mul3A_16] : memref<160000xi32, #tpu.memory_space<hbm>> -> memref<5000xi32, #tpu.memory_space<hbm>>
      tpu.enqueue_dma source(%dma_start3A_57 : memref<5000xi32, #tpu.memory_space<hbm>>) target(%arg6 : memref<5000xi32, #tpu.memory_space<vmem>>) target_semaphore(%run_scoped3A : memref<!tpu.dma_semaphore, #tpu.memory_space<semaphore_mem>>)
      %dma_wait3A = tpu.memref_slice %arg3[%mul3A_16] : memref<160000xi32, #tpu.memory_space<hbm>> -> memref<5000xi32, #tpu.memory_space<hbm>>
      %dma_wait3A_58 = tpu.memref_slice %arg3[%mul3A_16] : memref<160000xi32, #tpu.memory_space<hbm>> -> memref<5000xi32, #tpu.memory_space<hbm>>
      tpu.wait_dma2 semaphore(%run_scoped3A : memref<!tpu.dma_semaphore, #tpu.memory_space<semaphore_mem>>) src(%dma_wait3A_58 : memref<5000xi32, #tpu.memory_space<hbm>>) dst(%arg6 : memref<5000xi32, #tpu.memory_space<vmem>>)
      tpu.yield
    }) : () -> ()
    "tpu.region"() ({
      %run_scoped3A = tpu.sem_alloc : memref<!tpu.dma_semaphore, #tpu.memory_space<semaphore_mem>>
      %dma_start3A_56 = arith.constant 0 : i32
      %dma_start3A_57 = arith.constant 0 : i32
      %dma_start3A_58 = tpu.memref_slice %arg4[%add3A, %dma_start3A_56, %dma_start3A_57] : memref<32x125x40xi32, #tpu.memory_space<hbm>> -> memref<1x125x40xi32, #tpu.memory_space<hbm>>
      %dma_start3A_59 = tpu.memref_squeeze %dma_start3A_58 : memref<1x125x40xi32, #tpu.memory_space<hbm>> -> memref<125x40xi32, #tpu.memory_space<hbm>>
      %dma_start3A_60 = arith.constant 0 : i32
      %dma_start3A_61 = arith.constant 0 : i32
      %dma_start3A_62 = tpu.memref_slice %arg4[%add3A, %dma_start3A_60, %dma_start3A_61] : memref<32x125x40xi32, #tpu.memory_space<hbm>> -> memref<1x125x40xi32, #tpu.memory_space<hbm>>
      %dma_start3A_63 = tpu.memref_squeeze %dma_start3A_62 : memref<1x125x40xi32, #tpu.memory_space<hbm>> -> memref<125x40xi32, #tpu.memory_space<hbm>>
      tpu.enqueue_dma source(%dma_start3A_63 : memref<125x40xi32, #tpu.memory_space<hbm>>) target(%arg7 : memref<125x40xi32, #tpu.memory_space<vmem>>) target_semaphore(%run_scoped3A : memref<!tpu.dma_semaphore, #tpu.memory_space<semaphore_mem>>)
      %dma_wait3A = arith.constant 0 : i32
      %dma_wait3A_64 = arith.constant 0 : i32
      %dma_wait3A_65 = tpu.memref_slice %arg4[%add3A, %dma_wait3A, %dma_wait3A_64] : memref<32x125x40xi32, #tpu.memory_space<hbm>> -> memref<1x125x40xi32, #tpu.memory_space<hbm>>
      %dma_wait3A_66 = tpu.memref_squeeze %dma_wait3A_65 : memref<1x125x40xi32, #tpu.memory_space<hbm>> -> memref<125x40xi32, #tpu.memory_space<hbm>>
      %dma_wait3A_67 = arith.constant 0 : i32
      %dma_wait3A_68 = arith.constant 0 : i32
      %dma_wait3A_69 = tpu.memref_slice %arg4[%add3A, %dma_wait3A_67, %dma_wait3A_68] : memref<32x125x40xi32, #tpu.memory_space<hbm>> -> memref<1x125x40xi32, #tpu.memory_space<hbm>>
      %dma_wait3A_70 = tpu.memref_squeeze %dma_wait3A_69 : memref<1x125x40xi32, #tpu.memory_space<hbm>> -> memref<125x40xi32, #tpu.memory_space<hbm>>
      tpu.wait_dma2 semaphore(%run_scoped3A : memref<!tpu.dma_semaphore, #tpu.memory_space<semaphore_mem>>) src(%dma_wait3A_70 : memref<125x40xi32, #tpu.memory_space<hbm>>) dst(%arg7 : memref<125x40xi32, #tpu.memory_space<vmem>>)
      tpu.yield
    }) : () -> ()
    %dma_start3A = arith.constant 0 : i32
    %dma_start3A_17 = tpu.memref_slice %arg6[%dma_start3A] : memref<5000xi32, #tpu.memory_space<vmem>> -> memref<40xi32, #tpu.memory_space<vmem>>
    %dma_start3A_18 = arith.constant 0 : i32
    %dma_start3A_19 = arith.constant 0 : i32
    %dma_start3A_20 = tpu.memref_slice %arg2[%dma_start3A_18, %dma_start3A_19] : memref<10000x128xf32, #tpu.memory_space<hbm>> -> memref<10000x128xf32, #tpu.memory_space<hbm>>
    tpu.enqueue_indirect_dma source(%dma_start3A_20 : memref<10000x128xf32, #tpu.memory_space<hbm>>) target(%arg8 : memref<40x128xf32, #tpu.memory_space<vmem>>) offsets(%dma_start3A_17 : memref<40xi32, #tpu.memory_space<vmem>>) semaphore(%arg13 : memref<!tpu.dma_semaphore, #tpu.memory_space<semaphore_mem>>)
    %dma_start3A_21 = arith.constant 40 : i32
    %dma_start3A_22 = tpu.memref_slice %arg6[%dma_start3A_21] : memref<5000xi32, #tpu.memory_space<vmem>> -> memref<40xi32, #tpu.memory_space<vmem>>
    %dma_start3A_23 = arith.constant 0 : i32
    %dma_start3A_24 = arith.constant 0 : i32
    %dma_start3A_25 = tpu.memref_slice %arg2[%dma_start3A_23, %dma_start3A_24] : memref<10000x128xf32, #tpu.memory_space<hbm>> -> memref<10000x128xf32, #tpu.memory_space<hbm>>
    tpu.enqueue_indirect_dma source(%dma_start3A_25 : memref<10000x128xf32, #tpu.memory_space<hbm>>) target(%arg9 : memref<40x128xf32, #tpu.memory_space<vmem>>) offsets(%dma_start3A_22 : memref<40xi32, #tpu.memory_space<vmem>>) semaphore(%arg14 : memref<!tpu.dma_semaphore, #tpu.memory_space<semaphore_mem>>)
    %dma_start3A_26 = arith.constant 80 : i32
    %dma_start3A_27 = tpu.memref_slice %arg6[%dma_start3A_26] : memref<5000xi32, #tpu.memory_space<vmem>> -> memref<40xi32, #tpu.memory_space<vmem>>
    %dma_start3A_28 = arith.constant 0 : i32
    %dma_start3A_29 = arith.constant 0 : i32
    %dma_start3A_30 = tpu.memref_slice %arg2[%dma_start3A_28, %dma_start3A_29] : memref<10000x128xf32, #tpu.memory_space<hbm>> -> memref<10000x128xf32, #tpu.memory_space<hbm>>
    tpu.enqueue_indirect_dma source(%dma_start3A_30 : memref<10000x128xf32, #tpu.memory_space<hbm>>) target(%arg10 : memref<40x128xf32, #tpu.memory_space<vmem>>) offsets(%dma_start3A_27 : memref<40xi32, #tpu.memory_space<vmem>>) semaphore(%arg15 : memref<!tpu.dma_semaphore, #tpu.memory_space<semaphore_mem>>)
    %dma_start3A_31 = arith.constant 120 : i32
    %dma_start3A_32 = tpu.memref_slice %arg6[%dma_start3A_31] : memref<5000xi32, #tpu.memory_space<vmem>> -> memref<40xi32, #tpu.memory_space<vmem>>
    %dma_start3A_33 = arith.constant 0 : i32
    %dma_start3A_34 = arith.constant 0 : i32
    %dma_start3A_35 = tpu.memref_slice %arg2[%dma_start3A_33, %dma_start3A_34] : memref<10000x128xf32, #tpu.memory_space<hbm>> -> memref<10000x128xf32, #tpu.memory_space<hbm>>
    tpu.enqueue_indirect_dma source(%dma_start3A_35 : memref<10000x128xf32, #tpu.memory_space<hbm>>) target(%arg11 : memref<40x128xf32, #tpu.memory_space<vmem>>) offsets(%dma_start3A_32 : memref<40xi32, #tpu.memory_space<vmem>>) semaphore(%arg16 : memref<!tpu.dma_semaphore, #tpu.memory_space<semaphore_mem>>)
    %dma_start3A_36 = arith.constant 160 : i32
    %dma_start3A_37 = tpu.memref_slice %arg6[%dma_start3A_36] : memref<5000xi32, #tpu.memory_space<vmem>> -> memref<40xi32, #tpu.memory_space<vmem>>
    %dma_start3A_38 = arith.constant 0 : i32
    %dma_start3A_39 = arith.constant 0 : i32
    %dma_start3A_40 = tpu.memref_slice %arg2[%dma_start3A_38, %dma_start3A_39] : memref<10000x128xf32, #tpu.memory_space<hbm>> -> memref<10000x128xf32, #tpu.memory_space<hbm>>
    tpu.enqueue_indirect_dma source(%dma_start3A_40 : memref<10000x128xf32, #tpu.memory_space<hbm>>) target(%arg12 : memref<40x128xf32, #tpu.memory_space<vmem>>) offsets(%dma_start3A_37 : memref<40xi32, #tpu.memory_space<vmem>>) semaphore(%arg17 : memref<!tpu.dma_semaphore, #tpu.memory_space<semaphore_mem>>)
    %scan3A_41 = arith.constant 0 : i32
    %scan3A_42 = arith.constant 0 : i32
    %scan3A_43 = arith.constant 25 : i32
    %scan3A_44 = arith.addi %scan3A_42, %scan3A_43 : i32
    %scan3A_45 = arith.constant 1 : i32
    %scan3A_46 = scf.for %scan3A_56 = %scan3A_42 to %scan3A_44 step %scan3A_45 iter_args(%scan3A_57 = %scan3A_41) -> (i32)  : i32 {
      %mul3A_58 = arith.constant 5 : i32
      %mul3A_59 = arith.muli %scan3A_56, %mul3A_58 : i32
      %add3A_60 = arith.constant 0 : i32
      %add3A_61 = arith.addi %mul3A_59, %add3A_60 : i32
      %mul3A_62 = arith.constant 40 : i32
      %mul3A_63 = arith.muli %add3A_61, %mul3A_62 : i32
      %dma_wait3A = tpu.memref_slice %arg6[%mul3A_63] : memref<5000xi32, #tpu.memory_space<vmem>> -> memref<40xi32, #tpu.memory_space<vmem>>
      %dma_wait3A_64 = arith.constant 0 : i32
      %dma_wait3A_65 = arith.constant 0 : i32
      %dma_wait3A_66 = tpu.memref_slice %arg2[%dma_wait3A_64, %dma_wait3A_65] : memref<10000x128xf32, #tpu.memory_space<hbm>> -> memref<10000x128xf32, #tpu.memory_space<hbm>>
      tpu.wait_indirect_dma semaphore(%arg13 : memref<!tpu.dma_semaphore, #tpu.memory_space<semaphore_mem>>) src(%dma_wait3A_66 : memref<10000x128xf32, #tpu.memory_space<hbm>>) dst(%arg8 : memref<40x128xf32, #tpu.memory_space<vmem>>)
      "tpu.region"() ({
        %run_scoped3A = tpu.sem_alloc : memref<!tpu.dma_semaphore, #tpu.memory_space<semaphore_mem>>
        %dma_start3A_132 = arith.constant 0 : i32
        %dma_start3A_133 = tpu.memref_slice %arg7[%add3A_61, %dma_start3A_132] : memref<125x40xi32, #tpu.memory_space<vmem>> -> memref<1x40xi32, #tpu.memory_space<vmem>>
        %dma_start3A_134 = tpu.memref_squeeze %dma_start3A_133 : memref<1x40xi32, #tpu.memory_space<vmem>> -> memref<40xi32, #tpu.memory_space<vmem>>
        %dma_start3A_135 = arith.constant 0 : i32
        %dma_start3A_136 = arith.constant 0 : i32
        %dma_start3A_137 = tpu.memref_slice %arg18[%dma_start3A_135, %dma_start3A_136] : memref<10000x128xf32, #tpu.memory_space<vmem_shared>> -> memref<10000x128xf32, #tpu.memory_space<vmem_shared>>
        tpu.enqueue_indirect_dma source(%arg8 : memref<40x128xf32, #tpu.memory_space<vmem>>) target(%dma_start3A_137 : memref<10000x128xf32, #tpu.memory_space<vmem_shared>>) offsets(%dma_start3A_134 : memref<40xi32, #tpu.memory_space<vmem>>) semaphore(%run_scoped3A : memref<!tpu.dma_semaphore, #tpu.memory_space<semaphore_mem>>) {add = true}
        %dma_wait3A_138 = arith.constant 0 : i32
        %dma_wait3A_139 = tpu.memref_slice %arg7[%add3A_61, %dma_wait3A_138] : memref<125x40xi32, #tpu.memory_space<vmem>> -> memref<1x40xi32, #tpu.memory_space<vmem>>
        %dma_wait3A_140 = tpu.memref_squeeze %dma_wait3A_139 : memref<1x40xi32, #tpu.memory_space<vmem>> -> memref<40xi32, #tpu.memory_space<vmem>>
        %dma_wait3A_141 = arith.constant 0 : i32
        %dma_wait3A_142 = arith.constant 0 : i32
        %dma_wait3A_143 = tpu.memref_slice %arg18[%dma_wait3A_141, %dma_wait3A_142] : memref<10000x128xf32, #tpu.memory_space<vmem_shared>> -> memref<10000x128xf32, #tpu.memory_space<vmem_shared>>
        tpu.wait_indirect_dma semaphore(%run_scoped3A : memref<!tpu.dma_semaphore, #tpu.memory_space<semaphore_mem>>) src(%arg8 : memref<40x128xf32, #tpu.memory_space<vmem>>) dst(%dma_wait3A_143 : memref<10000x128xf32, #tpu.memory_space<vmem_shared>>)
        tpu.yield
      }) : () -> ()
      %add3A_67 = arith.constant 5 : i32
      %add3A_68 = arith.addi %add3A_61, %add3A_67 : i32
      %lt3A = arith.constant 125 : i32
      %lt3A_69 = arith.cmpi slt, %add3A_68, %lt3A : i32
      %convert_element_type3A = arith.extui %lt3A_69 : i1 to i32
      %cond3A = arith.constant 0 : i32
      %cond3A_70 = arith.cmpi ne, %convert_element_type3A, %cond3A : i32
      scf.if %cond3A_70 {
        %add3A_132 = arith.constant 5 : i32
        %add3A_133 = arith.addi %add3A_61, %add3A_132 : i32
        %mul3A_134 = arith.constant 40 : i32
        %mul3A_135 = arith.muli %add3A_133, %mul3A_134 : i32
        %dma_start3A_136 = tpu.memref_slice %arg6[%mul3A_135] : memref<5000xi32, #tpu.memory_space<vmem>> -> memref<40xi32, #tpu.memory_space<vmem>>
        %dma_start3A_137 = arith.constant 0 : i32
        %dma_start3A_138 = arith.constant 0 : i32
        %dma_start3A_139 = tpu.memref_slice %arg2[%dma_start3A_137, %dma_start3A_138] : memref<10000x128xf32, #tpu.memory_space<hbm>> -> memref<10000x128xf32, #tpu.memory_space<hbm>>
        tpu.enqueue_indirect_dma source(%dma_start3A_139 : memref<10000x128xf32, #tpu.memory_space<hbm>>) target(%arg8 : memref<40x128xf32, #tpu.memory_space<vmem>>) offsets(%dma_start3A_136 : memref<40xi32, #tpu.memory_space<vmem>>) semaphore(%arg13 : memref<!tpu.dma_semaphore, #tpu.memory_space<semaphore_mem>>)
      } else {
      }
      %add3A_71 = arith.constant 1 : i32
      %add3A_72 = arith.addi %mul3A_59, %add3A_71 : i32
      %mul3A_73 = arith.constant 40 : i32
      %mul3A_74 = arith.muli %add3A_72, %mul3A_73 : i32
      %dma_wait3A_75 = tpu.memref_slice %arg6[%mul3A_74] : memref<5000xi32, #tpu.memory_space<vmem>> -> memref<40xi32, #tpu.memory_space<vmem>>
      %dma_wait3A_76 = arith.constant 0 : i32
      %dma_wait3A_77 = arith.constant 0 : i32
      %dma_wait3A_78 = tpu.memref_slice %arg2[%dma_wait3A_76, %dma_wait3A_77] : memref<10000x128xf32, #tpu.memory_space<hbm>> -> memref<10000x128xf32, #tpu.memory_space<hbm>>
      tpu.wait_indirect_dma semaphore(%arg14 : memref<!tpu.dma_semaphore, #tpu.memory_space<semaphore_mem>>) src(%dma_wait3A_78 : memref<10000x128xf32, #tpu.memory_space<hbm>>) dst(%arg9 : memref<40x128xf32, #tpu.memory_space<vmem>>)
      "tpu.region"() ({
        %run_scoped3A = tpu.sem_alloc : memref<!tpu.dma_semaphore, #tpu.memory_space<semaphore_mem>>
        %dma_start3A_132 = arith.constant 0 : i32
        %dma_start3A_133 = tpu.memref_slice %arg7[%add3A_72, %dma_start3A_132] : memref<125x40xi32, #tpu.memory_space<vmem>> -> memref<1x40xi32, #tpu.memory_space<vmem>>
        %dma_start3A_134 = tpu.memref_squeeze %dma_start3A_133 : memref<1x40xi32, #tpu.memory_space<vmem>> -> memref<40xi32, #tpu.memory_space<vmem>>
        %dma_start3A_135 = arith.constant 0 : i32
        %dma_start3A_136 = arith.constant 0 : i32
        %dma_start3A_137 = tpu.memref_slice %arg18[%dma_start3A_135, %dma_start3A_136] : memref<10000x128xf32, #tpu.memory_space<vmem_shared>> -> memref<10000x128xf32, #tpu.memory_space<vmem_shared>>
        tpu.enqueue_indirect_dma source(%arg9 : memref<40x128xf32, #tpu.memory_space<vmem>>) target(%dma_start3A_137 : memref<10000x128xf32, #tpu.memory_space<vmem_shared>>) offsets(%dma_start3A_134 : memref<40xi32, #tpu.memory_space<vmem>>) semaphore(%run_scoped3A : memref<!tpu.dma_semaphore, #tpu.memory_space<semaphore_mem>>) {add = true}
        %dma_wait3A_138 = arith.constant 0 : i32
        %dma_wait3A_139 = tpu.memref_slice %arg7[%add3A_72, %dma_wait3A_138] : memref<125x40xi32, #tpu.memory_space<vmem>> -> memref<1x40xi32, #tpu.memory_space<vmem>>
        %dma_wait3A_140 = tpu.memref_squeeze %dma_wait3A_139 : memref<1x40xi32, #tpu.memory_space<vmem>> -> memref<40xi32, #tpu.memory_space<vmem>>
        %dma_wait3A_141 = arith.constant 0 : i32
        %dma_wait3A_142 = arith.constant 0 : i32
        %dma_wait3A_143 = tpu.memref_slice %arg18[%dma_wait3A_141, %dma_wait3A_142] : memref<10000x128xf32, #tpu.memory_space<vmem_shared>> -> memref<10000x128xf32, #tpu.memory_space<vmem_shared>>
        tpu.wait_indirect_dma semaphore(%run_scoped3A : memref<!tpu.dma_semaphore, #tpu.memory_space<semaphore_mem>>) src(%arg9 : memref<40x128xf32, #tpu.memory_space<vmem>>) dst(%dma_wait3A_143 : memref<10000x128xf32, #tpu.memory_space<vmem_shared>>)
        tpu.yield
      }) : () -> ()
      %add3A_79 = arith.constant 5 : i32
      %add3A_80 = arith.addi %add3A_72, %add3A_79 : i32
      %lt3A_81 = arith.constant 125 : i32
      %lt3A_82 = arith.cmpi slt, %add3A_80, %lt3A_81 : i32
      %convert_element_type3A_83 = arith.extui %lt3A_82 : i1 to i32
      %cond3A_84 = arith.constant 0 : i32
      %cond3A_85 = arith.cmpi ne, %convert_element_type3A_83, %cond3A_84 : i32
      scf.if %cond3A_85 {
        %add3A_132 = arith.constant 5 : i32
        %add3A_133 = arith.addi %add3A_72, %add3A_132 : i32
        %mul3A_134 = arith.constant 40 : i32
        %mul3A_135 = arith.muli %add3A_133, %mul3A_134 : i32
        %dma_start3A_136 = tpu.memref_slice %arg6[%mul3A_135] : memref<5000xi32, #tpu.memory_space<vmem>> -> memref<40xi32, #tpu.memory_space<vmem>>
        %dma_start3A_137 = arith.constant 0 : i32
        %dma_start3A_138 = arith.constant 0 : i32
        %dma_start3A_139 = tpu.memref_slice %arg2[%dma_start3A_137, %dma_start3A_138] : memref<10000x128xf32, #tpu.memory_space<hbm>> -> memref<10000x128xf32, #tpu.memory_space<hbm>>
        tpu.enqueue_indirect_dma source(%dma_start3A_139 : memref<10000x128xf32, #tpu.memory_space<hbm>>) target(%arg9 : memref<40x128xf32, #tpu.memory_space<vmem>>) offsets(%dma_start3A_136 : memref<40xi32, #tpu.memory_space<vmem>>) semaphore(%arg14 : memref<!tpu.dma_semaphore, #tpu.memory_space<semaphore_mem>>)
      } else {
      }
      %add3A_86 = arith.constant 2 : i32
      %add3A_87 = arith.addi %mul3A_59, %add3A_86 : i32
      %mul3A_88 = arith.constant 40 : i32
      %mul3A_89 = arith.muli %add3A_87, %mul3A_88 : i32
      %dma_wait3A_90 = tpu.memref_slice %arg6[%mul3A_89] : memref<5000xi32, #tpu.memory_space<vmem>> -> memref<40xi32, #tpu.memory_space<vmem>>
      %dma_wait3A_91 = arith.constant 0 : i32
      %dma_wait3A_92 = arith.constant 0 : i32
      %dma_wait3A_93 = tpu.memref_slice %arg2[%dma_wait3A_91, %dma_wait3A_92] : memref<10000x128xf32, #tpu.memory_space<hbm>> -> memref<10000x128xf32, #tpu.memory_space<hbm>>
      tpu.wait_indirect_dma semaphore(%arg15 : memref<!tpu.dma_semaphore, #tpu.memory_space<semaphore_mem>>) src(%dma_wait3A_93 : memref<10000x128xf32, #tpu.memory_space<hbm>>) dst(%arg10 : memref<40x128xf32, #tpu.memory_space<vmem>>)
      "tpu.region"() ({
        %run_scoped3A = tpu.sem_alloc : memref<!tpu.dma_semaphore, #tpu.memory_space<semaphore_mem>>
        %dma_start3A_132 = arith.constant 0 : i32
        %dma_start3A_133 = tpu.memref_slice %arg7[%add3A_87, %dma_start3A_132] : memref<125x40xi32, #tpu.memory_space<vmem>> -> memref<1x40xi32, #tpu.memory_space<vmem>>
        %dma_start3A_134 = tpu.memref_squeeze %dma_start3A_133 : memref<1x40xi32, #tpu.memory_space<vmem>> -> memref<40xi32, #tpu.memory_space<vmem>>
        %dma_start3A_135 = arith.constant 0 : i32
        %dma_start3A_136 = arith.constant 0 : i32
        %dma_start3A_137 = tpu.memref_slice %arg18[%dma_start3A_135, %dma_start3A_136] : memref<10000x128xf32, #tpu.memory_space<vmem_shared>> -> memref<10000x128xf32, #tpu.memory_space<vmem_shared>>
        tpu.enqueue_indirect_dma source(%arg10 : memref<40x128xf32, #tpu.memory_space<vmem>>) target(%dma_start3A_137 : memref<10000x128xf32, #tpu.memory_space<vmem_shared>>) offsets(%dma_start3A_134 : memref<40xi32, #tpu.memory_space<vmem>>) semaphore(%run_scoped3A : memref<!tpu.dma_semaphore, #tpu.memory_space<semaphore_mem>>) {add = true}
        %dma_wait3A_138 = arith.constant 0 : i32
        %dma_wait3A_139 = tpu.memref_slice %arg7[%add3A_87, %dma_wait3A_138] : memref<125x40xi32, #tpu.memory_space<vmem>> -> memref<1x40xi32, #tpu.memory_space<vmem>>
        %dma_wait3A_140 = tpu.memref_squeeze %dma_wait3A_139 : memref<1x40xi32, #tpu.memory_space<vmem>> -> memref<40xi32, #tpu.memory_space<vmem>>
        %dma_wait3A_141 = arith.constant 0 : i32
        %dma_wait3A_142 = arith.constant 0 : i32
        %dma_wait3A_143 = tpu.memref_slice %arg18[%dma_wait3A_141, %dma_wait3A_142] : memref<10000x128xf32, #tpu.memory_space<vmem_shared>> -> memref<10000x128xf32, #tpu.memory_space<vmem_shared>>
        tpu.wait_indirect_dma semaphore(%run_scoped3A : memref<!tpu.dma_semaphore, #tpu.memory_space<semaphore_mem>>) src(%arg10 : memref<40x128xf32, #tpu.memory_space<vmem>>) dst(%dma_wait3A_143 : memref<10000x128xf32, #tpu.memory_space<vmem_shared>>)
        tpu.yield
      }) : () -> ()
      %add3A_94 = arith.constant 5 : i32
      %add3A_95 = arith.addi %add3A_87, %add3A_94 : i32
      %lt3A_96 = arith.constant 125 : i32
      %lt3A_97 = arith.cmpi slt, %add3A_95, %lt3A_96 : i32
      %convert_element_type3A_98 = arith.extui %lt3A_97 : i1 to i32
      %cond3A_99 = arith.constant 0 : i32
      %cond3A_100 = arith.cmpi ne, %convert_element_type3A_98, %cond3A_99 : i32
      scf.if %cond3A_100 {
        %add3A_132 = arith.constant 5 : i32
        %add3A_133 = arith.addi %add3A_87, %add3A_132 : i32
        %mul3A_134 = arith.constant 40 : i32
        %mul3A_135 = arith.muli %add3A_133, %mul3A_134 : i32
        %dma_start3A_136 = tpu.memref_slice %arg6[%mul3A_135] : memref<5000xi32, #tpu.memory_space<vmem>> -> memref<40xi32, #tpu.memory_space<vmem>>
        %dma_start3A_137 = arith.constant 0 : i32
        %dma_start3A_138 = arith.constant 0 : i32
        %dma_start3A_139 = tpu.memref_slice %arg2[%dma_start3A_137, %dma_start3A_138] : memref<10000x128xf32, #tpu.memory_space<hbm>> -> memref<10000x128xf32, #tpu.memory_space<hbm>>
        tpu.enqueue_indirect_dma source(%dma_start3A_139 : memref<10000x128xf32, #tpu.memory_space<hbm>>) target(%arg10 : memref<40x128xf32, #tpu.memory_space<vmem>>) offsets(%dma_start3A_136 : memref<40xi32, #tpu.memory_space<vmem>>) semaphore(%arg15 : memref<!tpu.dma_semaphore, #tpu.memory_space<semaphore_mem>>)
      } else {
      }
      %add3A_101 = arith.constant 3 : i32
      %add3A_102 = arith.addi %mul3A_59, %add3A_101 : i32
      %mul3A_103 = arith.constant 40 : i32
      %mul3A_104 = arith.muli %add3A_102, %mul3A_103 : i32
      %dma_wait3A_105 = tpu.memref_slice %arg6[%mul3A_104] : memref<5000xi32, #tpu.memory_space<vmem>> -> memref<40xi32, #tpu.memory_space<vmem>>
      %dma_wait3A_106 = arith.constant 0 : i32
      %dma_wait3A_107 = arith.constant 0 : i32
      %dma_wait3A_108 = tpu.memref_slice %arg2[%dma_wait3A_106, %dma_wait3A_107] : memref<10000x128xf32, #tpu.memory_space<hbm>> -> memref<10000x128xf32, #tpu.memory_space<hbm>>
      tpu.wait_indirect_dma semaphore(%arg16 : memref<!tpu.dma_semaphore, #tpu.memory_space<semaphore_mem>>) src(%dma_wait3A_108 : memref<10000x128xf32, #tpu.memory_space<hbm>>) dst(%arg11 : memref<40x128xf32, #tpu.memory_space<vmem>>)
      "tpu.region"() ({
        %run_scoped3A = tpu.sem_alloc : memref<!tpu.dma_semaphore, #tpu.memory_space<semaphore_mem>>
        %dma_start3A_132 = arith.constant 0 : i32
        %dma_start3A_133 = tpu.memref_slice %arg7[%add3A_102, %dma_start3A_132] : memref<125x40xi32, #tpu.memory_space<vmem>> -> memref<1x40xi32, #tpu.memory_space<vmem>>
        %dma_start3A_134 = tpu.memref_squeeze %dma_start3A_133 : memref<1x40xi32, #tpu.memory_space<vmem>> -> memref<40xi32, #tpu.memory_space<vmem>>
        %dma_start3A_135 = arith.constant 0 : i32
        %dma_start3A_136 = arith.constant 0 : i32
        %dma_start3A_137 = tpu.memref_slice %arg18[%dma_start3A_135, %dma_start3A_136] : memref<10000x128xf32, #tpu.memory_space<vmem_shared>> -> memref<10000x128xf32, #tpu.memory_space<vmem_shared>>
        tpu.enqueue_indirect_dma source(%arg11 : memref<40x128xf32, #tpu.memory_space<vmem>>) target(%dma_start3A_137 : memref<10000x128xf32, #tpu.memory_space<vmem_shared>>) offsets(%dma_start3A_134 : memref<40xi32, #tpu.memory_space<vmem>>) semaphore(%run_scoped3A : memref<!tpu.dma_semaphore, #tpu.memory_space<semaphore_mem>>) {add = true}
        %dma_wait3A_138 = arith.constant 0 : i32
        %dma_wait3A_139 = tpu.memref_slice %arg7[%add3A_102, %dma_wait3A_138] : memref<125x40xi32, #tpu.memory_space<vmem>> -> memref<1x40xi32, #tpu.memory_space<vmem>>
        %dma_wait3A_140 = tpu.memref_squeeze %dma_wait3A_139 : memref<1x40xi32, #tpu.memory_space<vmem>> -> memref<40xi32, #tpu.memory_space<vmem>>
        %dma_wait3A_141 = arith.constant 0 : i32
        %dma_wait3A_142 = arith.constant 0 : i32
        %dma_wait3A_143 = tpu.memref_slice %arg18[%dma_wait3A_141, %dma_wait3A_142] : memref<10000x128xf32, #tpu.memory_space<vmem_shared>> -> memref<10000x128xf32, #tpu.memory_space<vmem_shared>>
        tpu.wait_indirect_dma semaphore(%run_scoped3A : memref<!tpu.dma_semaphore, #tpu.memory_space<semaphore_mem>>) src(%arg11 : memref<40x128xf32, #tpu.memory_space<vmem>>) dst(%dma_wait3A_143 : memref<10000x128xf32, #tpu.memory_space<vmem_shared>>)
        tpu.yield
      }) : () -> ()
      %add3A_109 = arith.constant 5 : i32
      %add3A_110 = arith.addi %add3A_102, %add3A_109 : i32
      %lt3A_111 = arith.constant 125 : i32
      %lt3A_112 = arith.cmpi slt, %add3A_110, %lt3A_111 : i32
      %convert_element_type3A_113 = arith.extui %lt3A_112 : i1 to i32
      %cond3A_114 = arith.constant 0 : i32
      %cond3A_115 = arith.cmpi ne, %convert_element_type3A_113, %cond3A_114 : i32
      scf.if %cond3A_115 {
        %add3A_132 = arith.constant 5 : i32
        %add3A_133 = arith.addi %add3A_102, %add3A_132 : i32
        %mul3A_134 = arith.constant 40 : i32
        %mul3A_135 = arith.muli %add3A_133, %mul3A_134 : i32
        %dma_start3A_136 = tpu.memref_slice %arg6[%mul3A_135] : memref<5000xi32, #tpu.memory_space<vmem>> -> memref<40xi32, #tpu.memory_space<vmem>>
        %dma_start3A_137 = arith.constant 0 : i32
        %dma_start3A_138 = arith.constant 0 : i32
        %dma_start3A_139 = tpu.memref_slice %arg2[%dma_start3A_137, %dma_start3A_138] : memref<10000x128xf32, #tpu.memory_space<hbm>> -> memref<10000x128xf32, #tpu.memory_space<hbm>>
        tpu.enqueue_indirect_dma source(%dma_start3A_139 : memref<10000x128xf32, #tpu.memory_space<hbm>>) target(%arg11 : memref<40x128xf32, #tpu.memory_space<vmem>>) offsets(%dma_start3A_136 : memref<40xi32, #tpu.memory_space<vmem>>) semaphore(%arg16 : memref<!tpu.dma_semaphore, #tpu.memory_space<semaphore_mem>>)
      } else {
      }
      %add3A_116 = arith.constant 4 : i32
      %add3A_117 = arith.addi %mul3A_59, %add3A_116 : i32
      %mul3A_118 = arith.constant 40 : i32
      %mul3A_119 = arith.muli %add3A_117, %mul3A_118 : i32
      %dma_wait3A_120 = tpu.memref_slice %arg6[%mul3A_119] : memref<5000xi32, #tpu.memory_space<vmem>> -> memref<40xi32, #tpu.memory_space<vmem>>
      %dma_wait3A_121 = arith.constant 0 : i32
      %dma_wait3A_122 = arith.constant 0 : i32
      %dma_wait3A_123 = tpu.memref_slice %arg2[%dma_wait3A_121, %dma_wait3A_122] : memref<10000x128xf32, #tpu.memory_space<hbm>> -> memref<10000x128xf32, #tpu.memory_space<hbm>>
      tpu.wait_indirect_dma semaphore(%arg17 : memref<!tpu.dma_semaphore, #tpu.memory_space<semaphore_mem>>) src(%dma_wait3A_123 : memref<10000x128xf32, #tpu.memory_space<hbm>>) dst(%arg12 : memref<40x128xf32, #tpu.memory_space<vmem>>)
      "tpu.region"() ({
        %run_scoped3A = tpu.sem_alloc : memref<!tpu.dma_semaphore, #tpu.memory_space<semaphore_mem>>
        %dma_start3A_132 = arith.constant 0 : i32
        %dma_start3A_133 = tpu.memref_slice %arg7[%add3A_117, %dma_start3A_132] : memref<125x40xi32, #tpu.memory_space<vmem>> -> memref<1x40xi32, #tpu.memory_space<vmem>>
        %dma_start3A_134 = tpu.memref_squeeze %dma_start3A_133 : memref<1x40xi32, #tpu.memory_space<vmem>> -> memref<40xi32, #tpu.memory_space<vmem>>
        %dma_start3A_135 = arith.constant 0 : i32
        %dma_start3A_136 = arith.constant 0 : i32
        %dma_start3A_137 = tpu.memref_slice %arg18[%dma_start3A_135, %dma_start3A_136] : memref<10000x128xf32, #tpu.memory_space<vmem_shared>> -> memref<10000x128xf32, #tpu.memory_space<vmem_shared>>
        tpu.enqueue_indirect_dma source(%arg12 : memref<40x128xf32, #tpu.memory_space<vmem>>) target(%dma_start3A_137 : memref<10000x128xf32, #tpu.memory_space<vmem_shared>>) offsets(%dma_start3A_134 : memref<40xi32, #tpu.memory_space<vmem>>) semaphore(%run_scoped3A : memref<!tpu.dma_semaphore, #tpu.memory_space<semaphore_mem>>) {add = true}
        %dma_wait3A_138 = arith.constant 0 : i32
        %dma_wait3A_139 = tpu.memref_slice %arg7[%add3A_117, %dma_wait3A_138] : memref<125x40xi32, #tpu.memory_space<vmem>> -> memref<1x40xi32, #tpu.memory_space<vmem>>
        %dma_wait3A_140 = tpu.memref_squeeze %dma_wait3A_139 : memref<1x40xi32, #tpu.memory_space<vmem>> -> memref<40xi32, #tpu.memory_space<vmem>>
        %dma_wait3A_141 = arith.constant 0 : i32
        %dma_wait3A_142 = arith.constant 0 : i32
        %dma_wait3A_143 = tpu.memref_slice %arg18[%dma_wait3A_141, %dma_wait3A_142] : memref<10000x128xf32, #tpu.memory_space<vmem_shared>> -> memref<10000x128xf32, #tpu.memory_space<vmem_shared>>
        tpu.wait_indirect_dma semaphore(%run_scoped3A : memref<!tpu.dma_semaphore, #tpu.memory_space<semaphore_mem>>) src(%arg12 : memref<40x128xf32, #tpu.memory_space<vmem>>) dst(%dma_wait3A_143 : memref<10000x128xf32, #tpu.memory_space<vmem_shared>>)
        tpu.yield
      }) : () -> ()
      %add3A_124 = arith.constant 5 : i32
      %add3A_125 = arith.addi %add3A_117, %add3A_124 : i32
      %lt3A_126 = arith.constant 125 : i32
      %lt3A_127 = arith.cmpi slt, %add3A_125, %lt3A_126 : i32
      %convert_element_type3A_128 = arith.extui %lt3A_127 : i1 to i32
      %cond3A_129 = arith.constant 0 : i32
      %cond3A_130 = arith.cmpi ne, %convert_element_type3A_128, %cond3A_129 : i32
      scf.if %cond3A_130 {
        %add3A_132 = arith.constant 5 : i32
        %add3A_133 = arith.addi %add3A_117, %add3A_132 : i32
        %mul3A_134 = arith.constant 40 : i32
        %mul3A_135 = arith.muli %add3A_133, %mul3A_134 : i32
        %dma_start3A_136 = tpu.memref_slice %arg6[%mul3A_135] : memref<5000xi32, #tpu.memory_space<vmem>> -> memref<40xi32, #tpu.memory_space<vmem>>
        %dma_start3A_137 = arith.constant 0 : i32
        %dma_start3A_138 = arith.constant 0 : i32
        %dma_start3A_139 = tpu.memref_slice %arg2[%dma_start3A_137, %dma_start3A_138] : memref<10000x128xf32, #tpu.memory_space<hbm>> -> memref<10000x128xf32, #tpu.memory_space<hbm>>
        tpu.enqueue_indirect_dma source(%dma_start3A_139 : memref<10000x128xf32, #tpu.memory_space<hbm>>) target(%arg12 : memref<40x128xf32, #tpu.memory_space<vmem>>) offsets(%dma_start3A_136 : memref<40xi32, #tpu.memory_space<vmem>>) semaphore(%arg17 : memref<!tpu.dma_semaphore, #tpu.memory_space<semaphore_mem>>)
      } else {
      }
      %scan3A_131 = arith.constant 0 : i32
      scf.yield %scan3A_131 : i32
    }
    %scan3A_47 = arith.constant 25 : i32
    %barrier3A_48 = arith.constant 0 : index
    tpu.barrier barrier_id(%barrier3A_48)
    %scan3A_49 = arith.constant 0 : i32
    %scan3A_50 = arith.constant 0 : i32
    %scan3A_51 = arith.constant 16 : i32
    %scan3A_52 = arith.addi %scan3A_50, %scan3A_51 : i32
    %scan3A_53 = arith.constant 1 : i32
    %scan3A_54 = scf.for %scan3A_56 = %scan3A_50 to %scan3A_52 step %scan3A_53 iter_args(%scan3A_57 = %scan3A_49) -> (i32)  : i32 {
      %mul3A_58 = arith.constant 16 : i32
      %mul3A_59 = arith.muli %scan3A_56, %mul3A_58 : i32
      %add3A_60 = arith.addi %mul3A_59, %arg1 : i32
      %lt3A = arith.constant 250 : i32
      %lt3A_61 = arith.cmpi slt, %add3A_60, %lt3A : i32
      %convert_element_type3A = arith.extui %lt3A_61 : i1 to i32
      %cond3A = arith.constant 0 : i32
      %cond3A_62 = arith.cmpi ne, %convert_element_type3A, %cond3A : i32
      scf.if %cond3A_62 {
        %mul3A_64 = arith.constant 40 : i32
        %mul3A_65 = arith.muli %add3A_60, %mul3A_64 : i32
        %mul3A_66 = arith.constant 40 : i32
        %mul3A_67 = arith.muli %add3A_60, %mul3A_66 : i32
        "tpu.region"() ({
          %run_scoped3A = tpu.sem_alloc : memref<!tpu.dma_semaphore, #tpu.memory_space<semaphore_mem>>
          %dma_start3A_68 = arith.constant 0 : i32
          %dma_start3A_69 = tpu.memref_slice %arg5[%arg0, %mul3A_67, %dma_start3A_68] : memref<2x10000x128xf32, #tpu.memory_space<hbm>> -> memref<1x40x128xf32, #tpu.memory_space<hbm>>
          %dma_start3A_70 = tpu.memref_squeeze %dma_start3A_69 : memref<1x40x128xf32, #tpu.memory_space<hbm>> -> memref<40x128xf32, #tpu.memory_space<hbm>>
          %dma_start3A_71 = arith.constant 0 : i32
          %dma_start3A_72 = tpu.memref_slice %arg18[%mul3A_65, %dma_start3A_71] : memref<10000x128xf32, #tpu.memory_space<vmem_shared>> -> memref<40x128xf32, #tpu.memory_space<vmem_shared>>
          tpu.enqueue_dma source(%dma_start3A_72 : memref<40x128xf32, #tpu.memory_space<vmem_shared>>) target(%dma_start3A_70 : memref<40x128xf32, #tpu.memory_space<hbm>>) target_semaphore(%run_scoped3A : memref<!tpu.dma_semaphore, #tpu.memory_space<semaphore_mem>>)
          %dma_wait3A = arith.constant 0 : i32
          %dma_wait3A_73 = tpu.memref_slice %arg5[%arg0, %mul3A_67, %dma_wait3A] : memref<2x10000x128xf32, #tpu.memory_space<hbm>> -> memref<1x40x128xf32, #tpu.memory_space<hbm>>
          %dma_wait3A_74 = tpu.memref_squeeze %dma_wait3A_73 : memref<1x40x128xf32, #tpu.memory_space<hbm>> -> memref<40x128xf32, #tpu.memory_space<hbm>>
          %dma_wait3A_75 = arith.constant 0 : i32
          %dma_wait3A_76 = tpu.memref_slice %arg18[%mul3A_65, %dma_wait3A_75] : memref<10000x128xf32, #tpu.memory_space<vmem_shared>> -> memref<40x128xf32, #tpu.memory_space<vmem_shared>>
          tpu.wait_dma2 semaphore(%run_scoped3A : memref<!tpu.dma_semaphore, #tpu.memory_space<semaphore_mem>>) src(%dma_wait3A_76 : memref<40x128xf32, #tpu.memory_space<vmem_shared>>) dst(%dma_wait3A_74 : memref<40x128xf32, #tpu.memory_space<hbm>>)
          tpu.yield
        }) : () -> ()
      } else {
      }
      %scan3A_63 = arith.constant 0 : i32
      scf.yield %scan3A_63 : i32
    }
    %scan3A_55 = arith.constant 16 : i32
    return
  }
}

#map = affine_map<(d0, d1) -> (0, 0)>
#map1 = affine_map<(d0, d1) -> (0)>
#map2 = affine_map<(d0, d1) -> (0, 0, 0)>
module attributes {stable_mosaic.version = 14 : i64} {
  func.func @_spmm_body(%arg0: i32, %arg1: i32, %arg2: memref<10000x128xf32, #tpu.memory_space<hbm>>, %arg3: memref<160000xi32, #tpu.memory_space<hbm>>, %arg4: memref<32x125x40xi32, #tpu.memory_space<hbm>>, %arg5: memref<2x10000x128xf32, #tpu.memory_space<hbm>>, %arg6: memref<5000xi32, #tpu.memory_space<vmem>>, %arg7: memref<125x40xi32, #tpu.memory_space<vmem>>, %arg8: memref<40x128xf32, #tpu.memory_space<vmem>>, %arg9: memref<40x128xf32, #tpu.memory_space<vmem>>, %arg10: memref<40x128xf32, #tpu.memory_space<vmem>>, %arg11: memref<40x128xf32, #tpu.memory_space<vmem>>, %arg12: memref<40x128xf32, #tpu.memory_space<vmem>>, %arg13: memref<!tpu.dma_semaphore, #tpu.memory_space<semaphore_mem>>, %arg14: memref<!tpu.dma_semaphore, #tpu.memory_space<semaphore_mem>>, %arg15: memref<!tpu.dma_semaphore, #tpu.memory_space<semaphore_mem>>, %arg16: memref<!tpu.dma_semaphore, #tpu.memory_space<semaphore_mem>>, %arg17: memref<!tpu.dma_semaphore, #tpu.memory_space<semaphore_mem>>, %arg18: memref<10000x128xf32, #tpu.memory_space<vmem_shared>>) attributes {dimension_semantics = [#tpu.dimension_semantics<core_parallel>, #tpu.dimension_semantics<subcore_parallel>], iteration_bounds = array<i64: 2, 16>, scalar_prefetch = 0 : i64, scratch_operands = 13 : i64, tpu.core_type = #tpu.core_type<sc_vector_subcore>, window_params = [{transform_indices = #map}, {transform_indices = #map1}, {transform_indices = #map2}, {transform_indices = #map2}]} {
    %broadcast_in_dim3A = arith.constant 0.000000e+00 : f32
    %broadcast_in_dim3A_0 = vector.broadcast %broadcast_in_dim3A : f32 to vector<16xf32>
    %scan3A = arith.constant 0 : i32
    %scan3A_1 = arith.constant 0 : i32
    %scan3A_2 = arith.constant 320 : i32
    %scan3A_3 = arith.addi %scan3A_1, %scan3A_2 : i32
    %scan3A_4 = arith.constant 1 : i32
    %scan3A_5 = scf.for %scan3A_56 = %scan3A_1 to %scan3A_3 step %scan3A_4 iter_args(%scan3A_57 = %scan3A) -> (i32)  : i32 {
      %jit3A = arith.constant 8 : i32
      %div3A = arith.divsi %scan3A_56, %jit3A : i32
      %sign3A = arith.constant 0 : i32
      %sign3A_58 = arith.cmpi sgt, %scan3A_56, %sign3A : i32
      %sign3A_59 = arith.extui %sign3A_58 : i1 to i32
      %sign3A_60 = arith.constant 0 : i32
      %sign3A_61 = arith.cmpi slt, %scan3A_56, %sign3A_60 : i32
      %sign3A_62 = arith.extui %sign3A_61 : i1 to i32
      %sign3A_63 = arith.subi %sign3A_59, %sign3A_62 : i32
      %sign3A_64 = arith.constant 0 : i32
      %sign3A_65 = arith.cmpi sgt, %jit3A, %sign3A_64 : i32
      %sign3A_66 = arith.extui %sign3A_65 : i1 to i32
      %sign3A_67 = arith.constant 0 : i32
      %sign3A_68 = arith.cmpi slt, %jit3A, %sign3A_67 : i32
      %sign3A_69 = arith.extui %sign3A_68 : i1 to i32
      %sign3A_70 = arith.subi %sign3A_66, %sign3A_69 : i32
      %ne3A = arith.cmpi ne, %sign3A_63, %sign3A_70 : i32
      %rem3A = arith.remsi %scan3A_56, %jit3A : i32
      %ne3A_71 = arith.constant 0 : i32
      %ne3A_72 = arith.cmpi ne, %rem3A, %ne3A_71 : i32
      %and3A = arith.andi %ne3A, %ne3A_72 : i1
      %sub3A = arith.constant 1 : i32
      %sub3A_73 = arith.subi %div3A, %sub3A : i32
      %select_n3A = arith.select %and3A, %sub3A_73, %div3A : i32
      %jit3A_74 = arith.constant 8 : i32
      %eq3A = arith.constant 0 : i32
      %eq3A_75 = arith.cmpi eq, %jit3A_74, %eq3A : i32
      %jit3A_76 = arith.constant 1 : i32
      %select_n3A_77 = arith.select %eq3A_75, %jit3A_76, %jit3A_74 : i32
      %rem3A_78 = arith.remsi %scan3A_56, %select_n3A_77 : i32
      %ne3A_79 = arith.constant 0 : i32
      %ne3A_80 = arith.cmpi ne, %rem3A_78, %ne3A_79 : i32
      %lt3A = arith.constant 0 : i32
      %lt3A_81 = arith.cmpi slt, %rem3A_78, %lt3A : i32
      %lt3A_82 = arith.constant 0 : i32
      %lt3A_83 = arith.cmpi slt, %select_n3A_77, %lt3A_82 : i32
      %ne3A_84 = arith.xori %lt3A_81, %lt3A_83 : i1
      %and3A_85 = arith.andi %ne3A_84, %ne3A_80 : i1
      %add3A_86 = arith.addi %rem3A_78, %select_n3A_77 : i32
      %select_n3A_87 = arith.select %and3A_85, %add3A_86, %rem3A_78 : i32
      %mul3A_88 = arith.constant 16 : i32
      %mul3A_89 = arith.muli %select_n3A_87, %mul3A_88 : i32
      %swap3A = arith.index_cast %select_n3A : i32 to index
      %swap3A_90 = arith.index_cast %mul3A_89 : i32 to index
      %swap3A_91 = tpu.vector_load %arg8[%swap3A, %swap3A_90] {strides = array<i32>} : memref<40x128xf32, #tpu.memory_space<vmem>>, vector<1x16xf32>,
      %swap3A_92 = vector.shape_cast %swap3A_91 : vector<1x16xf32> to vector<16xf32>
      %swap3A_93 = vector.shape_cast %broadcast_in_dim3A_0 : vector<16xf32> to vector<1x16xf32>
      tpu.vector_store %arg8[%swap3A, %swap3A_90], %swap3A_93 {strides = array<i32>} : memref<40x128xf32, #tpu.memory_space<vmem>>, vector<1x16xf32>,
      %scan3A_94 = arith.constant 0 : i32
      scf.yield %scan3A_94 : i32
    }
    %scan3A_6 = arith.constant 320 : i32
    %scan3A_7 = arith.constant 0 : i32
    %scan3A_8 = arith.constant 0 : i32
    %scan3A_9 = arith.constant 16 : i32
    %scan3A_10 = arith.addi %scan3A_8, %scan3A_9 : i32
    %scan3A_11 = arith.constant 1 : i32
    %scan3A_12 = scf.for %scan3A_56 = %scan3A_8 to %scan3A_10 step %scan3A_11 iter_args(%scan3A_57 = %scan3A_7) -> (i32)  : i32 {
      %mul3A_58 = arith.constant 16 : i32
      %mul3A_59 = arith.muli %scan3A_56, %mul3A_58 : i32
      %add3A_60 = arith.addi %mul3A_59, %arg1 : i32
      %lt3A = arith.constant 250 : i32
      %lt3A_61 = arith.cmpi slt, %add3A_60, %lt3A : i32
      %convert_element_type3A = arith.extui %lt3A_61 : i1 to i32
      %cond3A = arith.constant 0 : i32
      %cond3A_62 = arith.cmpi ne, %convert_element_type3A, %cond3A : i32
      scf.if %cond3A_62 {
        %mul3A_64 = arith.constant 40 : i32
        %mul3A_65 = arith.muli %add3A_60, %mul3A_64 : i32
        "tpu.region"() ({
          %run_scoped3A = tpu.sem_alloc : memref<!tpu.dma_semaphore, #tpu.memory_space<semaphore_mem>>
          %dma_start3A_66 = arith.constant 0 : i32
          %dma_start3A_67 = tpu.memref_slice %arg18[%mul3A_65, %dma_start3A_66] : memref<10000x128xf32, #tpu.memory_space<vmem_shared>> -> memref<40x128xf32, #tpu.memory_space<vmem_shared>>
          %dma_start3A_68 = arith.constant 0 : i32
          %dma_start3A_69 = tpu.memref_slice %arg18[%mul3A_65, %dma_start3A_68] : memref<10000x128xf32, #tpu.memory_space<vmem_shared>> -> memref<40x128xf32, #tpu.memory_space<vmem_shared>>
          tpu.enqueue_dma source(%arg8 : memref<40x128xf32, #tpu.memory_space<vmem>>) target(%dma_start3A_69 : memref<40x128xf32, #tpu.memory_space<vmem_shared>>) target_semaphore(%run_scoped3A : memref<!tpu.dma_semaphore, #tpu.memory_space<semaphore_mem>>)
          %dma_wait3A = arith.constant 0 : i32
          %dma_wait3A_70 = tpu.memref_slice %arg18[%mul3A_65, %dma_wait3A] : memref<10000x128xf32, #tpu.memory_space<vmem_shared>> -> memref<40x128xf32, #tpu.memory_space<vmem_shared>>
          %dma_wait3A_71 = arith.constant 0 : i32
          %dma_wait3A_72 = tpu.memref_slice %arg18[%mul3A_65, %dma_wait3A_71] : memref<10000x128xf32, #tpu.memory_space<vmem_shared>> -> memref<40x128xf32, #tpu.memory_space<vmem_shared>>
          tpu.wait_dma2 semaphore(%run_scoped3A : memref<!tpu.dma_semaphore, #tpu.memory_space<semaphore_mem>>) src(%arg8 : memref<40x128xf32, #tpu.memory_space<vmem>>) dst(%dma_wait3A_72 : memref<40x128xf32, #tpu.memory_space<vmem_shared>>)
          tpu.yield
        }) : () -> ()
      } else {
      }
      %scan3A_63 = arith.constant 0 : i32
      scf.yield %scan3A_63 : i32
    }
    %scan3A_13 = arith.constant 16 : i32
    %barrier3A = arith.constant 0 : index
    tpu.barrier barrier_id(%barrier3A)
    %mul3A = arith.constant 16 : i32
    %mul3A_14 = arith.muli %arg0, %mul3A : i32
    %add3A = arith.addi %mul3A_14, %arg1 : i32
    %mul3A_15 = arith.constant 5000 : i32
    %mul3A_16 = arith.muli %add3A, %mul3A_15 : i32
    "tpu.region"() ({
      %run_scoped3A = tpu.sem_alloc : memref<!tpu.dma_semaphore, #tpu.memory_space<semaphore_mem>>
      %dma_start3A_56 = tpu.memref_slice %arg3[%mul3A_16] : memref<160000xi32, #tpu.memory_space<hbm>> -> memref<5000xi32, #tpu.memory_space<hbm>>
      %dma_start3A_57 = tpu.memref_slice %arg3[%mul3A_16] : memref<160000xi32, #tpu.memory_space<hbm>> -> memref<5000xi32, #tpu.memory_space<hbm>>
      tpu.enqueue_dma source(%dma_start3A_57 : memref<5000xi32, #tpu.memory_space<hbm>>) target(%arg6 : memref<5000xi32, #tpu.memory_space<vmem>>) target_semaphore(%run_scoped3A : memref<!tpu.dma_semaphore, #tpu.memory_space<semaphore_mem>>)
      %dma_wait3A = tpu.memref_slice %arg3[%mul3A_16] : memref<160000xi32, #tpu.memory_space<hbm>> -> memref<5000xi32, #tpu.memory_space<hbm>>
      %dma_wait3A_58 = tpu.memref_slice %arg3[%mul3A_16] : memref<160000xi32, #tpu.memory_space<hbm>> -> memref<5000xi32, #tpu.memory_space<hbm>>
      tpu.wait_dma2 semaphore(%run_scoped3A : memref<!tpu.dma_semaphore, #tpu.memory_space<semaphore_mem>>) src(%dma_wait3A_58 : memref<5000xi32, #tpu.memory_space<hbm>>) dst(%arg6 : memref<5000xi32, #tpu.memory_space<vmem>>)
      tpu.yield
    }) : () -> ()
    "tpu.region"() ({
      %run_scoped3A = tpu.sem_alloc : memref<!tpu.dma_semaphore, #tpu.memory_space<semaphore_mem>>
      %dma_start3A_56 = arith.constant 0 : i32
      %dma_start3A_57 = arith.constant 0 : i32
      %dma_start3A_58 = tpu.memref_slice %arg4[%add3A, %dma_start3A_56, %dma_start3A_57] : memref<32x125x40xi32, #tpu.memory_space<hbm>> -> memref<1x125x40xi32, #tpu.memory_space<hbm>>
      %dma_start3A_59 = tpu.memref_squeeze %dma_start3A_58 : memref<1x125x40xi32, #tpu.memory_space<hbm>> -> memref<125x40xi32, #tpu.memory_space<hbm>>
      %dma_start3A_60 = arith.constant 0 : i32
      %dma_start3A_61 = arith.constant 0 : i32
      %dma_start3A_62 = tpu.memref_slice %arg4[%add3A, %dma_start3A_60, %dma_start3A_61] : memref<32x125x40xi32, #tpu.memory_space<hbm>> -> memref<1x125x40xi32, #tpu.memory_space<hbm>>
      %dma_start3A_63 = tpu.memref_squeeze %dma_start3A_62 : memref<1x125x40xi32, #tpu.memory_space<hbm>> -> memref<125x40xi32, #tpu.memory_space<hbm>>
      tpu.enqueue_dma source(%dma_start3A_63 : memref<125x40xi32, #tpu.memory_space<hbm>>) target(%arg7 : memref<125x40xi32, #tpu.memory_space<vmem>>) target_semaphore(%run_scoped3A : memref<!tpu.dma_semaphore, #tpu.memory_space<semaphore_mem>>)
      %dma_wait3A = arith.constant 0 : i32
      %dma_wait3A_64 = arith.constant 0 : i32
      %dma_wait3A_65 = tpu.memref_slice %arg4[%add3A, %dma_wait3A, %dma_wait3A_64] : memref<32x125x40xi32, #tpu.memory_space<hbm>> -> memref<1x125x40xi32, #tpu.memory_space<hbm>>
      %dma_wait3A_66 = tpu.memref_squeeze %dma_wait3A_65 : memref<1x125x40xi32, #tpu.memory_space<hbm>> -> memref<125x40xi32, #tpu.memory_space<hbm>>
      %dma_wait3A_67 = arith.constant 0 : i32
      %dma_wait3A_68 = arith.constant 0 : i32
      %dma_wait3A_69 = tpu.memref_slice %arg4[%add3A, %dma_wait3A_67, %dma_wait3A_68] : memref<32x125x40xi32, #tpu.memory_space<hbm>> -> memref<1x125x40xi32, #tpu.memory_space<hbm>>
      %dma_wait3A_70 = tpu.memref_squeeze %dma_wait3A_69 : memref<1x125x40xi32, #tpu.memory_space<hbm>> -> memref<125x40xi32, #tpu.memory_space<hbm>>
      tpu.wait_dma2 semaphore(%run_scoped3A : memref<!tpu.dma_semaphore, #tpu.memory_space<semaphore_mem>>) src(%dma_wait3A_70 : memref<125x40xi32, #tpu.memory_space<hbm>>) dst(%arg7 : memref<125x40xi32, #tpu.memory_space<vmem>>)
      tpu.yield
    }) : () -> ()
    %dma_start3A = arith.constant 0 : i32
    %dma_start3A_17 = tpu.memref_slice %arg6[%dma_start3A] : memref<5000xi32, #tpu.memory_space<vmem>> -> memref<40xi32, #tpu.memory_space<vmem>>
    %dma_start3A_18 = arith.constant 0 : i32
    %dma_start3A_19 = arith.constant 0 : i32
    %dma_start3A_20 = tpu.memref_slice %arg2[%dma_start3A_18, %dma_start3A_19] : memref<10000x128xf32, #tpu.memory_space<hbm>> -> memref<10000x128xf32, #tpu.memory_space<hbm>>
    tpu.enqueue_indirect_dma source(%dma_start3A_20 : memref<10000x128xf32, #tpu.memory_space<hbm>>) target(%arg8 : memref<40x128xf32, #tpu.memory_space<vmem>>) offsets(%dma_start3A_17 : memref<40xi32, #tpu.memory_space<vmem>>) semaphore(%arg13 : memref<!tpu.dma_semaphore, #tpu.memory_space<semaphore_mem>>)
    %dma_start3A_21 = arith.constant 40 : i32
    %dma_start3A_22 = tpu.memref_slice %arg6[%dma_start3A_21] : memref<5000xi32, #tpu.memory_space<vmem>> -> memref<40xi32, #tpu.memory_space<vmem>>
    %dma_start3A_23 = arith.constant 0 : i32
    %dma_start3A_24 = arith.constant 0 : i32
    %dma_start3A_25 = tpu.memref_slice %arg2[%dma_start3A_23, %dma_start3A_24] : memref<10000x128xf32, #tpu.memory_space<hbm>> -> memref<10000x128xf32, #tpu.memory_space<hbm>>
    tpu.enqueue_indirect_dma source(%dma_start3A_25 : memref<10000x128xf32, #tpu.memory_space<hbm>>) target(%arg9 : memref<40x128xf32, #tpu.memory_space<vmem>>) offsets(%dma_start3A_22 : memref<40xi32, #tpu.memory_space<vmem>>) semaphore(%arg14 : memref<!tpu.dma_semaphore, #tpu.memory_space<semaphore_mem>>)
    %dma_start3A_26 = arith.constant 80 : i32
    %dma_start3A_27 = tpu.memref_slice %arg6[%dma_start3A_26] : memref<5000xi32, #tpu.memory_space<vmem>> -> memref<40xi32, #tpu.memory_space<vmem>>
    %dma_start3A_28 = arith.constant 0 : i32
    %dma_start3A_29 = arith.constant 0 : i32
    %dma_start3A_30 = tpu.memref_slice %arg2[%dma_start3A_28, %dma_start3A_29] : memref<10000x128xf32, #tpu.memory_space<hbm>> -> memref<10000x128xf32, #tpu.memory_space<hbm>>
    tpu.enqueue_indirect_dma source(%dma_start3A_30 : memref<10000x128xf32, #tpu.memory_space<hbm>>) target(%arg10 : memref<40x128xf32, #tpu.memory_space<vmem>>) offsets(%dma_start3A_27 : memref<40xi32, #tpu.memory_space<vmem>>) semaphore(%arg15 : memref<!tpu.dma_semaphore, #tpu.memory_space<semaphore_mem>>)
    %dma_start3A_31 = arith.constant 120 : i32
    %dma_start3A_32 = tpu.memref_slice %arg6[%dma_start3A_31] : memref<5000xi32, #tpu.memory_space<vmem>> -> memref<40xi32, #tpu.memory_space<vmem>>
    %dma_start3A_33 = arith.constant 0 : i32
    %dma_start3A_34 = arith.constant 0 : i32
    %dma_start3A_35 = tpu.memref_slice %arg2[%dma_start3A_33, %dma_start3A_34] : memref<10000x128xf32, #tpu.memory_space<hbm>> -> memref<10000x128xf32, #tpu.memory_space<hbm>>
    tpu.enqueue_indirect_dma source(%dma_start3A_35 : memref<10000x128xf32, #tpu.memory_space<hbm>>) target(%arg11 : memref<40x128xf32, #tpu.memory_space<vmem>>) offsets(%dma_start3A_32 : memref<40xi32, #tpu.memory_space<vmem>>) semaphore(%arg16 : memref<!tpu.dma_semaphore, #tpu.memory_space<semaphore_mem>>)
    %dma_start3A_36 = arith.constant 160 : i32
    %dma_start3A_37 = tpu.memref_slice %arg6[%dma_start3A_36] : memref<5000xi32, #tpu.memory_space<vmem>> -> memref<40xi32, #tpu.memory_space<vmem>>
    %dma_start3A_38 = arith.constant 0 : i32
    %dma_start3A_39 = arith.constant 0 : i32
    %dma_start3A_40 = tpu.memref_slice %arg2[%dma_start3A_38, %dma_start3A_39] : memref<10000x128xf32, #tpu.memory_space<hbm>> -> memref<10000x128xf32, #tpu.memory_space<hbm>>
    tpu.enqueue_indirect_dma source(%dma_start3A_40 : memref<10000x128xf32, #tpu.memory_space<hbm>>) target(%arg12 : memref<40x128xf32, #tpu.memory_space<vmem>>) offsets(%dma_start3A_37 : memref<40xi32, #tpu.memory_space<vmem>>) semaphore(%arg17 : memref<!tpu.dma_semaphore, #tpu.memory_space<semaphore_mem>>)
    %scan3A_41 = arith.constant 0 : i32
    %scan3A_42 = arith.constant 0 : i32
    %scan3A_43 = arith.constant 25 : i32
    %scan3A_44 = arith.addi %scan3A_42, %scan3A_43 : i32
    %scan3A_45 = arith.constant 1 : i32
    %scan3A_46 = scf.for %scan3A_56 = %scan3A_42 to %scan3A_44 step %scan3A_45 iter_args(%scan3A_57 = %scan3A_41) -> (i32)  : i32 {
      %mul3A_58 = arith.constant 5 : i32
      %mul3A_59 = arith.muli %scan3A_56, %mul3A_58 : i32
      %add3A_60 = arith.constant 0 : i32
      %add3A_61 = arith.addi %mul3A_59, %add3A_60 : i32
      %mul3A_62 = arith.constant 40 : i32
      %mul3A_63 = arith.muli %add3A_61, %mul3A_62 : i32
      %dma_wait3A = tpu.memref_slice %arg6[%mul3A_63] : memref<5000xi32, #tpu.memory_space<vmem>> -> memref<40xi32, #tpu.memory_space<vmem>>
      %dma_wait3A_64 = arith.constant 0 : i32
      %dma_wait3A_65 = arith.constant 0 : i32
      %dma_wait3A_66 = tpu.memref_slice %arg2[%dma_wait3A_64, %dma_wait3A_65] : memref<10000x128xf32, #tpu.memory_space<hbm>> -> memref<10000x128xf32, #tpu.memory_space<hbm>>
      tpu.wait_indirect_dma semaphore(%arg13 : memref<!tpu.dma_semaphore, #tpu.memory_space<semaphore_mem>>) src(%dma_wait3A_66 : memref<10000x128xf32, #tpu.memory_space<hbm>>) dst(%arg8 : memref<40x128xf32, #tpu.memory_space<vmem>>)
      "tpu.region"() ({
        %run_scoped3A = tpu.sem_alloc : memref<!tpu.dma_semaphore, #tpu.memory_space<semaphore_mem>>
        %dma_start3A_132 = arith.constant 0 : i32
        %dma_start3A_133 = tpu.memref_slice %arg7[%add3A_61, %dma_start3A_132] : memref<125x40xi32, #tpu.memory_space<vmem>> -> memref<1x40xi32, #tpu.memory_space<vmem>>
        %dma_start3A_134 = tpu.memref_squeeze %dma_start3A_133 : memref<1x40xi32, #tpu.memory_space<vmem>> -> memref<40xi32, #tpu.memory_space<vmem>>
        %dma_start3A_135 = arith.constant 0 : i32
        %dma_start3A_136 = arith.constant 0 : i32
        %dma_start3A_137 = tpu.memref_slice %arg18[%dma_start3A_135, %dma_start3A_136] : memref<10000x128xf32, #tpu.memory_space<vmem_shared>> -> memref<10000x128xf32, #tpu.memory_space<vmem_shared>>
        tpu.enqueue_indirect_dma source(%arg8 : memref<40x128xf32, #tpu.memory_space<vmem>>) target(%dma_start3A_137 : memref<10000x128xf32, #tpu.memory_space<vmem_shared>>) offsets(%dma_start3A_134 : memref<40xi32, #tpu.memory_space<vmem>>) semaphore(%run_scoped3A : memref<!tpu.dma_semaphore, #tpu.memory_space<semaphore_mem>>) {add = true}
        %dma_wait3A_138 = arith.constant 0 : i32
        %dma_wait3A_139 = tpu.memref_slice %arg7[%add3A_61, %dma_wait3A_138] : memref<125x40xi32, #tpu.memory_space<vmem>> -> memref<1x40xi32, #tpu.memory_space<vmem>>
        %dma_wait3A_140 = tpu.memref_squeeze %dma_wait3A_139 : memref<1x40xi32, #tpu.memory_space<vmem>> -> memref<40xi32, #tpu.memory_space<vmem>>
        %dma_wait3A_141 = arith.constant 0 : i32
        %dma_wait3A_142 = arith.constant 0 : i32
        %dma_wait3A_143 = tpu.memref_slice %arg18[%dma_wait3A_141, %dma_wait3A_142] : memref<10000x128xf32, #tpu.memory_space<vmem_shared>> -> memref<10000x128xf32, #tpu.memory_space<vmem_shared>>
        tpu.wait_indirect_dma semaphore(%run_scoped3A : memref<!tpu.dma_semaphore, #tpu.memory_space<semaphore_mem>>) src(%arg8 : memref<40x128xf32, #tpu.memory_space<vmem>>) dst(%dma_wait3A_143 : memref<10000x128xf32, #tpu.memory_space<vmem_shared>>)
        tpu.yield
      }) : () -> ()
      %add3A_67 = arith.constant 5 : i32
      %add3A_68 = arith.addi %add3A_61, %add3A_67 : i32
      %lt3A = arith.constant 125 : i32
      %lt3A_69 = arith.cmpi slt, %add3A_68, %lt3A : i32
      %convert_element_type3A = arith.extui %lt3A_69 : i1 to i32
      %cond3A = arith.constant 0 : i32
      %cond3A_70 = arith.cmpi ne, %convert_element_type3A, %cond3A : i32
      scf.if %cond3A_70 {
        %add3A_132 = arith.constant 5 : i32
        %add3A_133 = arith.addi %add3A_61, %add3A_132 : i32
        %mul3A_134 = arith.constant 40 : i32
        %mul3A_135 = arith.muli %add3A_133, %mul3A_134 : i32
        %dma_start3A_136 = tpu.memref_slice %arg6[%mul3A_135] : memref<5000xi32, #tpu.memory_space<vmem>> -> memref<40xi32, #tpu.memory_space<vmem>>
        %dma_start3A_137 = arith.constant 0 : i32
        %dma_start3A_138 = arith.constant 0 : i32
        %dma_start3A_139 = tpu.memref_slice %arg2[%dma_start3A_137, %dma_start3A_138] : memref<10000x128xf32, #tpu.memory_space<hbm>> -> memref<10000x128xf32, #tpu.memory_space<hbm>>
        tpu.enqueue_indirect_dma source(%dma_start3A_139 : memref<10000x128xf32, #tpu.memory_space<hbm>>) target(%arg8 : memref<40x128xf32, #tpu.memory_space<vmem>>) offsets(%dma_start3A_136 : memref<40xi32, #tpu.memory_space<vmem>>) semaphore(%arg13 : memref<!tpu.dma_semaphore, #tpu.memory_space<semaphore_mem>>)
      } else {
      }
      %add3A_71 = arith.constant 1 : i32
      %add3A_72 = arith.addi %mul3A_59, %add3A_71 : i32
      %mul3A_73 = arith.constant 40 : i32
      %mul3A_74 = arith.muli %add3A_72, %mul3A_73 : i32
      %dma_wait3A_75 = tpu.memref_slice %arg6[%mul3A_74] : memref<5000xi32, #tpu.memory_space<vmem>> -> memref<40xi32, #tpu.memory_space<vmem>>
      %dma_wait3A_76 = arith.constant 0 : i32
      %dma_wait3A_77 = arith.constant 0 : i32
      %dma_wait3A_78 = tpu.memref_slice %arg2[%dma_wait3A_76, %dma_wait3A_77] : memref<10000x128xf32, #tpu.memory_space<hbm>> -> memref<10000x128xf32, #tpu.memory_space<hbm>>
      tpu.wait_indirect_dma semaphore(%arg14 : memref<!tpu.dma_semaphore, #tpu.memory_space<semaphore_mem>>) src(%dma_wait3A_78 : memref<10000x128xf32, #tpu.memory_space<hbm>>) dst(%arg9 : memref<40x128xf32, #tpu.memory_space<vmem>>)
      "tpu.region"() ({
        %run_scoped3A = tpu.sem_alloc : memref<!tpu.dma_semaphore, #tpu.memory_space<semaphore_mem>>
        %dma_start3A_132 = arith.constant 0 : i32
        %dma_start3A_133 = tpu.memref_slice %arg7[%add3A_72, %dma_start3A_132] : memref<125x40xi32, #tpu.memory_space<vmem>> -> memref<1x40xi32, #tpu.memory_space<vmem>>
        %dma_start3A_134 = tpu.memref_squeeze %dma_start3A_133 : memref<1x40xi32, #tpu.memory_space<vmem>> -> memref<40xi32, #tpu.memory_space<vmem>>
        %dma_start3A_135 = arith.constant 0 : i32
        %dma_start3A_136 = arith.constant 0 : i32
        %dma_start3A_137 = tpu.memref_slice %arg18[%dma_start3A_135, %dma_start3A_136] : memref<10000x128xf32, #tpu.memory_space<vmem_shared>> -> memref<10000x128xf32, #tpu.memory_space<vmem_shared>>
        tpu.enqueue_indirect_dma source(%arg9 : memref<40x128xf32, #tpu.memory_space<vmem>>) target(%dma_start3A_137 : memref<10000x128xf32, #tpu.memory_space<vmem_shared>>) offsets(%dma_start3A_134 : memref<40xi32, #tpu.memory_space<vmem>>) semaphore(%run_scoped3A : memref<!tpu.dma_semaphore, #tpu.memory_space<semaphore_mem>>) {add = true}
        %dma_wait3A_138 = arith.constant 0 : i32
        %dma_wait3A_139 = tpu.memref_slice %arg7[%add3A_72, %dma_wait3A_138] : memref<125x40xi32, #tpu.memory_space<vmem>> -> memref<1x40xi32, #tpu.memory_space<vmem>>
        %dma_wait3A_140 = tpu.memref_squeeze %dma_wait3A_139 : memref<1x40xi32, #tpu.memory_space<vmem>> -> memref<40xi32, #tpu.memory_space<vmem>>
        %dma_wait3A_141 = arith.constant 0 : i32
        %dma_wait3A_142 = arith.constant 0 : i32
        %dma_wait3A_143 = tpu.memref_slice %arg18[%dma_wait3A_141, %dma_wait3A_142] : memref<10000x128xf32, #tpu.memory_space<vmem_shared>> -> memref<10000x128xf32, #tpu.memory_space<vmem_shared>>
        tpu.wait_indirect_dma semaphore(%run_scoped3A : memref<!tpu.dma_semaphore, #tpu.memory_space<semaphore_mem>>) src(%arg9 : memref<40x128xf32, #tpu.memory_space<vmem>>) dst(%dma_wait3A_143 : memref<10000x128xf32, #tpu.memory_space<vmem_shared>>)
        tpu.yield
      }) : () -> ()
      %add3A_79 = arith.constant 5 : i32
      %add3A_80 = arith.addi %add3A_72, %add3A_79 : i32
      %lt3A_81 = arith.constant 125 : i32
      %lt3A_82 = arith.cmpi slt, %add3A_80, %lt3A_81 : i32
      %convert_element_type3A_83 = arith.extui %lt3A_82 : i1 to i32
      %cond3A_84 = arith.constant 0 : i32
      %cond3A_85 = arith.cmpi ne, %convert_element_type3A_83, %cond3A_84 : i32
      scf.if %cond3A_85 {
        %add3A_132 = arith.constant 5 : i32
        %add3A_133 = arith.addi %add3A_72, %add3A_132 : i32
        %mul3A_134 = arith.constant 40 : i32
        %mul3A_135 = arith.muli %add3A_133, %mul3A_134 : i32
        %dma_start3A_136 = tpu.memref_slice %arg6[%mul3A_135] : memref<5000xi32, #tpu.memory_space<vmem>> -> memref<40xi32, #tpu.memory_space<vmem>>
        %dma_start3A_137 = arith.constant 0 : i32
        %dma_start3A_138 = arith.constant 0 : i32
        %dma_start3A_139 = tpu.memref_slice %arg2[%dma_start3A_137, %dma_start3A_138] : memref<10000x128xf32, #tpu.memory_space<hbm>> -> memref<10000x128xf32, #tpu.memory_space<hbm>>
        tpu.enqueue_indirect_dma source(%dma_start3A_139 : memref<10000x128xf32, #tpu.memory_space<hbm>>) target(%arg9 : memref<40x128xf32, #tpu.memory_space<vmem>>) offsets(%dma_start3A_136 : memref<40xi32, #tpu.memory_space<vmem>>) semaphore(%arg14 : memref<!tpu.dma_semaphore, #tpu.memory_space<semaphore_mem>>)
      } else {
      }
      %add3A_86 = arith.constant 2 : i32
      %add3A_87 = arith.addi %mul3A_59, %add3A_86 : i32
      %mul3A_88 = arith.constant 40 : i32
      %mul3A_89 = arith.muli %add3A_87, %mul3A_88 : i32
      %dma_wait3A_90 = tpu.memref_slice %arg6[%mul3A_89] : memref<5000xi32, #tpu.memory_space<vmem>> -> memref<40xi32, #tpu.memory_space<vmem>>
      %dma_wait3A_91 = arith.constant 0 : i32
      %dma_wait3A_92 = arith.constant 0 : i32
      %dma_wait3A_93 = tpu.memref_slice %arg2[%dma_wait3A_91, %dma_wait3A_92] : memref<10000x128xf32, #tpu.memory_space<hbm>> -> memref<10000x128xf32, #tpu.memory_space<hbm>>
      tpu.wait_indirect_dma semaphore(%arg15 : memref<!tpu.dma_semaphore, #tpu.memory_space<semaphore_mem>>) src(%dma_wait3A_93 : memref<10000x128xf32, #tpu.memory_space<hbm>>) dst(%arg10 : memref<40x128xf32, #tpu.memory_space<vmem>>)
      "tpu.region"() ({
        %run_scoped3A = tpu.sem_alloc : memref<!tpu.dma_semaphore, #tpu.memory_space<semaphore_mem>>
        %dma_start3A_132 = arith.constant 0 : i32
        %dma_start3A_133 = tpu.memref_slice %arg7[%add3A_87, %dma_start3A_132] : memref<125x40xi32, #tpu.memory_space<vmem>> -> memref<1x40xi32, #tpu.memory_space<vmem>>
        %dma_start3A_134 = tpu.memref_squeeze %dma_start3A_133 : memref<1x40xi32, #tpu.memory_space<vmem>> -> memref<40xi32, #tpu.memory_space<vmem>>
        %dma_start3A_135 = arith.constant 0 : i32
        %dma_start3A_136 = arith.constant 0 : i32
        %dma_start3A_137 = tpu.memref_slice %arg18[%dma_start3A_135, %dma_start3A_136] : memref<10000x128xf32, #tpu.memory_space<vmem_shared>> -> memref<10000x128xf32, #tpu.memory_space<vmem_shared>>
        tpu.enqueue_indirect_dma source(%arg10 : memref<40x128xf32, #tpu.memory_space<vmem>>) target(%dma_start3A_137 : memref<10000x128xf32, #tpu.memory_space<vmem_shared>>) offsets(%dma_start3A_134 : memref<40xi32, #tpu.memory_space<vmem>>) semaphore(%run_scoped3A : memref<!tpu.dma_semaphore, #tpu.memory_space<semaphore_mem>>) {add = true}
        %dma_wait3A_138 = arith.constant 0 : i32
        %dma_wait3A_139 = tpu.memref_slice %arg7[%add3A_87, %dma_wait3A_138] : memref<125x40xi32, #tpu.memory_space<vmem>> -> memref<1x40xi32, #tpu.memory_space<vmem>>
        %dma_wait3A_140 = tpu.memref_squeeze %dma_wait3A_139 : memref<1x40xi32, #tpu.memory_space<vmem>> -> memref<40xi32, #tpu.memory_space<vmem>>
        %dma_wait3A_141 = arith.constant 0 : i32
        %dma_wait3A_142 = arith.constant 0 : i32
        %dma_wait3A_143 = tpu.memref_slice %arg18[%dma_wait3A_141, %dma_wait3A_142] : memref<10000x128xf32, #tpu.memory_space<vmem_shared>> -> memref<10000x128xf32, #tpu.memory_space<vmem_shared>>
        tpu.wait_indirect_dma semaphore(%run_scoped3A : memref<!tpu.dma_semaphore, #tpu.memory_space<semaphore_mem>>) src(%arg10 : memref<40x128xf32, #tpu.memory_space<vmem>>) dst(%dma_wait3A_143 : memref<10000x128xf32, #tpu.memory_space<vmem_shared>>)
        tpu.yield
      }) : () -> ()
      %add3A_94 = arith.constant 5 : i32
      %add3A_95 = arith.addi %add3A_87, %add3A_94 : i32
      %lt3A_96 = arith.constant 125 : i32
      %lt3A_97 = arith.cmpi slt, %add3A_95, %lt3A_96 : i32
      %convert_element_type3A_98 = arith.extui %lt3A_97 : i1 to i32
      %cond3A_99 = arith.constant 0 : i32
      %cond3A_100 = arith.cmpi ne, %convert_element_type3A_98, %cond3A_99 : i32
      scf.if %cond3A_100 {
        %add3A_132 = arith.constant 5 : i32
        %add3A_133 = arith.addi %add3A_87, %add3A_132 : i32
        %mul3A_134 = arith.constant 40 : i32
        %mul3A_135 = arith.muli %add3A_133, %mul3A_134 : i32
        %dma_start3A_136 = tpu.memref_slice %arg6[%mul3A_135] : memref<5000xi32, #tpu.memory_space<vmem>> -> memref<40xi32, #tpu.memory_space<vmem>>
        %dma_start3A_137 = arith.constant 0 : i32
        %dma_start3A_138 = arith.constant 0 : i32
        %dma_start3A_139 = tpu.memref_slice %arg2[%dma_start3A_137, %dma_start3A_138] : memref<10000x128xf32, #tpu.memory_space<hbm>> -> memref<10000x128xf32, #tpu.memory_space<hbm>>
        tpu.enqueue_indirect_dma source(%dma_start3A_139 : memref<10000x128xf32, #tpu.memory_space<hbm>>) target(%arg10 : memref<40x128xf32, #tpu.memory_space<vmem>>) offsets(%dma_start3A_136 : memref<40xi32, #tpu.memory_space<vmem>>) semaphore(%arg15 : memref<!tpu.dma_semaphore, #tpu.memory_space<semaphore_mem>>)
      } else {
      }
      %add3A_101 = arith.constant 3 : i32
      %add3A_102 = arith.addi %mul3A_59, %add3A_101 : i32
      %mul3A_103 = arith.constant 40 : i32
      %mul3A_104 = arith.muli %add3A_102, %mul3A_103 : i32
      %dma_wait3A_105 = tpu.memref_slice %arg6[%mul3A_104] : memref<5000xi32, #tpu.memory_space<vmem>> -> memref<40xi32, #tpu.memory_space<vmem>>
      %dma_wait3A_106 = arith.constant 0 : i32
      %dma_wait3A_107 = arith.constant 0 : i32
      %dma_wait3A_108 = tpu.memref_slice %arg2[%dma_wait3A_106, %dma_wait3A_107] : memref<10000x128xf32, #tpu.memory_space<hbm>> -> memref<10000x128xf32, #tpu.memory_space<hbm>>
      tpu.wait_indirect_dma semaphore(%arg16 : memref<!tpu.dma_semaphore, #tpu.memory_space<semaphore_mem>>) src(%dma_wait3A_108 : memref<10000x128xf32, #tpu.memory_space<hbm>>) dst(%arg11 : memref<40x128xf32, #tpu.memory_space<vmem>>)
      "tpu.region"() ({
        %run_scoped3A = tpu.sem_alloc : memref<!tpu.dma_semaphore, #tpu.memory_space<semaphore_mem>>
        %dma_start3A_132 = arith.constant 0 : i32
        %dma_start3A_133 = tpu.memref_slice %arg7[%add3A_102, %dma_start3A_132] : memref<125x40xi32, #tpu.memory_space<vmem>> -> memref<1x40xi32, #tpu.memory_space<vmem>>
        %dma_start3A_134 = tpu.memref_squeeze %dma_start3A_133 : memref<1x40xi32, #tpu.memory_space<vmem>> -> memref<40xi32, #tpu.memory_space<vmem>>
        %dma_start3A_135 = arith.constant 0 : i32
        %dma_start3A_136 = arith.constant 0 : i32
        %dma_start3A_137 = tpu.memref_slice %arg18[%dma_start3A_135, %dma_start3A_136] : memref<10000x128xf32, #tpu.memory_space<vmem_shared>> -> memref<10000x128xf32, #tpu.memory_space<vmem_shared>>
        tpu.enqueue_indirect_dma source(%arg11 : memref<40x128xf32, #tpu.memory_space<vmem>>) target(%dma_start3A_137 : memref<10000x128xf32, #tpu.memory_space<vmem_shared>>) offsets(%dma_start3A_134 : memref<40xi32, #tpu.memory_space<vmem>>) semaphore(%run_scoped3A : memref<!tpu.dma_semaphore, #tpu.memory_space<semaphore_mem>>) {add = true}
        %dma_wait3A_138 = arith.constant 0 : i32
        %dma_wait3A_139 = tpu.memref_slice %arg7[%add3A_102, %dma_wait3A_138] : memref<125x40xi32, #tpu.memory_space<vmem>> -> memref<1x40xi32, #tpu.memory_space<vmem>>
        %dma_wait3A_140 = tpu.memref_squeeze %dma_wait3A_139 : memref<1x40xi32, #tpu.memory_space<vmem>> -> memref<40xi32, #tpu.memory_space<vmem>>
        %dma_wait3A_141 = arith.constant 0 : i32
        %dma_wait3A_142 = arith.constant 0 : i32
        %dma_wait3A_143 = tpu.memref_slice %arg18[%dma_wait3A_141, %dma_wait3A_142] : memref<10000x128xf32, #tpu.memory_space<vmem_shared>> -> memref<10000x128xf32, #tpu.memory_space<vmem_shared>>
        tpu.wait_indirect_dma semaphore(%run_scoped3A : memref<!tpu.dma_semaphore, #tpu.memory_space<semaphore_mem>>) src(%arg11 : memref<40x128xf32, #tpu.memory_space<vmem>>) dst(%dma_wait3A_143 : memref<10000x128xf32, #tpu.memory_space<vmem_shared>>)
        tpu.yield
      }) : () -> ()
      %add3A_109 = arith.constant 5 : i32
      %add3A_110 = arith.addi %add3A_102, %add3A_109 : i32
      %lt3A_111 = arith.constant 125 : i32
      %lt3A_112 = arith.cmpi slt, %add3A_110, %lt3A_111 : i32
      %convert_element_type3A_113 = arith.extui %lt3A_112 : i1 to i32
      %cond3A_114 = arith.constant 0 : i32
      %cond3A_115 = arith.cmpi ne, %convert_element_type3A_113, %cond3A_114 : i32
      scf.if %cond3A_115 {
        %add3A_132 = arith.constant 5 : i32
        %add3A_133 = arith.addi %add3A_102, %add3A_132 : i32
        %mul3A_134 = arith.constant 40 : i32
        %mul3A_135 = arith.muli %add3A_133, %mul3A_134 : i32
        %dma_start3A_136 = tpu.memref_slice %arg6[%mul3A_135] : memref<5000xi32, #tpu.memory_space<vmem>> -> memref<40xi32, #tpu.memory_space<vmem>>
        %dma_start3A_137 = arith.constant 0 : i32
        %dma_start3A_138 = arith.constant 0 : i32
        %dma_start3A_139 = tpu.memref_slice %arg2[%dma_start3A_137, %dma_start3A_138] : memref<10000x128xf32, #tpu.memory_space<hbm>> -> memref<10000x128xf32, #tpu.memory_space<hbm>>
        tpu.enqueue_indirect_dma source(%dma_start3A_139 : memref<10000x128xf32, #tpu.memory_space<hbm>>) target(%arg11 : memref<40x128xf32, #tpu.memory_space<vmem>>) offsets(%dma_start3A_136 : memref<40xi32, #tpu.memory_space<vmem>>) semaphore(%arg16 : memref<!tpu.dma_semaphore, #tpu.memory_space<semaphore_mem>>)
      } else {
      }
      %add3A_116 = arith.constant 4 : i32
      %add3A_117 = arith.addi %mul3A_59, %add3A_116 : i32
      %mul3A_118 = arith.constant 40 : i32
      %mul3A_119 = arith.muli %add3A_117, %mul3A_118 : i32
      %dma_wait3A_120 = tpu.memref_slice %arg6[%mul3A_119] : memref<5000xi32, #tpu.memory_space<vmem>> -> memref<40xi32, #tpu.memory_space<vmem>>
      %dma_wait3A_121 = arith.constant 0 : i32
      %dma_wait3A_122 = arith.constant 0 : i32
      %dma_wait3A_123 = tpu.memref_slice %arg2[%dma_wait3A_121, %dma_wait3A_122] : memref<10000x128xf32, #tpu.memory_space<hbm>> -> memref<10000x128xf32, #tpu.memory_space<hbm>>
      tpu.wait_indirect_dma semaphore(%arg17 : memref<!tpu.dma_semaphore, #tpu.memory_space<semaphore_mem>>) src(%dma_wait3A_123 : memref<10000x128xf32, #tpu.memory_space<hbm>>) dst(%arg12 : memref<40x128xf32, #tpu.memory_space<vmem>>)
      "tpu.region"() ({
        %run_scoped3A = tpu.sem_alloc : memref<!tpu.dma_semaphore, #tpu.memory_space<semaphore_mem>>
        %dma_start3A_132 = arith.constant 0 : i32
        %dma_start3A_133 = tpu.memref_slice %arg7[%add3A_117, %dma_start3A_132] : memref<125x40xi32, #tpu.memory_space<vmem>> -> memref<1x40xi32, #tpu.memory_space<vmem>>
        %dma_start3A_134 = tpu.memref_squeeze %dma_start3A_133 : memref<1x40xi32, #tpu.memory_space<vmem>> -> memref<40xi32, #tpu.memory_space<vmem>>
        %dma_start3A_135 = arith.constant 0 : i32
        %dma_start3A_136 = arith.constant 0 : i32
        %dma_start3A_137 = tpu.memref_slice %arg18[%dma_start3A_135, %dma_start3A_136] : memref<10000x128xf32, #tpu.memory_space<vmem_shared>> -> memref<10000x128xf32, #tpu.memory_space<vmem_shared>>
        tpu.enqueue_indirect_dma source(%arg12 : memref<40x128xf32, #tpu.memory_space<vmem>>) target(%dma_start3A_137 : memref<10000x128xf32, #tpu.memory_space<vmem_shared>>) offsets(%dma_start3A_134 : memref<40xi32, #tpu.memory_space<vmem>>) semaphore(%run_scoped3A : memref<!tpu.dma_semaphore, #tpu.memory_space<semaphore_mem>>) {add = true}
        %dma_wait3A_138 = arith.constant 0 : i32
        %dma_wait3A_139 = tpu.memref_slice %arg7[%add3A_117, %dma_wait3A_138] : memref<125x40xi32, #tpu.memory_space<vmem>> -> memref<1x40xi32, #tpu.memory_space<vmem>>
        %dma_wait3A_140 = tpu.memref_squeeze %dma_wait3A_139 : memref<1x40xi32, #tpu.memory_space<vmem>> -> memref<40xi32, #tpu.memory_space<vmem>>
        %dma_wait3A_141 = arith.constant 0 : i32
        %dma_wait3A_142 = arith.constant 0 : i32
        %dma_wait3A_143 = tpu.memref_slice %arg18[%dma_wait3A_141, %dma_wait3A_142] : memref<10000x128xf32, #tpu.memory_space<vmem_shared>> -> memref<10000x128xf32, #tpu.memory_space<vmem_shared>>
        tpu.wait_indirect_dma semaphore(%run_scoped3A : memref<!tpu.dma_semaphore, #tpu.memory_space<semaphore_mem>>) src(%arg12 : memref<40x128xf32, #tpu.memory_space<vmem>>) dst(%dma_wait3A_143 : memref<10000x128xf32, #tpu.memory_space<vmem_shared>>)
        tpu.yield
      }) : () -> ()
      %add3A_124 = arith.constant 5 : i32
      %add3A_125 = arith.addi %add3A_117, %add3A_124 : i32
      %lt3A_126 = arith.constant 125 : i32
      %lt3A_127 = arith.cmpi slt, %add3A_125, %lt3A_126 : i32
      %convert_element_type3A_128 = arith.extui %lt3A_127 : i1 to i32
      %cond3A_129 = arith.constant 0 : i32
      %cond3A_130 = arith.cmpi ne, %convert_element_type3A_128, %cond3A_129 : i32
      scf.if %cond3A_130 {
        %add3A_132 = arith.constant 5 : i32
        %add3A_133 = arith.addi %add3A_117, %add3A_132 : i32
        %mul3A_134 = arith.constant 40 : i32
        %mul3A_135 = arith.muli %add3A_133, %mul3A_134 : i32
        %dma_start3A_136 = tpu.memref_slice %arg6[%mul3A_135] : memref<5000xi32, #tpu.memory_space<vmem>> -> memref<40xi32, #tpu.memory_space<vmem>>
        %dma_start3A_137 = arith.constant 0 : i32
        %dma_start3A_138 = arith.constant 0 : i32
        %dma_start3A_139 = tpu.memref_slice %arg2[%dma_start3A_137, %dma_start3A_138] : memref<10000x128xf32, #tpu.memory_space<hbm>> -> memref<10000x128xf32, #tpu.memory_space<hbm>>
        tpu.enqueue_indirect_dma source(%dma_start3A_139 : memref<10000x128xf32, #tpu.memory_space<hbm>>) target(%arg12 : memref<40x128xf32, #tpu.memory_space<vmem>>) offsets(%dma_start3A_136 : memref<40xi32, #tpu.memory_space<vmem>>) semaphore(%arg17 : memref<!tpu.dma_semaphore, #tpu.memory_space<semaphore_mem>>)
      } else {
      }
      %scan3A_131 = arith.constant 0 : i32
      scf.yield %scan3A_131 : i32
    }
    %scan3A_47 = arith.constant 25 : i32
    %barrier3A_48 = arith.constant 0 : index
    tpu.barrier barrier_id(%barrier3A_48)
    %scan3A_49 = arith.constant 0 : i32
    %scan3A_50 = arith.constant 0 : i32
    %scan3A_51 = arith.constant 16 : i32
    %scan3A_52 = arith.addi %scan3A_50, %scan3A_51 : i32
    %scan3A_53 = arith.constant 1 : i32
    %scan3A_54 = scf.for %scan3A_56 = %scan3A_50 to %scan3A_52 step %scan3A_53 iter_args(%scan3A_57 = %scan3A_49) -> (i32)  : i32 {
      %mul3A_58 = arith.constant 16 : i32
      %mul3A_59 = arith.muli %scan3A_56, %mul3A_58 : i32
      %add3A_60 = arith.addi %mul3A_59, %arg1 : i32
      %lt3A = arith.constant 250 : i32
      %lt3A_61 = arith.cmpi slt, %add3A_60, %lt3A : i32
      %convert_element_type3A = arith.extui %lt3A_61 : i1 to i32
      %cond3A = arith.constant 0 : i32
      %cond3A_62 = arith.cmpi ne, %convert_element_type3A, %cond3A : i32
      scf.if %cond3A_62 {
        %mul3A_64 = arith.constant 40 : i32
        %mul3A_65 = arith.muli %add3A_60, %mul3A_64 : i32
        %mul3A_66 = arith.constant 40 : i32
        %mul3A_67 = arith.muli %add3A_60, %mul3A_66 : i32
        "tpu.region"() ({
          %run_scoped3A = tpu.sem_alloc : memref<!tpu.dma_semaphore, #tpu.memory_space<semaphore_mem>>
          %dma_start3A_68 = arith.constant 0 : i32
          %dma_start3A_69 = tpu.memref_slice %arg5[%arg0, %mul3A_67, %dma_start3A_68] : memref<2x10000x128xf32, #tpu.memory_space<hbm>> -> memref<1x40x128xf32, #tpu.memory_space<hbm>>
          %dma_start3A_70 = tpu.memref_squeeze %dma_start3A_69 : memref<1x40x128xf32, #tpu.memory_space<hbm>> -> memref<40x128xf32, #tpu.memory_space<hbm>>
          %dma_start3A_71 = arith.constant 0 : i32
          %dma_start3A_72 = tpu.memref_slice %arg18[%mul3A_65, %dma_start3A_71] : memref<10000x128xf32, #tpu.memory_space<vmem_shared>> -> memref<40x128xf32, #tpu.memory_space<vmem_shared>>
          tpu.enqueue_dma source(%dma_start3A_72 : memref<40x128xf32, #tpu.memory_space<vmem_shared>>) target(%dma_start3A_70 : memref<40x128xf32, #tpu.memory_space<hbm>>) target_semaphore(%run_scoped3A : memref<!tpu.dma_semaphore, #tpu.memory_space<semaphore_mem>>)
          %dma_wait3A = arith.constant 0 : i32
          %dma_wait3A_73 = tpu.memref_slice %arg5[%arg0, %mul3A_67, %dma_wait3A] : memref<2x10000x128xf32, #tpu.memory_space<hbm>> -> memref<1x40x128xf32, #tpu.memory_space<hbm>>
          %dma_wait3A_74 = tpu.memref_squeeze %dma_wait3A_73 : memref<1x40x128xf32, #tpu.memory_space<hbm>> -> memref<40x128xf32, #tpu.memory_space<hbm>>
          %dma_wait3A_75 = arith.constant 0 : i32
          %dma_wait3A_76 = tpu.memref_slice %arg18[%mul3A_65, %dma_wait3A_75] : memref<10000x128xf32, #tpu.memory_space<vmem_shared>> -> memref<40x128xf32, #tpu.memory_space<vmem_shared>>
          tpu.wait_dma2 semaphore(%run_scoped3A : memref<!tpu.dma_semaphore, #tpu.memory_space<semaphore_mem>>) src(%dma_wait3A_76 : memref<40x128xf32, #tpu.memory_space<vmem_shared>>) dst(%dma_wait3A_74 : memref<40x128xf32, #tpu.memory_space<hbm>>)
          tpu.yield
        }) : () -> ()
      } else {
      }
      %scan3A_63 = arith.constant 0 : i32
      scf.yield %scan3A_63 : i32
    }
    %scan3A_55 = arith.constant 16 : i32
    return
  }
}

module attributes {stable_mosaic.version = 14 : i64} {
  func.func @_t1_body(%arg0: i32, %arg1: memref<2x1024xf32, #tpu.memory_space<vmem>>, %arg2: memref<1024x128xf32, #tpu.memory_space<vmem>>, %arg3: memref<128x128xf32, #tpu.memory_space<vmem>>, %arg4: memref<1024x1xf32, #tpu.memory_space<vmem>>, %arg5: memref<1024x128xf32, #tpu.memory_space<vmem>>) attributes {dimension_semantics = [#tpu.dimension_semantics<arbitrary>], iteration_bounds = array<i64: 10>, scalar_prefetch = 0 : i64, scratch_operands = 0 : i64, tpu.core_type = #tpu.core_type<tc>, window_params = [{transform_indices = @transform_0, window_bounds = array<i64: 2, 1024>}, {transform_indices = @transform_1, window_bounds = array<i64: 1024, 128>}, {pipeline_mode = #tpu.pipeline_mode<synchronous>, transform_indices = @transform_2, window_bounds = array<i64: 128, 128>}, {transform_indices = @transform_3, window_bounds = array<i64: 1024, 1>}, {transform_indices = @transform_4, window_bounds = array<i64: 1024, 128>}]} {
    %get3A = arith.constant 0 : index
    %get3A_0 = arith.constant 0 : index
    %get3A_1 = vector.load %arg1[%get3A, %get3A_0] : memref<2x1024xf32, #tpu.memory_space<vmem>>, vector<2x1024xf32>
    %broadcast_in_dim3A = arith.constant 1.000000e+00 : f32
    %broadcast_in_dim3A_2 = vector.broadcast %broadcast_in_dim3A : f32 to vector<2x1xf32>
    %dot_general3A = arith.constant dense<0.000000e+00> : vector<1024x1xf32>
    %dot_general3A_3 = tpu.matmul %get3A_1, %broadcast_in_dim3A_2, %dot_general3A {dimension_numbers = #tpu.dot_dimension_numbers<[0], [0], [1], [1], [0, 1, 1, 1], [], []>, transpose_lhs_hint = false} : vector<2x1024xf32>, vector<2x1xf32>, vector<1024x1xf32> -> vector<1024x1xf32>
    %add3A = arith.constant 1.000000e+00 : f32
    %add3A_4 = vector.broadcast %add3A : f32 to vector<1024x1xf32>
    %add3A_5 = arith.addf %add3A_4, %dot_general3A_3 : vector<1024x1xf32>
    %rsqrt3A = math.rsqrt %add3A_5 : vector<1024x1xf32>
    %get3A_6 = arith.constant 0 : index
    %get3A_7 = arith.constant 0 : index
    %get3A_8 = vector.load %arg2[%get3A_6, %get3A_7] : memref<1024x128xf32, #tpu.memory_space<vmem>>, vector<1024x128xf32>
    %get3A_9 = arith.constant 0 : index
    %get3A_10 = arith.constant 0 : index
    %get3A_11 = vector.load %arg3[%get3A_9, %get3A_10] : memref<128x128xf32, #tpu.memory_space<vmem>>, vector<128x128xf32>
    %dot_general3A_12 = arith.constant dense<0.000000e+00> : vector<1024x128xf32>
    %dot_general3A_13 = tpu.matmul %get3A_8, %get3A_11, %dot_general3A_12 {dimension_numbers = #tpu.dot_dimension_numbers<[1], [0], [0], [1], [0, 0, 1, 1], [], []>, transpose_lhs_hint = false} : vector<1024x128xf32>, vector<128x128xf32>, vector<1024x128xf32> -> vector<1024x128xf32>
    %swap3A = arith.constant 0 : index
    %swap3A_14 = arith.constant 0 : index
    %swap3A_15 = vector.load %arg4[%swap3A, %swap3A_14] : memref<1024x1xf32, #tpu.memory_space<vmem>>, vector<1024x1xf32>
    tpu.vector_store %arg4[%swap3A, %swap3A_14], %rsqrt3A {strides = array<i32>} : memref<1024x1xf32, #tpu.memory_space<vmem>>, vector<1024x1xf32>,
    %mul3A = vector.broadcast %rsqrt3A : vector<1024x1xf32> to vector<1024x128xf32>
    %mul3A_16 = arith.mulf %dot_general3A_13, %mul3A : vector<1024x128xf32>
    %swap3A_17 = arith.constant 0 : index
    %swap3A_18 = arith.constant 0 : index
    %swap3A_19 = vector.load %arg5[%swap3A_17, %swap3A_18] : memref<1024x128xf32, #tpu.memory_space<vmem>>, vector<1024x128xf32>
    tpu.vector_store %arg5[%swap3A_17, %swap3A_18], %mul3A_16 {strides = array<i32>} : memref<1024x128xf32, #tpu.memory_space<vmem>>, vector<1024x128xf32>,
    return
  }
  func.func @transform_0(%arg0: i32) -> (i32, i32) {
    %c0_i32 = arith.constant 0 : i32
    %c0_i32_0 = arith.constant 0 : i32
    return %c0_i32, %arg0 : i32, i32
  }
  func.func @transform_1(%arg0: i32) -> (i32, i32) {
    %c0_i32 = arith.constant 0 : i32
    %c0_i32_0 = arith.constant 0 : i32
    return %arg0, %c0_i32 : i32, i32
  }
  func.func @transform_2(%arg0: i32) -> (i32, i32) {
    %c0_i32 = arith.constant 0 : i32
    %c0_i32_0 = arith.constant 0 : i32
    %c0_i32_1 = arith.constant 0 : i32
    return %c0_i32, %c0_i32_0 : i32, i32
  }
  func.func @transform_3(%arg0: i32) -> (i32, i32) {
    %c0_i32 = arith.constant 0 : i32
    %c0_i32_0 = arith.constant 0 : i32
    return %arg0, %c0_i32 : i32, i32
  }
  func.func @transform_4(%arg0: i32) -> (i32, i32) {
    %c0_i32 = arith.constant 0 : i32
    %c0_i32_0 = arith.constant 0 : i32
    return %arg0, %c0_i32 : i32, i32
  }
}

module attributes {stable_mosaic.version = 14 : i64} {
  func.func @_t2_body(%arg0: i32, %arg1: memref<1024x1xf32, #tpu.memory_space<vmem>>, %arg2: memref<1024x128xf32, #tpu.memory_space<vmem>>, %arg3: memref<2x1024x128xf32, #tpu.memory_space<vmem>>, %arg4: memref<1x128xf32, #tpu.memory_space<vmem>>, %arg5: memref<128x128xf32, #tpu.memory_space<vmem>>, %arg6: memref<1024x128xf32, #tpu.memory_space<vmem>>) attributes {dimension_semantics = [#tpu.dimension_semantics<arbitrary>], iteration_bounds = array<i64: 10>, scalar_prefetch = 0 : i64, scratch_operands = 0 : i64, tpu.core_type = #tpu.core_type<tc>, window_params = [{transform_indices = @transform_0, window_bounds = array<i64: 1024, 1>}, {transform_indices = @transform_1, window_bounds = array<i64: 1024, 128>}, {transform_indices = @transform_2, window_bounds = array<i64: 2, 1024, 128>}, {pipeline_mode = #tpu.pipeline_mode<synchronous>, transform_indices = @transform_3, window_bounds = array<i64: 1, 128>}, {pipeline_mode = #tpu.pipeline_mode<synchronous>, transform_indices = @transform_4, window_bounds = array<i64: 128, 128>}, {transform_indices = @transform_5, window_bounds = array<i64: 1024, 128>}]} {
    %get3A = arith.constant 0 : index
    %get3A_0 = arith.constant 0 : index
    %get3A_1 = vector.load %arg1[%get3A, %get3A_0] : memref<1024x1xf32, #tpu.memory_space<vmem>>, vector<1024x1xf32>
    %get3A_2 = arith.constant 0 : index
    %get3A_3 = arith.constant 0 : index
    %get3A_4 = arith.constant 0 : index
    %get3A_5 = vector.load %arg3[%get3A_2, %get3A_3, %get3A_4] : memref<2x1024x128xf32, #tpu.memory_space<vmem>>, vector<1x1024x128xf32>
    %get3A_6 = vector.shape_cast %get3A_5 : vector<1x1024x128xf32> to vector<1024x128xf32>
    %get3A_7 = arith.constant 1 : index
    %get3A_8 = arith.constant 0 : index
    %get3A_9 = arith.constant 0 : index
    %get3A_10 = vector.load %arg3[%get3A_7, %get3A_8, %get3A_9] : memref<2x1024x128xf32, #tpu.memory_space<vmem>>, vector<1x1024x128xf32>
    %get3A_11 = vector.shape_cast %get3A_10 : vector<1x1024x128xf32> to vector<1024x128xf32>
    %add3A = arith.addf %get3A_6, %get3A_11 : vector<1024x128xf32>
    %get3A_12 = arith.constant 0 : index
    %get3A_13 = arith.constant 0 : index
    %get3A_14 = vector.load %arg2[%get3A_12, %get3A_13] : memref<1024x128xf32, #tpu.memory_space<vmem>>, vector<1024x128xf32>
    %add3A_15 = arith.addf %add3A, %get3A_14 : vector<1024x128xf32>
    %mul3A = vector.broadcast %get3A_1 : vector<1024x1xf32> to vector<1024x128xf32>
    %mul3A_16 = arith.mulf %mul3A, %add3A_15 : vector<1024x128xf32>
    %get3A_17 = arith.constant 0 : index
    %get3A_18 = arith.constant 0 : index
    %get3A_19 = vector.load %arg4[%get3A_17, %get3A_18] : memref<1x128xf32, #tpu.memory_space<vmem>>, vector<1x128xf32>
    %add3A_20 = vector.broadcast %get3A_19 : vector<1x128xf32> to vector<1024x128xf32>
    %add3A_21 = arith.addf %mul3A_16, %add3A_20 : vector<1024x128xf32>
    %max3A = arith.constant 0.000000e+00 : f32
    %max3A_22 = vector.broadcast %max3A : f32 to vector<1024x128xf32>
    %max3A_23 = arith.maximumf %add3A_21, %max3A_22 : vector<1024x128xf32>
    %get3A_24 = arith.constant 0 : index
    %get3A_25 = arith.constant 0 : index
    %get3A_26 = vector.load %arg5[%get3A_24, %get3A_25] : memref<128x128xf32, #tpu.memory_space<vmem>>, vector<128x128xf32>
    %dot_general3A = arith.constant dense<0.000000e+00> : vector<1024x128xf32>
    %dot_general3A_27 = tpu.matmul %max3A_23, %get3A_26, %dot_general3A {dimension_numbers = #tpu.dot_dimension_numbers<[1], [0], [0], [1], [0, 0, 1, 1], [], []>, transpose_lhs_hint = false} : vector<1024x128xf32>, vector<128x128xf32>, vector<1024x128xf32> -> vector<1024x128xf32>
    %mul3A_28 = vector.broadcast %get3A_1 : vector<1024x1xf32> to vector<1024x128xf32>
    %mul3A_29 = arith.mulf %dot_general3A_27, %mul3A_28 : vector<1024x128xf32>
    %swap3A = arith.constant 0 : index
    %swap3A_30 = arith.constant 0 : index
    %swap3A_31 = vector.load %arg6[%swap3A, %swap3A_30] : memref<1024x128xf32, #tpu.memory_space<vmem>>, vector<1024x128xf32>
    tpu.vector_store %arg6[%swap3A, %swap3A_30], %mul3A_29 {strides = array<i32>} : memref<1024x128xf32, #tpu.memory_space<vmem>>, vector<1024x128xf32>,
    return
  }
  func.func @transform_0(%arg0: i32) -> (i32, i32) {
    %c0_i32 = arith.constant 0 : i32
    %c0_i32_0 = arith.constant 0 : i32
    return %arg0, %c0_i32 : i32, i32
  }
  func.func @transform_1(%arg0: i32) -> (i32, i32) {
    %c0_i32 = arith.constant 0 : i32
    %c0_i32_0 = arith.constant 0 : i32
    return %arg0, %c0_i32 : i32, i32
  }
  func.func @transform_2(%arg0: i32) -> (i32, i32, i32) {
    %c0_i32 = arith.constant 0 : i32
    %c0_i32_0 = arith.constant 0 : i32
    %c0_i32_1 = arith.constant 0 : i32
    return %c0_i32, %arg0, %c0_i32_0 : i32, i32, i32
  }
  func.func @transform_3(%arg0: i32) -> (i32, i32) {
    %c0_i32 = arith.constant 0 : i32
    %c0_i32_0 = arith.constant 0 : i32
    %c0_i32_1 = arith.constant 0 : i32
    return %c0_i32, %c0_i32_0 : i32, i32
  }
  func.func @transform_4(%arg0: i32) -> (i32, i32) {
    %c0_i32 = arith.constant 0 : i32
    %c0_i32_0 = arith.constant 0 : i32
    %c0_i32_1 = arith.constant 0 : i32
    return %c0_i32, %c0_i32_0 : i32, i32
  }
  func.func @transform_5(%arg0: i32) -> (i32, i32) {
    %c0_i32 = arith.constant 0 : i32
    %c0_i32_0 = arith.constant 0 : i32
    return %arg0, %c0_i32 : i32, i32
  }
}

module attributes {stable_mosaic.version = 14 : i64} {
  func.func @_t3_body(%arg0: i32, %arg1: memref<1024x1xf32, #tpu.memory_space<vmem>>, %arg2: memref<1024x128xf32, #tpu.memory_space<vmem>>, %arg3: memref<2x1024x128xf32, #tpu.memory_space<vmem>>, %arg4: memref<1x128xf32, #tpu.memory_space<vmem>>, %arg5: memref<1024x64xf32, #tpu.memory_space<vmem>>, %arg6: memref<1024x1xi32, #tpu.memory_space<vmem>>, %arg7: memref<64x64xf32, #tpu.memory_space<vmem>>, %arg8: memref<1x64xf32, #tpu.memory_space<vmem>>, %arg9: memref<64x10xf32, #tpu.memory_space<vmem>>, %arg10: memref<1x10xf32, #tpu.memory_space<vmem>>, %arg11: memref<1024x64xf32, #tpu.memory_space<vmem>>, %arg12: memref<1024x64xf32, #tpu.memory_space<vmem>>, %arg13: memref<1024x64xbf16, #tpu.memory_space<vmem>>, %arg14: memref<64x10xf32, #tpu.memory_space<vmem>>, %arg15: memref<64x64xf32, #tpu.memory_space<vmem>>, %arg16: memref<64x1xf32, #tpu.memory_space<vmem>>) attributes {dimension_semantics = [#tpu.dimension_semantics<arbitrary>], iteration_bounds = array<i64: 10>, scalar_prefetch = 0 : i64, scratch_operands = 2 : i64, tpu.core_type = #tpu.core_type<tc>, window_params = [{transform_indices = @transform_0, window_bounds = array<i64: 1024, 1>}, {transform_indices = @transform_1, window_bounds = array<i64: 1024, 128>}, {transform_indices = @transform_2, window_bounds = array<i64: 2, 1024, 128>}, {pipeline_mode = #tpu.pipeline_mode<synchronous>, transform_indices = @transform_3, window_bounds = array<i64: 1, 128>}, {transform_indices = @transform_4, window_bounds = array<i64: 1024, 64>}, {transform_indices = @transform_5, window_bounds = array<i64: 1024, 1>}, {pipeline_mode = #tpu.pipeline_mode<synchronous>, transform_indices = @transform_6, window_bounds = array<i64: 64, 64>}, {pipeline_mode = #tpu.pipeline_mode<synchronous>, transform_indices = @transform_7, window_bounds = array<i64: 1, 64>}, {pipeline_mode = #tpu.pipeline_mode<synchronous>, transform_indices = @transform_8, window_bounds = array<i64: 64, 10>}, {pipeline_mode = #tpu.pipeline_mode<synchronous>, transform_indices = @transform_9, window_bounds = array<i64: 1, 10>}, {transform_indices = @transform_10, window_bounds = array<i64: 1024, 64>}, {transform_indices = @transform_11, window_bounds = array<i64: 1024, 64>}, {transform_indices = @transform_12, window_bounds = array<i64: 1024, 64>}, {pipeline_mode = #tpu.pipeline_mode<synchronous>, transform_indices = @transform_13, window_bounds = array<i64: 64, 10>}]} {
    %get3A = arith.constant 0 : index
    %get3A_0 = arith.constant 0 : index
    %get3A_1 = vector.load %arg1[%get3A, %get3A_0] : memref<1024x1xf32, #tpu.memory_space<vmem>>, vector<1024x1xf32>
    %get3A_2 = arith.constant 0 : index
    %get3A_3 = arith.constant 0 : index
    %get3A_4 = arith.constant 0 : index
    %get3A_5 = vector.load %arg3[%get3A_2, %get3A_3, %get3A_4] : memref<2x1024x128xf32, #tpu.memory_space<vmem>>, vector<1x1024x128xf32>
    %get3A_6 = vector.shape_cast %get3A_5 : vector<1x1024x128xf32> to vector<1024x128xf32>
    %get3A_7 = arith.constant 1 : index
    %get3A_8 = arith.constant 0 : index
    %get3A_9 = arith.constant 0 : index
    %get3A_10 = vector.load %arg3[%get3A_7, %get3A_8, %get3A_9] : memref<2x1024x128xf32, #tpu.memory_space<vmem>>, vector<1x1024x128xf32>
    %get3A_11 = vector.shape_cast %get3A_10 : vector<1x1024x128xf32> to vector<1024x128xf32>
    %add3A = arith.addf %get3A_6, %get3A_11 : vector<1024x128xf32>
    %get3A_12 = arith.constant 0 : index
    %get3A_13 = arith.constant 0 : index
    %get3A_14 = vector.load %arg2[%get3A_12, %get3A_13] : memref<1024x128xf32, #tpu.memory_space<vmem>>, vector<1024x128xf32>
    %add3A_15 = arith.addf %add3A, %get3A_14 : vector<1024x128xf32>
    %mul3A = vector.broadcast %get3A_1 : vector<1024x1xf32> to vector<1024x128xf32>
    %mul3A_16 = arith.mulf %mul3A, %add3A_15 : vector<1024x128xf32>
    %get3A_17 = arith.constant 0 : index
    %get3A_18 = arith.constant 0 : index
    %get3A_19 = vector.load %arg4[%get3A_17, %get3A_18] : memref<1x128xf32, #tpu.memory_space<vmem>>, vector<1x128xf32>
    %add3A_20 = vector.broadcast %get3A_19 : vector<1x128xf32> to vector<1024x128xf32>
    %add3A_21 = arith.addf %mul3A_16, %add3A_20 : vector<1024x128xf32>
    %slice3A = vector.extract_strided_slice %add3A_21 {offsets = [0, 0], sizes = [1024, 64], strides = [1, 1]} : vector<1024x128xf32> to vector<1024x64xf32>
    %slice3A_22 = vector.extract_strided_slice %add3A_21 {offsets = [0, 64], sizes = [1024, 64], strides = [1, 1]} : vector<1024x128xf32> to vector<1024x64xf32>
    %swap3A = arith.constant 0 : index
    %swap3A_23 = arith.constant 0 : index
    %swap3A_24 = vector.load %arg11[%swap3A, %swap3A_23] : memref<1024x64xf32, #tpu.memory_space<vmem>>, vector<1024x64xf32>
    tpu.vector_store %arg11[%swap3A, %swap3A_23], %slice3A {strides = array<i32>} : memref<1024x64xf32, #tpu.memory_space<vmem>>, vector<1024x64xf32>,
    %swap3A_25 = arith.constant 0 : index
    %swap3A_26 = arith.constant 0 : index
    %swap3A_27 = vector.load %arg12[%swap3A_25, %swap3A_26] : memref<1024x64xf32, #tpu.memory_space<vmem>>, vector<1024x64xf32>
    tpu.vector_store %arg12[%swap3A_25, %swap3A_26], %slice3A_22 {strides = array<i32>} : memref<1024x64xf32, #tpu.memory_space<vmem>>, vector<1024x64xf32>,
    %get3A_28 = arith.constant 0 : index
    %get3A_29 = arith.constant 0 : index
    %get3A_30 = vector.load %arg5[%get3A_28, %get3A_29] : memref<1024x64xf32, #tpu.memory_space<vmem>>, vector<1024x64xf32>
    %mul3A_31 = arith.constant 5.000000e-01 : f32
    %mul3A_32 = vector.broadcast %mul3A_31 : f32 to vector<1024x64xf32>
    %mul3A_33 = arith.mulf %mul3A_32, %slice3A_22 : vector<1024x64xf32>
    %exp3A = math.exp %mul3A_33 : vector<1024x64xf32>
    %mul3A_34 = arith.mulf %get3A_30, %exp3A : vector<1024x64xf32>
    %add3A_35 = arith.addf %slice3A, %mul3A_34 : vector<1024x64xf32>
    %convert_element_type3A = arith.truncf %add3A_35 : vector<1024x64xf32> to vector<1024x64xbf16>
    %swap3A_36 = arith.constant 0 : index
    %swap3A_37 = arith.constant 0 : index
    %swap3A_38 = vector.load %arg13[%swap3A_36, %swap3A_37] : memref<1024x64xbf16, #tpu.memory_space<vmem>>, vector<1024x64xbf16>
    tpu.vector_store %arg13[%swap3A_36, %swap3A_37], %convert_element_type3A {strides = array<i32>} : memref<1024x64xbf16, #tpu.memory_space<vmem>>, vector<1024x64xbf16>,
    %eq3A = arith.constant 0 : i32
    %eq3A_39 = arith.cmpi eq, %arg0, %eq3A : i32
    %convert_element_type3A_40 = arith.extui %eq3A_39 : i1 to i32
    %cond3A = arith.constant 0 : i32
    %cond3A_41 = arith.cmpi ne, %convert_element_type3A_40, %cond3A : i32
    scf.if %cond3A_41 {
      %broadcast_in_dim3A_120 = arith.constant 0.000000e+00 : f32
      %broadcast_in_dim3A_121 = vector.broadcast %broadcast_in_dim3A_120 : f32 to vector<64x64xf32>
      %swap3A_122 = arith.constant 0 : index
      %swap3A_123 = arith.constant 0 : index
      %swap3A_124 = vector.load %arg15[%swap3A_122, %swap3A_123] : memref<64x64xf32, #tpu.memory_space<vmem>>, vector<64x64xf32>
      tpu.vector_store %arg15[%swap3A_122, %swap3A_123], %broadcast_in_dim3A_121 {strides = array<i32>} : memref<64x64xf32, #tpu.memory_space<vmem>>, vector<64x64xf32>,
      %broadcast_in_dim3A_125 = arith.constant 0.000000e+00 : f32
      %broadcast_in_dim3A_126 = vector.broadcast %broadcast_in_dim3A_125 : f32 to vector<64x1xf32>
      %swap3A_127 = arith.constant 0 : index
      %swap3A_128 = arith.constant 0 : index
      %swap3A_129 = vector.load %arg16[%swap3A_127, %swap3A_128] : memref<64x1xf32, #tpu.memory_space<vmem>>, vector<64x1xf32>
      tpu.vector_store %arg16[%swap3A_127, %swap3A_128], %broadcast_in_dim3A_126 {strides = array<i32>} : memref<64x1xf32, #tpu.memory_space<vmem>>, vector<64x1xf32>,
    } else {
    }
    %get3A_42 = arith.constant 0 : index
    %get3A_43 = arith.constant 0 : index
    %get3A_44 = vector.load %arg6[%get3A_42, %get3A_43] : memref<1024x1xi32, #tpu.memory_space<vmem>>, vector<1024x1xi32>
    %iota3A = tpu.iota {dimensions = array<i32: 1>} : vector<1024x64xi32>
    %iota3A_45 = tpu.iota {dimensions = array<i32: 0>} : vector<1024x64xi32>
    %mul3A_46 = arith.constant 1024 : i32
    %mul3A_47 = arith.muli %arg0, %mul3A_46 : i32
    %add3A_48 = vector.broadcast %mul3A_47 : i32 to vector<1024x64xi32>
    %add3A_49 = arith.addi %iota3A_45, %add3A_48 : vector<1024x64xi32>
    %eq3A_50 = vector.broadcast %get3A_44 : vector<1024x1xi32> to vector<1024x64xi32>
    %eq3A_51 = arith.cmpi eq, %eq3A_50, %iota3A : vector<1024x64xi32>
    %lt3A = arith.constant 10000 : i32
    %lt3A_52 = vector.broadcast %lt3A : i32 to vector<1024x64xi32>
    %lt3A_53 = arith.cmpi slt, %add3A_49, %lt3A_52 : vector<1024x64xi32>
    %and3A = arith.andi %eq3A_51, %lt3A_53 : vector<1024x64xi1>
    %convert_element_type3A_54 = arith.extui %and3A : vector<1024x64xi1> to vector<1024x64xi32>
    %convert_element_type3A_55 = arith.sitofp %convert_element_type3A_54 : vector<1024x64xi32> to vector<1024x64xf32>
    %iota3A_56 = tpu.iota {dimensions = array<i32: 0>} : vector<1024x1xi32>
    %mul3A_57 = arith.constant 1024 : i32
    %mul3A_58 = arith.muli %arg0, %mul3A_57 : i32
    %add3A_59 = vector.broadcast %mul3A_58 : i32 to vector<1024x1xi32>
    %add3A_60 = arith.addi %iota3A_56, %add3A_59 : vector<1024x1xi32>
    %lt3A_61 = arith.constant 10000 : i32
    %lt3A_62 = vector.broadcast %lt3A_61 : i32 to vector<1024x1xi32>
    %lt3A_63 = arith.cmpi slt, %add3A_60, %lt3A_62 : vector<1024x1xi32>
    %jit3A = arith.constant 0.000000e+00 : f32
    %broadcast_in_dim3A = vector.shape_cast %lt3A_63 : vector<1024x1xi1> to vector<1024x1xi1>
    %broadcast_in_dim3A_64 = vector.broadcast %broadcast_in_dim3A : vector<1024x1xi1> to vector<1024x64xi1>
    %broadcast_in_dim3A_65 = vector.broadcast %jit3A : f32 to vector<1024x64xf32>
    %select_n3A = arith.select %broadcast_in_dim3A_64, %add3A_35, %broadcast_in_dim3A_65 : vector<1024x64xi1>, vector<1024x64xf32>
    %get3A_66 = arith.constant 0 : index
    %get3A_67 = arith.constant 0 : index
    %get3A_68 = vector.load %arg15[%get3A_66, %get3A_67] : memref<64x64xf32, #tpu.memory_space<vmem>>, vector<64x64xf32>
    %dot_general3A = arith.constant dense<0.000000e+00> : vector<64x64xf32>
    %dot_general3A_69 = tpu.matmul %convert_element_type3A_55, %select_n3A, %dot_general3A {dimension_numbers = #tpu.dot_dimension_numbers<[0], [0], [1], [1], [0, 1, 1, 1], [], []>, transpose_lhs_hint = false} : vector<1024x64xf32>, vector<1024x64xf32>, vector<64x64xf32> -> vector<64x64xf32>
    %add3A_70 = arith.addf %get3A_68, %dot_general3A_69 : vector<64x64xf32>
    %swap3A_71 = arith.constant 0 : index
    %swap3A_72 = arith.constant 0 : index
    %swap3A_73 = vector.load %arg15[%swap3A_71, %swap3A_72] : memref<64x64xf32, #tpu.memory_space<vmem>>, vector<64x64xf32>
    tpu.vector_store %arg15[%swap3A_71, %swap3A_72], %add3A_70 {strides = array<i32>} : memref<64x64xf32, #tpu.memory_space<vmem>>, vector<64x64xf32>,
    %get3A_74 = arith.constant 0 : index
    %get3A_75 = arith.constant 0 : index
    %get3A_76 = vector.load %arg16[%get3A_74, %get3A_75] : memref<64x1xf32, #tpu.memory_space<vmem>>, vector<64x1xf32>
    %broadcast_in_dim3A_77 = arith.constant 1.000000e+00 : f32
    %broadcast_in_dim3A_78 = vector.broadcast %broadcast_in_dim3A_77 : f32 to vector<1024x1xf32>
    %dot_general3A_79 = arith.constant dense<0.000000e+00> : vector<64x1xf32>
    %dot_general3A_80 = tpu.matmul %convert_element_type3A_55, %broadcast_in_dim3A_78, %dot_general3A_79 {dimension_numbers = #tpu.dot_dimension_numbers<[0], [0], [1], [1], [0, 1, 1, 1], [], []>, transpose_lhs_hint = false} : vector<1024x64xf32>, vector<1024x1xf32>, vector<64x1xf32> -> vector<64x1xf32>
    %add3A_81 = arith.addf %get3A_76, %dot_general3A_80 : vector<64x1xf32>
    %swap3A_82 = arith.constant 0 : index
    %swap3A_83 = arith.constant 0 : index
    %swap3A_84 = vector.load %arg16[%swap3A_82, %swap3A_83] : memref<64x1xf32, #tpu.memory_space<vmem>>, vector<64x1xf32>
    tpu.vector_store %arg16[%swap3A_82, %swap3A_83], %add3A_81 {strides = array<i32>} : memref<64x1xf32, #tpu.memory_space<vmem>>, vector<64x1xf32>,
    %get3A_85 = arith.constant 0 : index
    %get3A_86 = arith.constant 0 : index
    %get3A_87 = vector.load %arg15[%get3A_85, %get3A_86] : memref<64x64xf32, #tpu.memory_space<vmem>>, vector<64x64xf32>
    %get3A_88 = arith.constant 0 : index
    %get3A_89 = arith.constant 0 : index
    %get3A_90 = vector.load %arg16[%get3A_88, %get3A_89] : memref<64x1xf32, #tpu.memory_space<vmem>>, vector<64x1xf32>
    %max3A = arith.constant 1.000000e+00 : f32
    %max3A_91 = vector.broadcast %max3A : f32 to vector<64x1xf32>
    %max3A_92 = arith.maximumf %get3A_90, %max3A_91 : vector<64x1xf32>
    %div3A = vector.broadcast %max3A_92 : vector<64x1xf32> to vector<64x64xf32>
    %div3A_93 = arith.divf %get3A_87, %div3A : vector<64x64xf32>
    %get3A_94 = arith.constant 0 : index
    %get3A_95 = arith.constant 0 : index
    %get3A_96 = vector.load %arg7[%get3A_94, %get3A_95] : memref<64x64xf32, #tpu.memory_space<vmem>>, vector<64x64xf32>
    %dot_general3A_97 = arith.constant dense<0.000000e+00> : vector<64x64xf32>
    %dot_general3A_98 = tpu.matmul %div3A_93, %get3A_96, %dot_general3A_97 {dimension_numbers = #tpu.dot_dimension_numbers<[1], [0], [0], [1], [0, 0, 1, 1], [], []>, transpose_lhs_hint = false} : vector<64x64xf32>, vector<64x64xf32>, vector<64x64xf32> -> vector<64x64xf32>
    %get3A_99 = arith.constant 0 : index
    %get3A_100 = arith.constant 0 : index
    %get3A_101 = vector.load %arg8[%get3A_99, %get3A_100] : memref<1x64xf32, #tpu.memory_space<vmem>>, vector<1x64xf32>
    %add3A_102 = vector.broadcast %get3A_101 : vector<1x64xf32> to vector<64x64xf32>
    %add3A_103 = arith.addf %dot_general3A_98, %add3A_102 : vector<64x64xf32>
    %max3A_104 = arith.constant 0.000000e+00 : f32
    %max3A_105 = vector.broadcast %max3A_104 : f32 to vector<64x64xf32>
    %max3A_106 = arith.maximumf %add3A_103, %max3A_105 : vector<64x64xf32>
    %get3A_107 = arith.constant 0 : index
    %get3A_108 = arith.constant 0 : index
    %get3A_109 = vector.load %arg9[%get3A_107, %get3A_108] : memref<64x10xf32, #tpu.memory_space<vmem>>, vector<64x10xf32>
    %dot_general3A_110 = arith.constant dense<0.000000e+00> : vector<64x10xf32>
    %dot_general3A_111 = tpu.matmul %max3A_106, %get3A_109, %dot_general3A_110 {dimension_numbers = #tpu.dot_dimension_numbers<[1], [0], [0], [1], [0, 0, 1, 1], [], []>, transpose_lhs_hint = false} : vector<64x64xf32>, vector<64x10xf32>, vector<64x10xf32> -> vector<64x10xf32>
    %get3A_112 = arith.constant 0 : index
    %get3A_113 = arith.constant 0 : index
    %get3A_114 = vector.load %arg10[%get3A_112, %get3A_113] : memref<1x10xf32, #tpu.memory_space<vmem>>, vector<1x10xf32>
    %add3A_115 = vector.broadcast %get3A_114 : vector<1x10xf32> to vector<64x10xf32>
    %add3A_116 = arith.addf %dot_general3A_111, %add3A_115 : vector<64x10xf32>
    %swap3A_117 = arith.constant 0 : index
    %swap3A_118 = arith.constant 0 : index
    %swap3A_119 = vector.load %arg14[%swap3A_117, %swap3A_118] : memref<64x10xf32, #tpu.memory_space<vmem>>, vector<64x10xf32>
    tpu.vector_store %arg14[%swap3A_117, %swap3A_118], %add3A_116 {strides = array<i32>} : memref<64x10xf32, #tpu.memory_space<vmem>>, vector<64x10xf32>,
    return
  }
  func.func @transform_0(%arg0: i32) -> (i32, i32) {
    %c0_i32 = arith.constant 0 : i32
    %c0_i32_0 = arith.constant 0 : i32
    return %arg0, %c0_i32 : i32, i32
  }
  func.func @transform_1(%arg0: i32) -> (i32, i32) {
    %c0_i32 = arith.constant 0 : i32
    %c0_i32_0 = arith.constant 0 : i32
    return %arg0, %c0_i32 : i32, i32
  }
  func.func @transform_2(%arg0: i32) -> (i32, i32, i32) {
    %c0_i32 = arith.constant 0 : i32
    %c0_i32_0 = arith.constant 0 : i32
    %c0_i32_1 = arith.constant 0 : i32
    return %c0_i32, %arg0, %c0_i32_0 : i32, i32, i32
  }
  func.func @transform_3(%arg0: i32) -> (i32, i32) {
    %c0_i32 = arith.constant 0 : i32
    %c0_i32_0 = arith.constant 0 : i32
    %c0_i32_1 = arith.constant 0 : i32
    return %c0_i32, %c0_i32_0 : i32, i32
  }
  func.func @transform_4(%arg0: i32) -> (i32, i32) {
    %c0_i32 = arith.constant 0 : i32
    %c0_i32_0 = arith.constant 0 : i32
    return %arg0, %c0_i32 : i32, i32
  }
  func.func @transform_5(%arg0: i32) -> (i32, i32) {
    %c0_i32 = arith.constant 0 : i32
    %c0_i32_0 = arith.constant 0 : i32
    return %arg0, %c0_i32 : i32, i32
  }
  func.func @transform_6(%arg0: i32) -> (i32, i32) {
    %c0_i32 = arith.constant 0 : i32
    %c0_i32_0 = arith.constant 0 : i32
    %c0_i32_1 = arith.constant 0 : i32
    return %c0_i32, %c0_i32_0 : i32, i32
  }
  func.func @transform_7(%arg0: i32) -> (i32, i32) {
    %c0_i32 = arith.constant 0 : i32
    %c0_i32_0 = arith.constant 0 : i32
    %c0_i32_1 = arith.constant 0 : i32
    return %c0_i32, %c0_i32_0 : i32, i32
  }
  func.func @transform_8(%arg0: i32) -> (i32, i32) {
    %c0_i32 = arith.constant 0 : i32
    %c0_i32_0 = arith.constant 0 : i32
    %c0_i32_1 = arith.constant 0 : i32
    return %c0_i32, %c0_i32_0 : i32, i32
  }
  func.func @transform_9(%arg0: i32) -> (i32, i32) {
    %c0_i32 = arith.constant 0 : i32
    %c0_i32_0 = arith.constant 0 : i32
    %c0_i32_1 = arith.constant 0 : i32
    return %c0_i32, %c0_i32_0 : i32, i32
  }
  func.func @transform_10(%arg0: i32) -> (i32, i32) {
    %c0_i32 = arith.constant 0 : i32
    %c0_i32_0 = arith.constant 0 : i32
    return %arg0, %c0_i32 : i32, i32
  }
  func.func @transform_11(%arg0: i32) -> (i32, i32) {
    %c0_i32 = arith.constant 0 : i32
    %c0_i32_0 = arith.constant 0 : i32
    return %arg0, %c0_i32 : i32, i32
  }
  func.func @transform_12(%arg0: i32) -> (i32, i32) {
    %c0_i32 = arith.constant 0 : i32
    %c0_i32_0 = arith.constant 0 : i32
    return %arg0, %c0_i32 : i32, i32
  }
  func.func @transform_13(%arg0: i32) -> (i32, i32) {
    %c0_i32 = arith.constant 0 : i32
    %c0_i32_0 = arith.constant 0 : i32
    %c0_i32_1 = arith.constant 0 : i32
    return %c0_i32, %c0_i32_0 : i32, i32
  }
}

module attributes {stable_mosaic.version = 14 : i64} {
  func.func @_t4_body(%arg0: i32, %arg1: i32, %arg2: memref<2000x64xbf16, #tpu.memory_space<vmem>>, %arg3: memref<2048x64xbf16, #tpu.memory_space<vmem>>, %arg4: memref<2000x2048xf32, #tpu.memory_space<vmem>>) attributes {dimension_semantics = [#tpu.dimension_semantics<arbitrary>, #tpu.dimension_semantics<arbitrary>], iteration_bounds = array<i64: 5, 5>, scalar_prefetch = 0 : i64, scratch_operands = 0 : i64, tpu.core_type = #tpu.core_type<tc>, window_params = [{transform_indices = @transform_0, window_bounds = array<i64: 2000, 64>}, {transform_indices = @transform_1, window_bounds = array<i64: 2048, 64>}, {transform_indices = @transform_2, window_bounds = array<i64: 2000, 2048>}]} {
    %get3A = arith.constant 0 : index
    %get3A_0 = arith.constant 0 : index
    %get3A_1 = vector.load %arg2[%get3A, %get3A_0] : memref<2000x64xbf16, #tpu.memory_space<vmem>>, vector<2000x64xbf16>
    %get3A_2 = arith.constant 0 : index
    %get3A_3 = arith.constant 0 : index
    %get3A_4 = vector.load %arg3[%get3A_2, %get3A_3] : memref<2048x64xbf16, #tpu.memory_space<vmem>>, vector<2048x64xbf16>
    %dot_general3A = arith.constant dense<0.000000e+00> : vector<2000x2048xf32>
    %dot_general3A_5 = tpu.matmul %get3A_1, %get3A_4, %dot_general3A {dimension_numbers = #tpu.dot_dimension_numbers<[1], [1], [0], [0], [0, 0, 1, 0], [], []>, transpose_lhs_hint = false} : vector<2000x64xbf16>, vector<2048x64xbf16>, vector<2000x2048xf32> -> vector<2000x2048xf32>
    %mul3A = arith.constant 5.000000e-01 : f32
    %mul3A_6 = vector.broadcast %mul3A : f32 to vector<2000x2048xf32>
    %mul3A_7 = arith.mulf %mul3A_6, %dot_general3A_5 : vector<2000x2048xf32>
    %tanh3A = math.tanh %mul3A_7 : vector<2000x2048xf32>
    %mul3A_8 = arith.constant 5.000000e-01 : f32
    %mul3A_9 = vector.broadcast %mul3A_8 : f32 to vector<2000x2048xf32>
    %mul3A_10 = arith.mulf %mul3A_9, %tanh3A : vector<2000x2048xf32>
    %add3A = arith.constant 5.000000e-01 : f32
    %add3A_11 = vector.broadcast %add3A : f32 to vector<2000x2048xf32>
    %add3A_12 = arith.addf %add3A_11, %mul3A_10 : vector<2000x2048xf32>
    %swap3A = arith.constant 0 : index
    %swap3A_13 = arith.constant 0 : index
    %swap3A_14 = vector.load %arg4[%swap3A, %swap3A_13] : memref<2000x2048xf32, #tpu.memory_space<vmem>>, vector<2000x2048xf32>
    tpu.vector_store %arg4[%swap3A, %swap3A_13], %add3A_12 {strides = array<i32>} : memref<2000x2048xf32, #tpu.memory_space<vmem>>, vector<2000x2048xf32>,
    return
  }
  func.func @transform_0(%arg0: i32, %arg1: i32) -> (i32, i32) {
    %c0_i32 = arith.constant 0 : i32
    %c0_i32_0 = arith.constant 0 : i32
    return %arg0, %c0_i32 : i32, i32
  }
  func.func @transform_1(%arg0: i32, %arg1: i32) -> (i32, i32) {
    %c0_i32 = arith.constant 0 : i32
    %c0_i32_0 = arith.constant 0 : i32
    return %arg1, %c0_i32 : i32, i32
  }
  func.func @transform_2(%arg0: i32, %arg1: i32) -> (i32, i32) {
    %c0_i32 = arith.constant 0 : i32
    return %arg0, %arg1 : i32, i32
  }
}

</mosaic_0001>

<sc_bundles>
// kernel: kernel.12.cloned.1.call-start
scs
__scs_entry_jumppad:
0x0: {  	(pc) =	sbr.rel $0x88, $3  }
0x1: {  	(tag) =	ssettag $0x0;
	lr =	simm.s32 $0x1  }
0x2: {  	[smem:$0x3F93] =	sst lr;
	_ =	strace $0xD0000000  }
0x3: {  	_ = 	snop  }
0x4: {  	_ = 	snop  }
0x5: {  	_ = 	snop  }
0x6: {  	_ = 	snop  }
0x7: {  	_ = 	snop  }
__scs_overlays_trampoline_lowered:
0x8: {  	[smem:$0x3FA2] =	sst s0  }
0x9: {  	[smem:$0x3FA3] =	sst s1  }
0xa: {  	[smem:$0x3FA4] =	sst s2  }
0xb: {  	[smem:$0x3FA5] =	sst s3  }
0xc: {  	[smem:$0x3FA6] =	sst s4  }
0xd: {  	[smem:$0x3FA7] =	sst s5  }
0xe: {  	[smem:$0x3FA8] =	sst s6  }
0xf: {  	[smem:$0x3FA9] =	sst s7  }
0x10: {  	[smem:$0x3FAA] =	sst s8  }
0x11: {  	[smem:$0x3FAB] =	sst s9;
	s0 =	simm.s32 @!p0 $0x0  }
0x12: {  	s1 =	sld [smem:$0x3F91];
	s0 =	simm.s32 @p0 $0x1  }
0x13: {  	[smem:$0x3FAC] =	sst s0;
	s0 =	simm.s32 @!p1 $0x0  }
0x14: {  	s2 =	sld [smem:$0x3F90];
	s0 =	simm.s32 @p1 $0x1  }
0x15: {  	[smem:$0x3FAD] =	sst s0;
	s0 =	simm.s32 @!p2 $0x0  }
0x16: {  	s3 =	sld [smem:$0x3FDB];
	s0 =	simm.s32 @p2 $0x1  }
0x17: {  	s4 =	simm.s32 $0x1BF5;
	[smem:$0x3FAF] =	sst s0  }
0x18: {  	s0 =	sld [smem:$0x3F92];
	_ =	swait.ge [sflag:s4], $0x0  }
0x19: {  	s7 =	sld [smem:$0x3F93]  }
0x1a: {  	s8 =	sadd.s32 $0xFFFFE003, lr  }
0x1b: {  	s9 =	sadd.s32 $0xFFFFFEF7, lr;
	s5 =	simm.s32 $0xFFFFFFFF;
	p2 =	slt.u32 s8, $0xFFFFF086  }
0x1c: {  	p1 =	slt.u32 s9, $0xF7A;
	s5 =	simm.s32 @!p2 $0x0  }
0x1d: {  	s5 =	simm.s32 @p1 $0x1;
	p0 =	seq.s32 s7, s2  }
0x1e: {  	s7 =	smul.u32 @!p0 $0xF7A, s2;
	p2 =	seq.s32 @!p0 s5, $0x0  }
0x1f: {  	s9 =	smul.u32 $0xF7A, s1;
	s8 =	simm.s32 @!p0 $0x1BF5;
	p2 =	por !p2, p0  }
0x20: {  	[sflag:s8] =	ssyncset.s32 @!p0 $0xFFFFF086;
	s6 =	sadd.s32 @!p0 s3, s7;
	s7 =	simm.s32 @!p0 $0x108  }
0x21: {  	s3 =	sadd.s32 s3, s9;
	s6 =	sadd.s32 @!p0 $0x88, s6;
	s7 =	simm.s32 @p2 $0x1082  }
0x22: {  	[simem:s7], [sflag:s8] =	dma.local @!p0 [hbm:s6], $0xF7A  }
0x23: {  	s9 =	sor.u32 $0xD0000000, s2;
	s6 =	simm.s32 $0x108;
	_ =	swait.ge @!p0 [sflag:s8], $0x0  }
0x24: {  	s3 =	sadd.s32 $0x88, s3;
	s6 =	simm.s32 @!p1 $0x1082;
	[sflag:s4] =	ssyncset.s32 $0xFFFFF086  }
0x25: {  	[simem:s6], [sflag:s4] =	dma.local [hbm:s3], $0xF7A  }
0x26: {  	[smem:$0x3F93] =	sst s1;
	(tag) =	ssettag s2;
	_ =	strace s9  }
0x27: {  	s1 =	sld [smem:$0x3FA3]  }
0x28: {  	s2 =	sld [smem:$0x3FA4]  }
0x29: {  	s4 =	sld [smem:$0x3FA6]  }
0x2a: {  	p0 =	seq.s32 s5, $0x0;
	s5 =	sld [smem:$0x3FA7]  }
0x2b: {  	s6 =	sld [smem:$0x3FA8]  }
0x2c: {  	s7 =	sld [smem:$0x3FA9]  }
0x2d: {  	s3 =	simm.s32 $0x108;
	s8 =	sld [smem:$0x3FAA]  }
0x2e: {  	s3 =	simm.s32 @!p0 $0x1082;
	s9 =	sld [smem:$0x3FAB]  }
0x2f: {  	lr =	sadd.s32 s0, s3;
	s0 =	sld [smem:$0x3FA2]  }
0x30: {  	s3 =	sld [smem:$0x3FA5]  }
0x31: {  	[smem:$0x3FAE] =	sst s10  }
0x32: {  	s10 =	sld [smem:$0x3FAC];
	_ =	sdelay $0x3  }
0x33: {  	p0 =	seq.s32 s10, $0x1;
	s10 =	sld [smem:$0x3FAE];
	_ =	sdelay $0x3  }
0x34: {  	[smem:$0x3FAE] =	sst s10  }
0x35: {  	s10 =	sld [smem:$0x3FAD];
	_ =	sdelay $0x3  }
0x36: {  	p1 =	seq.s32 s10, $0x1;
	s10 =	sld [smem:$0x3FAE];
	_ =	sdelay $0x3  }
0x37: {  	[smem:$0x3FAE] =	sst s10  }
0x38: {  	s10 =	sld [smem:$0x3FAF]  }
0x39: {  	_ = 	snop;
	(pc) =	sbr.ind lr, $3  }
0x3a: {  	_ = 	snop  }
0x3b: {  	_ = 	snop  }
0x3c: {  	p2 =	seq.s32 s10, $0x1;
	s10 =	sld [smem:$0x3FAE]  }
0x3d: {  	_ =	shalt  }
0x3e: {  	_ =	shalt  }
0x3f: {  	_ =	shalt  }
0x40: {  	_ =	shalt  }
0x41: {  	_ =	shalt  }
0x42: {  	_ =	shalt  }
0x43: {  	_ =	shalt  }
0x44: {  	_ =	shalt  }
0x45: {  	_ =	shalt  }
0x46: {  	_ =	shalt  }
0x47: {  	_ =	shalt  }
0x48: {  	_ =	shalt  }
0x49: {  	_ =	shalt  }
0x4a: {  	_ =	shalt  }
0x4b: {  	_ =	shalt  }
0x4c: {  	_ =	shalt  }
0x4d: {  	_ =	shalt  }
0x4e: {  	_ =	shalt  }
0x4f: {  	_ =	shalt  }
0x50: {  	_ =	shalt  }
0x51: {  	_ =	shalt  }
0x52: {  	_ =	shalt  }
0x53: {  	_ =	shalt  }
0x54: {  	_ =	shalt  }
0x55: {  	_ =	shalt  }
0x56: {  	_ =	shalt  }
0x57: {  	_ =	shalt  }
0x58: {  	_ =	shalt  }
0x59: {  	_ =	shalt  }
0x5a: {  	_ =	shalt  }
0x5b: {  	_ =	shalt  }
0x5c: {  	_ =	shalt  }
0x5d: {  	_ =	shalt  }
0x5e: {  	_ =	shalt  }
0x5f: {  	_ =	shalt  }
0x60: {  	_ =	shalt  }
0x61: {  	_ =	shalt  }
0x62: {  	_ =	shalt  }
0x63: {  	_ =	shalt  }
0x64: {  	_ =	shalt  }
0x65: {  	_ =	shalt  }
0x66: {  	_ =	shalt  }
0x67: {  	_ =	shalt  }
0x68: {  	_ =	shalt  }
0x69: {  	_ =	shalt  }
0x6a: {  	_ =	shalt  }
0x6b: {  	_ =	shalt  }
0x6c: {  	_ =	shalt  }
0x6d: {  	_ =	shalt  }
0x6e: {  	_ =	shalt  }
0x6f: {  	_ =	shalt  }
0x70: {  	_ =	shalt  }
0x71: {  	_ =	shalt  }
0x72: {  	_ =	shalt  }
0x73: {  	_ =	shalt  }
0x74: {  	_ =	shalt  }
0x75: {  	_ =	shalt  }
0x76: {  	_ =	shalt  }
0x77: {  	_ =	shalt  }
0x78: {  	_ =	shalt  }
0x79: {  	_ =	shalt  }
0x7a: {  	_ =	shalt  }
0x7b: {  	_ =	shalt  }
0x7c: {  	_ =	shalt  }
0x7d: {  	_ =	shalt  }
0x7e: {  	_ =	shalt  }
0x7f: {  	_ =	shalt  }
0x80: {  	_ =	shalt  }
0x81: {  	_ =	shalt  }
0x82: {  	_ =	shalt  }
0x83: {  	_ =	shalt  }
0x84: {  	_ =	shalt  }
0x85: {  	_ =	shalt  }
0x86: {  	_ =	shalt  }
0x87: {  	_ =	shalt  }
.Lfunc_end0:
.L_simem_size_0:
called_computation.1_lowered:
.L_overlay_start_0:
0x88: {  	s2 =	sld [smem:$0x3FD9]  }
0x89: {  	s3 =	sld [smem:$0x3FFE];
	_ =	sdelay $0x1  }
0x8a: {  	s1 =	srdreg.scid  }
0x8b: {  	s0 =	sand.u32 $0x1, s1  }
0x8c: {  	s14 =	sshll.u32 s0, $0xA;
	s2 =	sadd.s32 s3, s2  }
0x8d: {  	s2 =	sadd.s32 s2, s14  }
0x8e: {  	[smem:$0x3FBA] =	sst s2  }
0x8f: {  	_ = 	snop  }
0x90: {  	s2 =	sld [smem:$0x3FD0];
	_ =	sdelay $0x2  }
0x91: {  	s15 =	simm.s32 $0xA;
	s4 =	simm.s32 $0x10  }
0x92: {  	[smem:s4], [sflag:s15] =	dma.local [hbm:s2], $0x1  }
0x93: {  	_ =	swait.eq [sflag:s15], $0x1  }
0x94: {  	s16 =	sld [smem:$0x10];
	[sflag:s15] =	ssyncset.done $0x0  }
0x95: {  	s17 =	sld [smem:$0x11];
	[sflag:s15] =	ssyncadd.s32 $0xFFFFFFFF  }
0x96: {  	s18 =	sld [smem:$0x12];
	(tm) =	ssettm $0x1  }
0x97: {  	s5 =	sld [smem:$0x3FFB];
	_ =	sdelay $0x3  }
0x98: {  	_ =	strace s5  }
0x99: {  	s5 =	sld [smem:$0x3FFC];
	_ =	sdelay $0x3  }
0x9a: {  	_ =	strace s5  }
0x9b: {  	s5 =	sld [smem:$0x3FFD];
	_ =	sdelay $0x3  }
0x9c: {  	_ =	strace s5  }
0x9d: {  	_ =	strace $0x8FFFFFFF  }
0x9e: {  	s19 =	sld [smem:$0x3FDB];
	_ =	sdelay $0x1  }
0x9f: {  	s6 =	simm.s32 $_scs_section_size  }
0xa0: {  	s7 =	simm.s32 $_size__tile_overlayer_lowered;
	s8 =	simm.s32 $_tile_overlayer_lowered  }
0xa1: {  	s22 =	simm.s32 $0x1BFF;
	s21 =	sshll.u32 s8, $0x1;
	s5 =	sadd.s32 s6, s19  }
0xa2: {  	s9 =	simm.s32 $0x0;
	s20 =	sshll.u32 s7, $0x1;
	s7 =	sadd.s32 s21, s5  }
0xa3: {  	[timem:s9], [sflag:s22] =	dma.local [hbm:s7], s20  }
0xa4: {  	_ =	swait.ge [sflag:s22], s20  }
0xa5: {  	s6 =	ssub.s32 $0x0, s20;
	[sflag:s22] =	ssyncset.done $0x0  }
0xa6: {  	[sflag:s22] =	ssyncadd.s32 s6;
	_ =	sdelay $0x1  }
0xa7: {  	s23 =	simm.s32 $0x1B8B  }
0xa8: {  	_ =	swait.ge [sflag:s23], $0x1  }
0xa9: {  	[sflag:s23] =	ssyncset.done $0x0  }
0xaa: {  	s25 =	simm.s32 $0x1B8E;
	s24 =	sld [smem:$0x3FFE];
	[sflag:s23] =	ssyncadd.s32 $0xFFFFFFFF  }
0xab: {  	s26 =	simm.s32 $execute0_lowered;
	[smem:$0x3FD2] =	sst s25  }
0xac: {  	s7 =	sshll.u32 s26, $0x1;
	_ =	strace $0x80000049;
	[dreg:$0x1] =	wrdreg $0xFFFFFFFF  }
0xad: {  	s28 =	simm.s32 $_size_execute0_lowered;
	s5 =	sadd.s32 s5, s7;
	[dreg:$0x0] =	wrdreg $0x0  }
0xae: {  	s7 =	sshll.u32 s28, $0x1;
	[dreg:$0x2] =	wrdreg s5  }
0xaf: {  	[dreg:$0x3] =	wrdreg s7  }
0xb0: {  	[dreg:$0x4] =	wrdreg $0xC0  }
0xb1: {  	_ =	task [dreg:s9], $0x5FFFF  }
0xb2: {  	[dreg:$0x1] =	wrdreg $0xFFFFFFFF  }
0xb3: {  	[dreg:$0x0] =	wrdreg $0x60  }
0xb4: {  	[dreg:$0x2] =	wrdreg s24  }
0xb5: {  	[dreg:$0x3] =	wrdreg s17  }
0xb6: {  	[dreg:$0x4] =	wrdreg s18  }
0xb7: {  	[dreg:$0x5] =	wrdreg s16  }
0xb8: {  	[dreg:$0x6] =	wrdreg $0xB8000  }
0xb9: {  	[dreg:$0x7] =	wrdreg $0x9  }
0xba: {  	_ =	task.clear_ibuf [dreg:s9], $0x8FFFF;
	_ =	strace $0x90000049  }
0xbb: {  	s29 =	simm.s32 $0x9;
	_ =	strace $0x8000004B  }
0xbc: {  	_ =	swait.ge [sflag:s29], $0x1  }
0xbd: {  	[sflag:s29] =	ssyncadd.s32 $0xFFFFFFFF  }
0xbe: {  	_ =	strace $0x9000004B  }
0xbf: {  	_ =	sfence  }
0xc0: {  	s30 =	sld [smem:$0x0];
	_ =	sdelay $0x2  }
0xc1: {  	s31 =	sshll.u32 s1, $0xD;
	s1 =	sshrl.u32 s1, $0x2  }
0xc2: {  	s3 =	sand.u32 $0x4000, s31;
	s1 =	sadd.s32 s1, s30  }
0xc3: {  	s0 =	sor.u32 s3, s0;
	s1 =	sshll.u32 s1, $0x11  }
0xc4: {  	s0 =	sor.u32 s1, s0  }
0xc5: {  	s0 =	sadd.s32 $0x8F2B, s0  }
0xc6: {  	[sflag:s0] =	ssyncadd.remote.s32 $0x1  }
0xc7: {  	_ =	sfence.sel $0xFFFF  }
0xc8: {  	[dreg:$0x0] =	wrdreg $0xFFFFFFFF;
	(pc) =	sbr.abs _section_cstart, $3  }
0xc9: {  	[dreg:$0x1] =	wrdreg $0xFFFFFFFF  }
0xca: {  	_ =	task.clear_ibuf [dreg:s9], $0x2FFFF;
	_ =	strace $0x9FFFFFFF  }
0xcb: {  	(tm) =	ssettm $0x7FFFFFFF  }
tec
execute0_lowered:
.L_overlay_start_1:
0x0: {  	(tag) =	ssettag $0x1  }
0x1: {  	s1 =	rddreg [dreg:$0x0]  }
0x2: {  	s5 =	rddreg [dreg:$0x1]  }
0x3: {  	s6 =	rddreg [dreg:$0x2]  }
0x4: {  	s9 =	rddreg [dreg:$0x3]  }
0x5: {  	s0 =	srdreg.scid;
	s2 =	rddreg [dreg:$0x4]  }
0x6: {  	s14 =	simm.s32 $0x6800;
	s16 =	simm.s32 $0x7C00;
	s18 =	simm.s32 $0x9000  }
0x7: {  	s20 =	simm.s32 $0xA400;
	s21 =	simm.s32 $0x1;
	s22 =	simm.s32 $0x2  }
0x8: {  	s23 =	simm.s32 $0x3;
	s24 =	simm.s32 $0x4;
	s29 =	simm.s32 $0x5100  }
0x9: {  	s30 =	simm.s32 $0x5180;
	s31 =	simm.s32 $0x5200;
	s4 =	sand.u32 $0x1, s0  }
0xa: {  	s0 =	stileid.u32;
	s3 =	sshll.u32 s4, $0x4;
	s11 =	smul.u32 $0x138800, s4  }
0xb: {  	s10 =	ssub.s32 $0x2, s4;
	s13 =	smul.u32 $0x1400, s0;
	s4 =	sadd.s32 $0x2800, s1  }
0xc: {  	s26 =	smul.u32 $0x5000, s0;
	s7 =	sor.u32 s0, s3;
	s3 =	simm.s32 $0x0  }
0xd: {  	s12 =	sshrl.u32 s10, $0x1;
	s8 =	smul.u32 $0x271, s7;
	[smem:$0x7FF] =	sst s3  }
0xe: {  	s25 =	ssub.s32 s10, s12;
	s7 =	sshll.u32 s7, $0xB;
	s28 =	sadd.s32 s13, s11  }
0xf: {  	s10 =	sshrl.u32 s26, $0x2;
	s12 =	simm.s32 $0x28;
	s13 =	simm.s32 $0x5400  }
0x10: {  	_ =	strace $0x8000004A;
	s6 =	sadd.s32 s6, s7;
	s11 =	sshrl.u32 s28, $0x3  }
0x11: {  	s7 =	smax.u32 s25, $0x1;
	s25 =	simm.s32 $0x5;
	s5 =	sadd.s32 s5, s8  }
0x12: {  	v0 =	vimm.f32 $0.0e+00;
	s8 =	sadd.s32 s10, s2;
	s9 =	sadd.s32 s11, s9;
	s10 =	simm.s32 $0x6  }
.LBB2_1:
0x13: {  	s1 =	simm.s32 $0x0;
	s11 =	simm.s32 $0x0  }
.LBB2_2:
0x14: {  	p0 =	sne.s32 s11, $0x4FC0  }
.Ltmp0:
0x15: {  	_ = 	snop;
	(pc) =	sbr.rel @p0 .LBB2_2-.Ltmp0, $4  }
0x16: {  	s15 =	sand.u32 $0x7E00, s11  }
0x17: {  	s17 =	sand.u32 $0x70, s1;
	s15 =	sshrl.u32 s15, $0x2  }
0x18: {  	s15 =	sor.u32 s17, s15  }
0x19: {  	s1 =	sadd.s32 $0x10, s1;
	s11 =	sadd.s32 $0x40, s11;
	[tilespmem:s15+$0x5400] =	vst v0  }
0x1a: {  	s1 =	sadd.s32 $0x0, s0  }
0x1b: {  	p0 =	sgt.u32 s1, $0xF9  }
0x1c: {  	s1 =	simm.s32 @!p0 $0x5400;
	s17 =	simm.s32 @!p0 $0x6  }
0x1d: {  	[spmem:s8] =	stream.linear.scatter @!p0 [tilespmem:s1], [sflag:$0x6], $0x1400, $0x38;
	[tilespmem:$0x1F080] =	vst v63  }
0x1e: {  	s11 =	simm.s32 $0x10;
	_ =	swait.ge @!p0 [sflag:s17], $0x1400  }
0x1f: {  	s15 =	simm.s32 $0x20;
	s1 =	sadd.s32 $0x14000, s8;
	[sflag:s17] =	ssyncset.done @!p0 $0x0  }
.LBB2_4:
0x20: {  	s19 =	sadd.s32 s11, s0;
	s11 =	smov.u32 s15;
	s15 =	sadd.s32 $0x10, s15  }
0x21: {  	[sflag:s17] =	ssyncadd.s32 @!p0 $0xFFFFEC00;
	p1 =	sne.s32 s15, $0x100  }
.Ltmp1:
0x22: {  	p0 =	sgt.u32 s19, $0xF9;
	(pc) =	sbr.rel @p1 .LBB2_4-.Ltmp1, $4  }
0x23: {  	s19 =	simm.s32 @!p0 $0x5400;
	s17 =	simm.s32 @!p0 $0x6  }
0x24: {  	[spmem:s1] =	stream.linear.scatter @!p0 [tilespmem:s19], [sflag:$0x6], $0x1400, $0x38;
	[tilespmem:$0x1F080] =	vst v63  }
0x25: {  	_ =	swait.ge @!p0 [sflag:s17], $0x1400  }
0x26: {  	s1 =	sadd.s32 $0x14000, s1;
	[sflag:s17] =	ssyncset.done @!p0 $0x0  }
0x27: {  	s11 =	sadd.s32 s11, s0  }
0x28: {  	p1 =	sgt.u32 s11, $0xF9  }
0x29: {  	[sflag:s17] =	ssyncadd.s32 @!p0 $0xFFFFEC00;
	s11 =	simm.s32 @!p1 $0x5400;
	s15 =	simm.s32 @!p1 $0x6  }
0x2a: {  	[spmem:s1] =	stream.linear.scatter @!p1 [tilespmem:s11], [sflag:$0x6], $0x1400, $0x38;
	[tilespmem:$0x1F080] =	vst v63  }
0x2b: {  	_ =	swait.ge @!p1 [sflag:s15], $0x1400  }
0x2c: {  	[sflag:s15] =	ssyncset.done @!p1 $0x0  }
0x2d: {  	[sflag:s15] =	ssyncadd.s32 @!p1 $0xFFFFEC00  }
0x2e: {  	s26 =	simm.s32 $0x0;
	[bflag:$0x0] =	sbarrier.arrive $0xFFFF  }
0x2f: {  	[tilespmem:s26], [sflag:$0x6] =	stream.linear.gather [hbm4b:s5+s26], $0x1388, $0x38;
	[tilespmem:$0x1F080] =	vst v63  }
0x30: {  	_ =	swait.ge [sflag:s10], $0x1388  }
0x31: {  	[sflag:s10] =	ssyncset.done $0x0  }
0x32: {  	s28 =	simm.s32 $0x1400;
	[sflag:s10] =	ssyncadd.s32 $0xFFFFEC78  }
0x33: {  	[tilespmem:s28], [sflag:$0x6] =	stream.linear.gather [hbm4b:s6+s26], $0x3E80, $0x38;
	[tilespmem:$0x1F080] =	vst v63  }
0x34: {  	_ =	swait.ge [sflag:s10], $0x3E80  }
0x35: {  	[sflag:s10] =	ssyncset.done $0x0  }
0x36: {  	[sflag:s10] =	ssyncadd.s32 $0xFFFFC180  }
0x37: {  	[tilespmem:s13], [sflag:$0x1] =	stream.indirect.gather [hbm4b:s4+s12], $0x80, s26, s12, $0xb8;
	[tilespmem:$0x1F080] =	vst v63  }
0x38: {  	_ = 	snop  }
0x39: {  	[tilespmem:s14], [sflag:$0x2] =	stream.indirect.gather [hbm4b:s4+s12], $0x80, s12, s12, $0xb8;
	[tilespmem:$0x1F080] =	vst v63  }
0x3a: {  	s11 =	simm.s32 $0x50  }
0x3b: {  	[tilespmem:s16], [sflag:$0x3] =	stream.indirect.gather [hbm4b:s4+s12], $0x80, s11, s12, $0xb8;
	[tilespmem:$0x1F080] =	vst v63  }
0x3c: {  	s15 =	simm.s32 $0x78  }
0x3d: {  	[tilespmem:s18], [sflag:$0x4] =	stream.indirect.gather [hbm4b:s4+s12], $0x80, s15, s12, $0xb8;
	[tilespmem:$0x1F080] =	vst v63  }
0x3e: {  	s17 =	simm.s32 $0xA0  }
0x3f: {  	[tilespmem:s20], [sflag:$0x5] =	stream.indirect.gather [hbm4b:s4+s12], $0x80, s17, s12, $0xb8;
	[tilespmem:$0x1F080] =	vst v63  }
0x40: {  	_ =	swait.ge [sflag:s21], $0x1400  }
0x41: {  	[sflag:s21] =	ssyncset.done $0x0  }
0x42: {  	s19 =	simm.s32 $0x1400;
	[sflag:s21] =	ssyncadd.s32 $0xFFFFEC00  }
0x43: {  	[spmem:s2] =	stream.indirect.scatter.add.f32 [tilespmem:s13], [sflag:$0x6], $0x80, s19, s12, $0xb8;
	[tilespmem:$0x1F080] =	vst v63  }
0x44: {  	_ =	swait.ge [sflag:s10], $0x1400  }
0x45: {  	[sflag:s10] =	ssyncset.done $0x0  }
0x46: {  	s26 =	simm.s32 $0xC8;
	[sflag:s10] =	ssyncadd.s32 $0xFFFFEC00  }
0x47: {  	[tilespmem:s13], [sflag:$0x1] =	stream.indirect.gather [hbm4b:s4+s12], $0x80, s26, s12, $0xb8;
	[tilespmem:$0x1F080] =	vst v63  }
0x48: {  	_ =	swait.ge [sflag:s22], $0x1400  }
0x49: {  	[sflag:s22] =	ssyncset.done $0x0  }
0x4a: {  	s28 =	simm.s32 $0x1480;
	[sflag:s22] =	ssyncadd.s32 $0xFFFFEC00  }
0x4b: {  	[spmem:s2] =	stream.indirect.scatter.add.f32 [tilespmem:s14], [sflag:$0x6], $0x80, s28, s12, $0xb8;
	[tilespmem:$0x1F080] =	vst v63  }
0x4c: {  	_ =	swait.ge [sflag:s10], $0x1400  }
0x4d: {  	[sflag:s10] =	ssyncset.done $0x0  }
0x4e: {  	s11 =	simm.s32 $0xF0;
	[sflag:s10] =	ssyncadd.s32 $0xFFFFEC00  }
0x4f: {  	[tilespmem:s14], [sflag:$0x2] =	stream.indirect.gather [hbm4b:s4+s12], $0x80, s11, s12, $0xb8;
	[tilespmem:$0x1F080] =	vst v63  }
0x50: {  	_ =	swait.ge [sflag:s23], $0x1400  }
0x51: {  	[sflag:s23] =	ssyncset.done $0x0  }
0x52: {  	s15 =	simm.s32 $0x1500;
	[sflag:s23] =	ssyncadd.s32 $0xFFFFEC00  }
0x53: {  	[spmem:s2] =	stream.indirect.scatter.add.f32 [tilespmem:s16], [sflag:$0x6], $0x80, s15, s12, $0xb8;
	[tilespmem:$0x1F080] =	vst v63  }
0x54: {  	_ =	swait.ge [sflag:s10], $0x1400  }
0x55: {  	[sflag:s10] =	ssyncset.done $0x0  }
0x56: {  	s17 =	simm.s32 $0x118;
	[sflag:s10] =	ssyncadd.s32 $0xFFFFEC00  }
0x57: {  	[tilespmem:s16], [sflag:$0x3] =	stream.indirect.gather [hbm4b:s4+s12], $0x80, s17, s12, $0xb8;
	[tilespmem:$0x1F080] =	vst v63  }
0x58: {  	_ =	swait.ge [sflag:s24], $0x1400  }
0x59: {  	[sflag:s24] =	ssyncset.done $0x0  }
0x5a: {  	s19 =	simm.s32 $0x1580;
	[sflag:s24] =	ssyncadd.s32 $0xFFFFEC00  }
0x5b: {  	[spmem:s2] =	stream.indirect.scatter.add.f32 [tilespmem:s18], [sflag:$0x6], $0x80, s19, s12, $0xb8;
	[tilespmem:$0x1F080] =	vst v63  }
0x5c: {  	_ =	swait.ge [sflag:s10], $0x1400  }
0x5d: {  	[sflag:s10] =	ssyncset.done $0x0  }
0x5e: {  	s26 =	simm.s32 $0x140;
	[sflag:s10] =	ssyncadd.s32 $0xFFFFEC00  }
0x5f: {  	[tilespmem:s18], [sflag:$0x4] =	stream.indirect.gather [hbm4b:s4+s12], $0x80, s26, s12, $0xb8;
	[tilespmem:$0x1F080] =	vst v63  }
0x60: {  	_ =	swait.ge [sflag:s25], $0x1400  }
0x61: {  	[sflag:s25] =	ssyncset.done $0x0  }
0x62: {  	s28 =	simm.s32 $0x1600;
	[sflag:s25] =	ssyncadd.s32 $0xFFFFEC00  }
0x63: {  	[spmem:s2] =	stream.indirect.scatter.add.f32 [tilespmem:s20], [sflag:$0x6], $0x80, s28, s12, $0xb8;
	[tilespmem:$0x1F080] =	vst v63  }
0x64: {  	_ =	swait.ge [sflag:s10], $0x1400  }
0x65: {  	s1 =	simm.s32 $0x168;
	[sflag:s10] =	ssyncset.done $0x0  }
0x66: {  	s11 =	simm.s32 $0xA00;
	s15 =	simm.s32 $0x230;
	[sflag:s10] =	ssyncadd.s32 $0xFFFFEC00  }
.LBB2_6:
0x67: {  	[tilespmem:s20], [sflag:$0x5] =	stream.indirect.gather [hbm4b:s4+s12], $0x80, s1, s12, $0xb8;
	[tilespmem:$0x1F080] =	vst v63  }
0x68: {  	s17 =	smov.u32 s11;
	s1 =	smov.u32 s15  }
0x69: {  	p0 =	sne.s32 s11, $0xE600;
	s11 =	sadd.s32 $0xA00, s11;
	_ =	swait.ge [sflag:s21], $0x1400  }
0x6a: {  	s17 =	sshra.s32 s17, $0x2;
	[sflag:s21] =	ssyncset.done $0x0  }
0x6b: {  	s19 =	sadd.s32 $0x1400, s17;
	[sflag:s21] =	ssyncadd.s32 $0xFFFFEC00  }
0x6c: {  	[spmem:s2] =	stream.indirect.scatter.add.f32 [tilespmem:s13], [sflag:$0x6], $0x80, s19, s12, $0xb8;
	[tilespmem:$0x1F080] =	vst v63  }
0x6d: {  	_ =	swait.ge [sflag:s10], $0x1400  }
0x6e: {  	[sflag:s10] =	ssyncset.done $0x0  }
0x6f: {  	s19 =	sadd.s32 $0xFFFFFF60, s15;
	[sflag:s10] =	ssyncadd.s32 $0xFFFFEC00  }
0x70: {  	[tilespmem:s13], [sflag:$0x1] =	stream.indirect.gather [hbm4b:s4+s12], $0x80, s19, s12, $0xb8;
	[tilespmem:$0x1F080] =	vst v63  }
0x71: {  	_ =	swait.ge [sflag:s22], $0x1400  }
0x72: {  	[sflag:s22] =	ssyncset.done $0x0  }
0x73: {  	s19 =	sadd.s32 $0x1480, s17;
	[sflag:s22] =	ssyncadd.s32 $0xFFFFEC00  }
0x74: {  	[spmem:s2] =	stream.indirect.scatter.add.f32 [tilespmem:s14], [sflag:$0x6], $0x80, s19, s12, $0xb8;
	[tilespmem:$0x1F080] =	vst v63  }
0x75: {  	_ =	swait.ge [sflag:s10], $0x1400  }
0x76: {  	[sflag:s10] =	ssyncset.done $0x0  }
0x77: {  	s19 =	sadd.s32 $0xFFFFFF88, s15;
	[sflag:s10] =	ssyncadd.s32 $0xFFFFEC00  }
0x78: {  	[tilespmem:s14], [sflag:$0x2] =	stream.indirect.gather [hbm4b:s4+s12], $0x80, s19, s12, $0xb8;
	[tilespmem:$0x1F080] =	vst v63  }
0x79: {  	_ =	swait.ge [sflag:s23], $0x1400  }
0x7a: {  	[sflag:s23] =	ssyncset.done $0x0  }
0x7b: {  	s19 =	sadd.s32 $0x1500, s17;
	[sflag:s23] =	ssyncadd.s32 $0xFFFFEC00  }
0x7c: {  	[spmem:s2] =	stream.indirect.scatter.add.f32 [tilespmem:s16], [sflag:$0x6], $0x80, s19, s12, $0xb8;
	[tilespmem:$0x1F080] =	vst v63  }
0x7d: {  	_ =	swait.ge [sflag:s10], $0x1400  }
0x7e: {  	[sflag:s10] =	ssyncset.done $0x0  }
0x7f: {  	s19 =	sadd.s32 $0xFFFFFFB0, s15;
	[sflag:s10] =	ssyncadd.s32 $0xFFFFEC00  }
0x80: {  	[tilespmem:s16], [sflag:$0x3] =	stream.indirect.gather [hbm4b:s4+s12], $0x80, s19, s12, $0xb8;
	[tilespmem:$0x1F080] =	vst v63  }
0x81: {  	_ =	swait.ge [sflag:s24], $0x1400  }
0x82: {  	[sflag:s24] =	ssyncset.done $0x0  }
0x83: {  	s19 =	sadd.s32 $0x1580, s17;
	[sflag:s24] =	ssyncadd.s32 $0xFFFFEC00  }
0x84: {  	[spmem:s2] =	stream.indirect.scatter.add.f32 [tilespmem:s18], [sflag:$0x6], $0x80, s19, s12, $0xb8;
	[tilespmem:$0x1F080] =	vst v63  }
0x85: {  	_ =	swait.ge [sflag:s10], $0x1400  }
0x86: {  	[sflag:s10] =	ssyncset.done $0x0  }
0x87: {  	s19 =	sadd.s32 $0xFFFFFFD8, s15;
	[sflag:s10] =	ssyncadd.s32 $0xFFFFEC00  }
0x88: {  	[tilespmem:s18], [sflag:$0x4] =	stream.indirect.gather [hbm4b:s4+s12], $0x80, s19, s12, $0xb8;
	[tilespmem:$0x1F080] =	vst v63  }
0x89: {  	_ =	swait.ge [sflag:s25], $0x1400  }
0x8a: {  	[sflag:s25] =	ssyncset.done $0x0  }
.Ltmp2:
0x8b: {  	s17 =	sadd.s32 $0x1600, s17;
	[sflag:s25] =	ssyncadd.s32 $0xFFFFEC00;
	(pc) =	sbr.rel @p0 .LBB2_6-.Ltmp2, $4  }
0x8c: {  	[spmem:s2] =	stream.indirect.scatter.add.f32 [tilespmem:s20], [sflag:$0x6], $0x80, s17, s12, $0xb8;
	[tilespmem:$0x1F080] =	vst v63  }
0x8d: {  	_ =	swait.ge [sflag:s10], $0x1400  }
0x8e: {  	[sflag:s10] =	ssyncset.done $0x0  }
0x8f: {  	s15 =	sadd.s32 $0xC8, s15;
	[sflag:s10] =	ssyncadd.s32 $0xFFFFEC00  }
0x90: {  	[tilespmem:s20], [sflag:$0x5] =	stream.indirect.gather [hbm4b:s4+s12], $0x80, s1, s12, $0xb8;
	[tilespmem:$0x1F080] =	vst v63  }
0x91: {  	_ =	swait.ge [sflag:s21], $0x1400  }
0x92: {  	[sflag:s21] =	ssyncset.done $0x0  }
0x93: {  	s19 =	simm.s32 $0x5000;
	[sflag:s21] =	ssyncadd.s32 $0xFFFFEC00  }
0x94: {  	[spmem:s2] =	stream.indirect.scatter.add.f32 [tilespmem:s13], [sflag:$0x6], $0x80, s19, s12, $0xb8;
	[tilespmem:$0x1F080] =	vst v63  }
0x95: {  	_ =	swait.ge [sflag:s10], $0x1400  }
0x96: {  	[sflag:s10] =	ssyncset.done $0x0  }
0x97: {  	[sflag:s10] =	ssyncadd.s32 $0xFFFFEC00  }
0x98: {  	_ =	swait.ge [sflag:s22], $0x1400  }
0x99: {  	[sflag:s22] =	ssyncset.done $0x0  }
0x9a: {  	s26 =	simm.s32 $0x5080;
	[sflag:s22] =	ssyncadd.s32 $0xFFFFEC00  }
0x9b: {  	[spmem:s2] =	stream.indirect.scatter.add.f32 [tilespmem:s14], [sflag:$0x6], $0x80, s26, s12, $0xb8;
	[tilespmem:$0x1F080] =	vst v63  }
0x9c: {  	_ =	swait.ge [sflag:s10], $0x1400  }
0x9d: {  	[sflag:s10] =	ssyncset.done $0x0  }
0x9e: {  	[sflag:s10] =	ssyncadd.s32 $0xFFFFEC00  }
0x9f: {  	_ =	swait.ge [sflag:s23], $0x1400  }
0xa0: {  	[sflag:s23] =	ssyncset.done $0x0  }
0xa1: {  	[sflag:s23] =	ssyncadd.s32 $0xFFFFEC00  }
0xa2: {  	[spmem:s2] =	stream.indirect.scatter.add.f32 [tilespmem:s16], [sflag:$0x6], $0x80, s29, s12, $0xb8;
	[tilespmem:$0x1F080] =	vst v63  }
0xa3: {  	_ =	swait.ge [sflag:s10], $0x1400  }
0xa4: {  	[sflag:s10] =	ssyncset.done $0x0  }
0xa5: {  	[sflag:s10] =	ssyncadd.s32 $0xFFFFEC00  }
0xa6: {  	_ =	swait.ge [sflag:s24], $0x1400  }
0xa7: {  	[sflag:s24] =	ssyncset.done $0x0  }
0xa8: {  	[sflag:s24] =	ssyncadd.s32 $0xFFFFEC00  }
0xa9: {  	[spmem:s2] =	stream.indirect.scatter.add.f32 [tilespmem:s18], [sflag:$0x6], $0x80, s30, s12, $0xb8;
	[tilespmem:$0x1F080] =	vst v63  }
0xaa: {  	_ =	swait.ge [sflag:s10], $0x1400  }
0xab: {  	[sflag:s10] =	ssyncset.done $0x0  }
0xac: {  	[sflag:s10] =	ssyncadd.s32 $0xFFFFEC00  }
0xad: {  	_ =	swait.ge [sflag:s25], $0x1400  }
0xae: {  	[sflag:s25] =	ssyncset.done $0x0  }
0xaf: {  	[sflag:s25] =	ssyncadd.s32 $0xFFFFEC00  }
0xb0: {  	[spmem:s2] =	stream.indirect.scatter.add.f32 [tilespmem:s20], [sflag:$0x6], $0x80, s31, s12, $0xb8;
	[tilespmem:$0x1F080] =	vst v63  }
0xb1: {  	s28 =	sadd.s32 $0x0, s0;
	_ =	swait.ge [sflag:s10], $0x1400  }
0xb2: {  	p0 =	sgt.u32 s28, $0xF9;
	[sflag:s10] =	ssyncset.done $0x0  }
0xb3: {  	s1 =	sshll.u32 @!p0 s0, $0x6;
	s11 =	sshrl.u32 @!p0 s8, $0x3;
	[sflag:s10] =	ssyncadd.s32 $0xFFFFEC00  }
0xb4: {  	s17 =	simm.s32 @!p0 $0x6;
	s1 =	sor.u32 @!p0 $0x1C06, s1;
	[bflag:$0x0] =	sbarrier.arrive $0xFFFF  }
0xb5: {  	[hbm:s9], [sflag:s1] =	dma.local @!p0 [spmem:s11], $0x280  }
0xb6: {  	s15 =	simm.s32 $0x20;
	s19 =	sadd.s32 $0x10, s0;
	_ =	swait.ge @!p0 [sflag:s17], $0x280  }
0xb7: {  	s1 =	sadd.s32 $0x14000, s8;
	s11 =	sadd.s32 $0x2800, s9;
	[sflag:s17] =	ssyncset.done @!p0 $0x0  }
.LBB2_8:
0xb8: {  	[sflag:s17] =	ssyncadd.s32 @!p0 $0xFFFFFD80  }
0xb9: {  	p0 =	sgt.u32 s19, $0xF9;
	s19 =	smov.u32 s15;
	s15 =	sadd.s32 $0x10, s15  }
0xba: {  	p1 =	sne.s32 s15, $0x100  }
.Ltmp3:
0xbb: {  	s17 =	sshll.u32 @!p0 s0, $0x6;
	s26 =	sshrl.u32 @!p0 s1, $0x3;
	(pc) =	sbr.rel @p1 .LBB2_8-.Ltmp3, $4  }
0xbc: {  	s28 =	sor.u32 @!p0 $0x1C06, s17;
	s17 =	simm.s32 @!p0 $0x6  }
0xbd: {  	[hbm:s11], [sflag:s28] =	dma.local @!p0 [spmem:s26], $0x280  }
0xbe: {  	s1 =	sadd.s32 $0x14000, s1;
	_ =	swait.ge @!p0 [sflag:s17], $0x280  }
0xbf: {  	s19 =	sadd.s32 s19, s0;
	s11 =	sadd.s32 $0x2800, s11;
	[sflag:s17] =	ssyncset.done @!p0 $0x0  }
0xc0: {  	p1 =	sgt.u32 s19, $0xF9;
	[sflag:s17] =	ssyncadd.s32 @!p0 $0xFFFFFD80;
	s3 =	sadd.s32 $0x1, s3  }
0xc1: {  	s15 =	sshll.u32 @!p1 s0, $0x6;
	s1 =	sshrl.u32 @!p1 s1, $0x3;
	p0 =	sne.s32 s3, s7  }
.Ltmp4:
0xc2: {  	s17 =	simm.s32 @!p1 $0x6;
	s15 =	sor.u32 @!p1 $0x1C06, s15;
	(pc) =	sbr.rel @p0 .LBB2_1-.Ltmp4, $4  }
0xc3: {  	[hbm:s11], [sflag:s15] =	dma.local @!p1 [spmem:s1], $0x280  }
0xc4: {  	_ =	swait.ge @!p1 [sflag:s17], $0x280  }
0xc5: {  	[sflag:s17] =	ssyncset.done @!p1 $0x0  }
0xc6: {  	[sflag:s17] =	ssyncadd.s32 @!p1 $0xFFFFFD80  }
0xc7: {  	_ =	sfence.sel $0x180000  }
0xc8: {  	[bflag:$0x0] =	sbarrier.arrive $0xFFFF  }
0xc9: {  	_ =	strace $0x9000004A  }
0xca: {  	[bflag:$0x2] =	sbarrier.arrive $0xFFFF  }
0xcb: {  	p0 =	sne.s32 s0, $0x0;
	s0 =	rddreg [dreg:$0x5]  }
0xcc: {  	s0 =	sadd.s32 @!p0 $0x100000, s0  }
0xcd: {  	[sflag:s0] =	ssyncadd.tile.s32 @!p0 $0x1;
	_ =	shalt  }
.Lfunc_end2:
_tile_overlayer_lowered:
.L_overlay_start_2:
0xce: {  	(tag) =	ssettag $0x2  }
0xcf: {  	s0 =	rddreg [dreg:$0x0];
	s2 =	stileid.u32  }
0xd0: {  	s1 =	rddreg [dreg:$0x1];
	p0 =	sne.s32 s2, $0x0  }
0xd1: {  	s3 =	rddreg [dreg:$0x2];
	[bflag:$0x3] =	sbarrier.arrive $0xFFFF;
	s2 =	simm.s32 @!p0 $0x1C06  }
0xd2: {  	[timem:s3], [sflag:s2] =	dma.local @!p0 [hbm:s0], s1  }
0xd3: {  	s0 =	simm.s32 @!p0 $0x6  }
0xd4: {  	_ =	swait.ge @!p0 [sflag:s0], s1  }
0xd5: {  	s1 =	ssub.s32 @!p0 $0x0, s1;
	[sflag:s0] =	ssyncset.done @!p0 $0x0  }
0xd6: {  	[sflag:s0] =	ssyncadd.s32 @!p0 s1  }
0xd7: {  	[bflag:$0x3] =	sbarrier.arrive $0xFFFF  }
0xd8: {  	_ =	shalt  }

// kernel: kernel.15.cloned.1.call-start
scs
__scs_entry_jumppad:
0x0: {  	(pc) =	sbr.rel $0x88, $3  }
0x1: {  	(tag) =	ssettag $0x0;
	lr =	simm.s32 $0x1  }
0x2: {  	[smem:$0x3F93] =	sst lr;
	_ =	strace $0xD0000000  }
0x3: {  	_ = 	snop  }
0x4: {  	_ = 	snop  }
0x5: {  	_ = 	snop  }
0x6: {  	_ = 	snop  }
0x7: {  	_ = 	snop  }
__scs_overlays_trampoline_lowered:
0x8: {  	[smem:$0x3FA2] =	sst s0  }
0x9: {  	[smem:$0x3FA3] =	sst s1  }
0xa: {  	[smem:$0x3FA4] =	sst s2  }
0xb: {  	[smem:$0x3FA5] =	sst s3  }
0xc: {  	[smem:$0x3FA6] =	sst s4  }
0xd: {  	[smem:$0x3FA7] =	sst s5  }
0xe: {  	[smem:$0x3FA8] =	sst s6  }
0xf: {  	[smem:$0x3FA9] =	sst s7  }
0x10: {  	[smem:$0x3FAA] =	sst s8  }
0x11: {  	[smem:$0x3FAB] =	sst s9;
	s0 =	simm.s32 @!p0 $0x0  }
0x12: {  	s1 =	sld [smem:$0x3F91];
	s0 =	simm.s32 @p0 $0x1  }
0x13: {  	[smem:$0x3FAC] =	sst s0;
	s0 =	simm.s32 @!p1 $0x0  }
0x14: {  	s2 =	sld [smem:$0x3F90];
	s0 =	simm.s32 @p1 $0x1  }
0x15: {  	[smem:$0x3FAD] =	sst s0;
	s0 =	simm.s32 @!p2 $0x0  }
0x16: {  	s3 =	sld [smem:$0x3FDB];
	s0 =	simm.s32 @p2 $0x1  }
0x17: {  	s4 =	simm.s32 $0x1BF5;
	[smem:$0x3FAF] =	sst s0  }
0x18: {  	s0 =	sld [smem:$0x3F92];
	_ =	swait.ge [sflag:s4], $0x0  }
0x19: {  	s7 =	sld [smem:$0x3F93]  }
0x1a: {  	s8 =	sadd.s32 $0xFFFFE003, lr  }
0x1b: {  	s9 =	sadd.s32 $0xFFFFFEF7, lr;
	s5 =	simm.s32 $0xFFFFFFFF;
	p2 =	slt.u32 s8, $0xFFFFF086  }
0x1c: {  	p1 =	slt.u32 s9, $0xF7A;
	s5 =	simm.s32 @!p2 $0x0  }
0x1d: {  	s5 =	simm.s32 @p1 $0x1;
	p0 =	seq.s32 s7, s2  }
0x1e: {  	s7 =	smul.u32 @!p0 $0xF7A, s2;
	p2 =	seq.s32 @!p0 s5, $0x0  }
0x1f: {  	s9 =	smul.u32 $0xF7A, s1;
	s8 =	simm.s32 @!p0 $0x1BF5;
	p2 =	por !p2, p0  }
0x20: {  	[sflag:s8] =	ssyncset.s32 @!p0 $0xFFFFF086;
	s6 =	sadd.s32 @!p0 s3, s7;
	s7 =	simm.s32 @!p0 $0x108  }
0x21: {  	s3 =	sadd.s32 s3, s9;
	s6 =	sadd.s32 @!p0 $0x88, s6;
	s7 =	simm.s32 @p2 $0x1082  }
0x22: {  	[simem:s7], [sflag:s8] =	dma.local @!p0 [hbm:s6], $0xF7A  }
0x23: {  	s9 =	sor.u32 $0xD0000000, s2;
	s6 =	simm.s32 $0x108;
	_ =	swait.ge @!p0 [sflag:s8], $0x0  }
0x24: {  	s3 =	sadd.s32 $0x88, s3;
	s6 =	simm.s32 @!p1 $0x1082;
	[sflag:s4] =	ssyncset.s32 $0xFFFFF086  }
0x25: {  	[simem:s6], [sflag:s4] =	dma.local [hbm:s3], $0xF7A  }
0x26: {  	[smem:$0x3F93] =	sst s1;
	(tag) =	ssettag s2;
	_ =	strace s9  }
0x27: {  	s1 =	sld [smem:$0x3FA3]  }
0x28: {  	s2 =	sld [smem:$0x3FA4]  }
0x29: {  	s4 =	sld [smem:$0x3FA6]  }
0x2a: {  	p0 =	seq.s32 s5, $0x0;
	s5 =	sld [smem:$0x3FA7]  }
0x2b: {  	s6 =	sld [smem:$0x3FA8]  }
0x2c: {  	s7 =	sld [smem:$0x3FA9]  }
0x2d: {  	s3 =	simm.s32 $0x108;
	s8 =	sld [smem:$0x3FAA]  }
0x2e: {  	s3 =	simm.s32 @!p0 $0x1082;
	s9 =	sld [smem:$0x3FAB]  }
0x2f: {  	lr =	sadd.s32 s0, s3;
	s0 =	sld [smem:$0x3FA2]  }
0x30: {  	s3 =	sld [smem:$0x3FA5]  }
0x31: {  	[smem:$0x3FAE] =	sst s10  }
0x32: {  	s10 =	sld [smem:$0x3FAC];
	_ =	sdelay $0x3  }
0x33: {  	p0 =	seq.s32 s10, $0x1;
	s10 =	sld [smem:$0x3FAE];
	_ =	sdelay $0x3  }
0x34: {  	[smem:$0x3FAE] =	sst s10  }
0x35: {  	s10 =	sld [smem:$0x3FAD];
	_ =	sdelay $0x3  }
0x36: {  	p1 =	seq.s32 s10, $0x1;
	s10 =	sld [smem:$0x3FAE];
	_ =	sdelay $0x3  }
0x37: {  	[smem:$0x3FAE] =	sst s10  }
0x38: {  	s10 =	sld [smem:$0x3FAF]  }
0x39: {  	_ = 	snop;
	(pc) =	sbr.ind lr, $3  }
0x3a: {  	_ = 	snop  }
0x3b: {  	_ = 	snop  }
0x3c: {  	p2 =	seq.s32 s10, $0x1;
	s10 =	sld [smem:$0x3FAE]  }
0x3d: {  	_ =	shalt  }
0x3e: {  	_ =	shalt  }
0x3f: {  	_ =	shalt  }
0x40: {  	_ =	shalt  }
0x41: {  	_ =	shalt  }
0x42: {  	_ =	shalt  }
0x43: {  	_ =	shalt  }
0x44: {  	_ =	shalt  }
0x45: {  	_ =	shalt  }
0x46: {  	_ =	shalt  }
0x47: {  	_ =	shalt  }
0x48: {  	_ =	shalt  }
0x49: {  	_ =	shalt  }
0x4a: {  	_ =	shalt  }
0x4b: {  	_ =	shalt  }
0x4c: {  	_ =	shalt  }
0x4d: {  	_ =	shalt  }
0x4e: {  	_ =	shalt  }
0x4f: {  	_ =	shalt  }
0x50: {  	_ =	shalt  }
0x51: {  	_ =	shalt  }
0x52: {  	_ =	shalt  }
0x53: {  	_ =	shalt  }
0x54: {  	_ =	shalt  }
0x55: {  	_ =	shalt  }
0x56: {  	_ =	shalt  }
0x57: {  	_ =	shalt  }
0x58: {  	_ =	shalt  }
0x59: {  	_ =	shalt  }
0x5a: {  	_ =	shalt  }
0x5b: {  	_ =	shalt  }
0x5c: {  	_ =	shalt  }
0x5d: {  	_ =	shalt  }
0x5e: {  	_ =	shalt  }
0x5f: {  	_ =	shalt  }
0x60: {  	_ =	shalt  }
0x61: {  	_ =	shalt  }
0x62: {  	_ =	shalt  }
0x63: {  	_ =	shalt  }
0x64: {  	_ =	shalt  }
0x65: {  	_ =	shalt  }
0x66: {  	_ =	shalt  }
0x67: {  	_ =	shalt  }
0x68: {  	_ =	shalt  }
0x69: {  	_ =	shalt  }
0x6a: {  	_ =	shalt  }
0x6b: {  	_ =	shalt  }
0x6c: {  	_ =	shalt  }
0x6d: {  	_ =	shalt  }
0x6e: {  	_ =	shalt  }
0x6f: {  	_ =	shalt  }
0x70: {  	_ =	shalt  }
0x71: {  	_ =	shalt  }
0x72: {  	_ =	shalt  }
0x73: {  	_ =	shalt  }
0x74: {  	_ =	shalt  }
0x75: {  	_ =	shalt  }
0x76: {  	_ =	shalt  }
0x77: {  	_ =	shalt  }
0x78: {  	_ =	shalt  }
0x79: {  	_ =	shalt  }
0x7a: {  	_ =	shalt  }
0x7b: {  	_ =	shalt  }
0x7c: {  	_ =	shalt  }
0x7d: {  	_ =	shalt  }
0x7e: {  	_ =	shalt  }
0x7f: {  	_ =	shalt  }
0x80: {  	_ =	shalt  }
0x81: {  	_ =	shalt  }
0x82: {  	_ =	shalt  }
0x83: {  	_ =	shalt  }
0x84: {  	_ =	shalt  }
0x85: {  	_ =	shalt  }
0x86: {  	_ =	shalt  }
0x87: {  	_ =	shalt  }
.Lfunc_end0:
.L_simem_size_0:
called_computation.2_lowered:
.L_overlay_start_0:
0x88: {  	s2 =	sld [smem:$0x3FD9]  }
0x89: {  	s3 =	sld [smem:$0x3FFE];
	_ =	sdelay $0x1  }
0x8a: {  	s1 =	srdreg.scid  }
0x8b: {  	s0 =	sand.u32 $0x1, s1  }
0x8c: {  	s14 =	sshll.u32 s0, $0xA;
	s2 =	sadd.s32 s3, s2  }
0x8d: {  	s2 =	sadd.s32 s2, s14  }
0x8e: {  	[smem:$0x3FBA] =	sst s2  }
0x8f: {  	_ = 	snop  }
0x90: {  	s2 =	sld [smem:$0x3FD0];
	_ =	sdelay $0x2  }
0x91: {  	s15 =	simm.s32 $0xA;
	s4 =	simm.s32 $0x10  }
0x92: {  	[smem:s4], [sflag:s15] =	dma.local [hbm:s2], $0x1  }
0x93: {  	_ =	swait.eq [sflag:s15], $0x1  }
0x94: {  	s16 =	sld [smem:$0x10];
	[sflag:s15] =	ssyncset.done $0x0  }
0x95: {  	s17 =	sld [smem:$0x11];
	[sflag:s15] =	ssyncadd.s32 $0xFFFFFFFF  }
0x96: {  	s18 =	sld [smem:$0x12];
	(tm) =	ssettm $0x1  }
0x97: {  	s5 =	sld [smem:$0x3FFB];
	_ =	sdelay $0x3  }
0x98: {  	_ =	strace s5  }
0x99: {  	s5 =	sld [smem:$0x3FFC];
	_ =	sdelay $0x3  }
0x9a: {  	_ =	strace s5  }
0x9b: {  	s5 =	sld [smem:$0x3FFD];
	_ =	sdelay $0x3  }
0x9c: {  	_ =	strace s5  }
0x9d: {  	_ =	strace $0x8FFFFFFF  }
0x9e: {  	s19 =	sld [smem:$0x3FDB];
	_ =	sdelay $0x1  }
0x9f: {  	s6 =	simm.s32 $_scs_section_size  }
0xa0: {  	s7 =	simm.s32 $_size__tile_overlayer_lowered;
	s8 =	simm.s32 $_tile_overlayer_lowered  }
0xa1: {  	s22 =	simm.s32 $0x1BFF;
	s21 =	sshll.u32 s8, $0x1;
	s5 =	sadd.s32 s6, s19  }
0xa2: {  	s9 =	simm.s32 $0x0;
	s20 =	sshll.u32 s7, $0x1;
	s7 =	sadd.s32 s21, s5  }
0xa3: {  	[timem:s9], [sflag:s22] =	dma.local [hbm:s7], s20  }
0xa4: {  	_ =	swait.ge [sflag:s22], s20  }
0xa5: {  	s6 =	ssub.s32 $0x0, s20;
	[sflag:s22] =	ssyncset.done $0x0  }
0xa6: {  	[sflag:s22] =	ssyncadd.s32 s6;
	_ =	sdelay $0x1  }
0xa7: {  	s23 =	simm.s32 $0x1B8B  }
0xa8: {  	_ =	swait.ge [sflag:s23], $0x1  }
0xa9: {  	[sflag:s23] =	ssyncset.done $0x0  }
0xaa: {  	s25 =	simm.s32 $0x1B8E;
	s24 =	sld [smem:$0x3FFE];
	[sflag:s23] =	ssyncadd.s32 $0xFFFFFFFF  }
0xab: {  	s26 =	simm.s32 $execute0_lowered;
	[smem:$0x3FD2] =	sst s25  }
0xac: {  	s7 =	sshll.u32 s26, $0x1;
	_ =	strace $0x8000004C;
	[dreg:$0x1] =	wrdreg $0xFFFFFFFF  }
0xad: {  	s28 =	simm.s32 $_size_execute0_lowered;
	s5 =	sadd.s32 s5, s7;
	[dreg:$0x0] =	wrdreg $0x0  }
0xae: {  	s7 =	sshll.u32 s28, $0x1;
	[dreg:$0x2] =	wrdreg s5  }
0xaf: {  	[dreg:$0x3] =	wrdreg s7  }
0xb0: {  	[dreg:$0x4] =	wrdreg $0xC0  }
0xb1: {  	_ =	task [dreg:s9], $0x5FFFF  }
0xb2: {  	[dreg:$0x1] =	wrdreg $0xFFFFFFFF  }
0xb3: {  	[dreg:$0x0] =	wrdreg $0x60  }
0xb4: {  	[dreg:$0x2] =	wrdreg s24  }
0xb5: {  	[dreg:$0x3] =	wrdreg s17  }
0xb6: {  	[dreg:$0x4] =	wrdreg s18  }
0xb7: {  	[dreg:$0x5] =	wrdreg s16  }
0xb8: {  	[dreg:$0x6] =	wrdreg $0xB8000  }
0xb9: {  	[dreg:$0x7] =	wrdreg $0x9  }
0xba: {  	_ =	task.clear_ibuf [dreg:s9], $0x8FFFF;
	_ =	strace $0x9000004C  }
0xbb: {  	s29 =	simm.s32 $0x9;
	_ =	strace $0x8000004E  }
0xbc: {  	_ =	swait.ge [sflag:s29], $0x1  }
0xbd: {  	[sflag:s29] =	ssyncadd.s32 $0xFFFFFFFF  }
0xbe: {  	_ =	strace $0x9000004E  }
0xbf: {  	_ =	sfence  }
0xc0: {  	s30 =	sld [smem:$0x0];
	_ =	sdelay $0x2  }
0xc1: {  	s31 =	sshll.u32 s1, $0xD;
	s1 =	sshrl.u32 s1, $0x2  }
0xc2: {  	s3 =	sand.u32 $0x4000, s31;
	s1 =	sadd.s32 s1, s30  }
0xc3: {  	s0 =	sor.u32 s3, s0;
	s1 =	sshll.u32 s1, $0x11  }
0xc4: {  	s0 =	sor.u32 s1, s0  }
0xc5: {  	s0 =	sadd.s32 $0x8F2B, s0  }
0xc6: {  	[sflag:s0] =	ssyncadd.remote.s32 $0x1  }
0xc7: {  	_ =	sfence.sel $0xFFFF  }
0xc8: {  	[dreg:$0x0] =	wrdreg $0xFFFFFFFF;
	(pc) =	sbr.abs _section_cstart, $3  }
0xc9: {  	[dreg:$0x1] =	wrdreg $0xFFFFFFFF  }
0xca: {  	_ =	task.clear_ibuf [dreg:s9], $0x2FFFF;
	_ =	strace $0x9FFFFFFF  }
0xcb: {  	(tm) =	ssettm $0x7FFFFFFF  }
tec
execute0_lowered:
.L_overlay_start_1:
0x0: {  	(tag) =	ssettag $0x1  }
0x1: {  	s1 =	rddreg [dreg:$0x0]  }
0x2: {  	s5 =	rddreg [dreg:$0x1]  }
0x3: {  	s6 =	rddreg [dreg:$0x2]  }
0x4: {  	s9 =	rddreg [dreg:$0x3]  }
0x5: {  	s0 =	srdreg.scid;
	s2 =	rddreg [dreg:$0x4]  }
0x6: {  	s14 =	simm.s32 $0x6800;
	s16 =	simm.s32 $0x7C00;
	s18 =	simm.s32 $0x9000  }
0x7: {  	s20 =	simm.s32 $0xA400;
	s21 =	simm.s32 $0x1;
	s22 =	simm.s32 $0x2  }
0x8: {  	s23 =	simm.s32 $0x3;
	s24 =	simm.s32 $0x4;
	s29 =	simm.s32 $0x5100  }
0x9: {  	s30 =	simm.s32 $0x5180;
	s31 =	simm.s32 $0x5200;
	s4 =	sand.u32 $0x1, s0  }
0xa: {  	s0 =	stileid.u32;
	s3 =	sshll.u32 s4, $0x4;
	s11 =	smul.u32 $0x138800, s4  }
0xb: {  	s10 =	ssub.s32 $0x2, s4;
	s13 =	smul.u32 $0x1400, s0;
	s4 =	sadd.s32 $0x2800, s1  }
0xc: {  	s26 =	smul.u32 $0x5000, s0;
	s7 =	sor.u32 s0, s3;
	s3 =	simm.s32 $0x0  }
0xd: {  	s12 =	sshrl.u32 s10, $0x1;
	s8 =	smul.u32 $0x271, s7;
	[smem:$0x7FF] =	sst s3  }
0xe: {  	s25 =	ssub.s32 s10, s12;
	s7 =	sshll.u32 s7, $0xB;
	s28 =	sadd.s32 s13, s11  }
0xf: {  	s10 =	sshrl.u32 s26, $0x2;
	s12 =	simm.s32 $0x28;
	s13 =	simm.s32 $0x5400  }
0x10: {  	_ =	strace $0x8000004D;
	s6 =	sadd.s32 s6, s7;
	s11 =	sshrl.u32 s28, $0x3  }
0x11: {  	s7 =	smax.u32 s25, $0x1;
	s25 =	simm.s32 $0x5;
	s5 =	sadd.s32 s5, s8  }
0x12: {  	v0 =	vimm.f32 $0.0e+00;
	s8 =	sadd.s32 s10, s2;
	s9 =	sadd.s32 s11, s9;
	s10 =	simm.s32 $0x6  }
.LBB2_1:
0x13: {  	s1 =	simm.s32 $0x0;
	s11 =	simm.s32 $0x0  }
.LBB2_2:
0x14: {  	p0 =	sne.s32 s11, $0x4FC0  }
.Ltmp0:
0x15: {  	_ = 	snop;
	(pc) =	sbr.rel @p0 .LBB2_2-.Ltmp0, $4  }
0x16: {  	s15 =	sand.u32 $0x7E00, s11  }
0x17: {  	s17 =	sand.u32 $0x70, s1;
	s15 =	sshrl.u32 s15, $0x2  }
0x18: {  	s15 =	sor.u32 s17, s15  }
0x19: {  	s1 =	sadd.s32 $0x10, s1;
	s11 =	sadd.s32 $0x40, s11;
	[tilespmem:s15+$0x5400] =	vst v0  }
0x1a: {  	s1 =	sadd.s32 $0x0, s0  }
0x1b: {  	p0 =	sgt.u32 s1, $0xF9  }
0x1c: {  	s1 =	simm.s32 @!p0 $0x5400;
	s17 =	simm.s32 @!p0 $0x6  }
0x1d: {  	[spmem:s8] =	stream.linear.scatter @!p0 [tilespmem:s1], [sflag:$0x6], $0x1400, $0x38;
	[tilespmem:$0x1F080] =	vst v63  }
0x1e: {  	s11 =	simm.s32 $0x10;
	_ =	swait.ge @!p0 [sflag:s17], $0x1400  }
0x1f: {  	s15 =	simm.s32 $0x20;
	s1 =	sadd.s32 $0x14000, s8;
	[sflag:s17] =	ssyncset.done @!p0 $0x0  }
.LBB2_4:
0x20: {  	s19 =	sadd.s32 s11, s0;
	s11 =	smov.u32 s15;
	s15 =	sadd.s32 $0x10, s15  }
0x21: {  	[sflag:s17] =	ssyncadd.s32 @!p0 $0xFFFFEC00;
	p1 =	sne.s32 s15, $0x100  }
.Ltmp1:
0x22: {  	p0 =	sgt.u32 s19, $0xF9;
	(pc) =	sbr.rel @p1 .LBB2_4-.Ltmp1, $4  }
0x23: {  	s19 =	simm.s32 @!p0 $0x5400;
	s17 =	simm.s32 @!p0 $0x6  }
0x24: {  	[spmem:s1] =	stream.linear.scatter @!p0 [tilespmem:s19], [sflag:$0x6], $0x1400, $0x38;
	[tilespmem:$0x1F080] =	vst v63  }
0x25: {  	_ =	swait.ge @!p0 [sflag:s17], $0x1400  }
0x26: {  	s1 =	sadd.s32 $0x14000, s1;
	[sflag:s17] =	ssyncset.done @!p0 $0x0  }
0x27: {  	s11 =	sadd.s32 s11, s0  }
0x28: {  	p1 =	sgt.u32 s11, $0xF9  }
0x29: {  	[sflag:s17] =	ssyncadd.s32 @!p0 $0xFFFFEC00;
	s11 =	simm.s32 @!p1 $0x5400;
	s15 =	simm.s32 @!p1 $0x6  }
0x2a: {  	[spmem:s1] =	stream.linear.scatter @!p1 [tilespmem:s11], [sflag:$0x6], $0x1400, $0x38;
	[tilespmem:$0x1F080] =	vst v63  }
0x2b: {  	_ =	swait.ge @!p1 [sflag:s15], $0x1400  }
0x2c: {  	[sflag:s15] =	ssyncset.done @!p1 $0x0  }
0x2d: {  	[sflag:s15] =	ssyncadd.s32 @!p1 $0xFFFFEC00  }
0x2e: {  	s26 =	simm.s32 $0x0;
	[bflag:$0x0] =	sbarrier.arrive $0xFFFF  }
0x2f: {  	[tilespmem:s26], [sflag:$0x6] =	stream.linear.gather [hbm4b:s5+s26], $0x1388, $0x38;
	[tilespmem:$0x1F080] =	vst v63  }
0x30: {  	_ =	swait.ge [sflag:s10], $0x1388  }
0x31: {  	[sflag:s10] =	ssyncset.done $0x0  }
0x32: {  	s28 =	simm.s32 $0x1400;
	[sflag:s10] =	ssyncadd.s32 $0xFFFFEC78  }
0x33: {  	[tilespmem:s28], [sflag:$0x6] =	stream.linear.gather [hbm4b:s6+s26], $0x3E80, $0x38;
	[tilespmem:$0x1F080] =	vst v63  }
0x34: {  	_ =	swait.ge [sflag:s10], $0x3E80  }
0x35: {  	[sflag:s10] =	ssyncset.done $0x0  }
0x36: {  	[sflag:s10] =	ssyncadd.s32 $0xFFFFC180  }
0x37: {  	[tilespmem:s13], [sflag:$0x1] =	stream.indirect.gather [hbm4b:s4+s12], $0x80, s26, s12, $0xb8;
	[tilespmem:$0x1F080] =	vst v63  }
0x38: {  	_ = 	snop  }
0x39: {  	[tilespmem:s14], [sflag:$0x2] =	stream.indirect.gather [hbm4b:s4+s12], $0x80, s12, s12, $0xb8;
	[tilespmem:$0x1F080] =	vst v63  }
0x3a: {  	s11 =	simm.s32 $0x50  }
0x3b: {  	[tilespmem:s16], [sflag:$0x3] =	stream.indirect.gather [hbm4b:s4+s12], $0x80, s11, s12, $0xb8;
	[tilespmem:$0x1F080] =	vst v63  }
0x3c: {  	s15 =	simm.s32 $0x78  }
0x3d: {  	[tilespmem:s18], [sflag:$0x4] =	stream.indirect.gather [hbm4b:s4+s12], $0x80, s15, s12, $0xb8;
	[tilespmem:$0x1F080] =	vst v63  }
0x3e: {  	s17 =	simm.s32 $0xA0  }
0x3f: {  	[tilespmem:s20], [sflag:$0x5] =	stream.indirect.gather [hbm4b:s4+s12], $0x80, s17, s12, $0xb8;
	[tilespmem:$0x1F080] =	vst v63  }
0x40: {  	_ =	swait.ge [sflag:s21], $0x1400  }
0x41: {  	[sflag:s21] =	ssyncset.done $0x0  }
0x42: {  	s19 =	simm.s32 $0x1400;
	[sflag:s21] =	ssyncadd.s32 $0xFFFFEC00  }
0x43: {  	[spmem:s2] =	stream.indirect.scatter.add.f32 [tilespmem:s13], [sflag:$0x6], $0x80, s19, s12, $0xb8;
	[tilespmem:$0x1F080] =	vst v63  }
0x44: {  	_ =	swait.ge [sflag:s10], $0x1400  }
0x45: {  	[sflag:s10] =	ssyncset.done $0x0  }
0x46: {  	s26 =	simm.s32 $0xC8;
	[sflag:s10] =	ssyncadd.s32 $0xFFFFEC00  }
0x47: {  	[tilespmem:s13], [sflag:$0x1] =	stream.indirect.gather [hbm4b:s4+s12], $0x80, s26, s12, $0xb8;
	[tilespmem:$0x1F080] =	vst v63  }
0x48: {  	_ =	swait.ge [sflag:s22], $0x1400  }
0x49: {  	[sflag:s22] =	ssyncset.done $0x0  }
0x4a: {  	s28 =	simm.s32 $0x1480;
	[sflag:s22] =	ssyncadd.s32 $0xFFFFEC00  }
0x4b: {  	[spmem:s2] =	stream.indirect.scatter.add.f32 [tilespmem:s14], [sflag:$0x6], $0x80, s28, s12, $0xb8;
	[tilespmem:$0x1F080] =	vst v63  }
0x4c: {  	_ =	swait.ge [sflag:s10], $0x1400  }
0x4d: {  	[sflag:s10] =	ssyncset.done $0x0  }
0x4e: {  	s11 =	simm.s32 $0xF0;
	[sflag:s10] =	ssyncadd.s32 $0xFFFFEC00  }
0x4f: {  	[tilespmem:s14], [sflag:$0x2] =	stream.indirect.gather [hbm4b:s4+s12], $0x80, s11, s12, $0xb8;
	[tilespmem:$0x1F080] =	vst v63  }
0x50: {  	_ =	swait.ge [sflag:s23], $0x1400  }
0x51: {  	[sflag:s23] =	ssyncset.done $0x0  }
0x52: {  	s15 =	simm.s32 $0x1500;
	[sflag:s23] =	ssyncadd.s32 $0xFFFFEC00  }
0x53: {  	[spmem:s2] =	stream.indirect.scatter.add.f32 [tilespmem:s16], [sflag:$0x6], $0x80, s15, s12, $0xb8;
	[tilespmem:$0x1F080] =	vst v63  }
0x54: {  	_ =	swait.ge [sflag:s10], $0x1400  }
0x55: {  	[sflag:s10] =	ssyncset.done $0x0  }
0x56: {  	s17 =	simm.s32 $0x118;
	[sflag:s10] =	ssyncadd.s32 $0xFFFFEC00  }
0x57: {  	[tilespmem:s16], [sflag:$0x3] =	stream.indirect.gather [hbm4b:s4+s12], $0x80, s17, s12, $0xb8;
	[tilespmem:$0x1F080] =	vst v63  }
0x58: {  	_ =	swait.ge [sflag:s24], $0x1400  }
0x59: {  	[sflag:s24] =	ssyncset.done $0x0  }
0x5a: {  	s19 =	simm.s32 $0x1580;
	[sflag:s24] =	ssyncadd.s32 $0xFFFFEC00  }
0x5b: {  	[spmem:s2] =	stream.indirect.scatter.add.f32 [tilespmem:s18], [sflag:$0x6], $0x80, s19, s12, $0xb8;
	[tilespmem:$0x1F080] =	vst v63  }
0x5c: {  	_ =	swait.ge [sflag:s10], $0x1400  }
0x5d: {  	[sflag:s10] =	ssyncset.done $0x0  }
0x5e: {  	s26 =	simm.s32 $0x140;
	[sflag:s10] =	ssyncadd.s32 $0xFFFFEC00  }
0x5f: {  	[tilespmem:s18], [sflag:$0x4] =	stream.indirect.gather [hbm4b:s4+s12], $0x80, s26, s12, $0xb8;
	[tilespmem:$0x1F080] =	vst v63  }
0x60: {  	_ =	swait.ge [sflag:s25], $0x1400  }
0x61: {  	[sflag:s25] =	ssyncset.done $0x0  }
0x62: {  	s28 =	simm.s32 $0x1600;
	[sflag:s25] =	ssyncadd.s32 $0xFFFFEC00  }
0x63: {  	[spmem:s2] =	stream.indirect.scatter.add.f32 [tilespmem:s20], [sflag:$0x6], $0x80, s28, s12, $0xb8;
	[tilespmem:$0x1F080] =	vst v63  }
0x64: {  	_ =	swait.ge [sflag:s10], $0x1400  }
0x65: {  	s1 =	simm.s32 $0x168;
	[sflag:s10] =	ssyncset.done $0x0  }
0x66: {  	s11 =	simm.s32 $0xA00;
	s15 =	simm.s32 $0x230;
	[sflag:s10] =	ssyncadd.s32 $0xFFFFEC00  }
.LBB2_6:
0x67: {  	[tilespmem:s20], [sflag:$0x5] =	stream.indirect.gather [hbm4b:s4+s12], $0x80, s1, s12, $0xb8;
	[tilespmem:$0x1F080] =	vst v63  }
0x68: {  	s17 =	smov.u32 s11;
	s1 =	smov.u32 s15  }
0x69: {  	p0 =	sne.s32 s11, $0xE600;
	s11 =	sadd.s32 $0xA00, s11;
	_ =	swait.ge [sflag:s21], $0x1400  }
0x6a: {  	s17 =	sshra.s32 s17, $0x2;
	[sflag:s21] =	ssyncset.done $0x0  }
0x6b: {  	s19 =	sadd.s32 $0x1400, s17;
	[sflag:s21] =	ssyncadd.s32 $0xFFFFEC00  }
0x6c: {  	[spmem:s2] =	stream.indirect.scatter.add.f32 [tilespmem:s13], [sflag:$0x6], $0x80, s19, s12, $0xb8;
	[tilespmem:$0x1F080] =	vst v63  }
0x6d: {  	_ =	swait.ge [sflag:s10], $0x1400  }
0x6e: {  	[sflag:s10] =	ssyncset.done $0x0  }
0x6f: {  	s19 =	sadd.s32 $0xFFFFFF60, s15;
	[sflag:s10] =	ssyncadd.s32 $0xFFFFEC00  }
0x70: {  	[tilespmem:s13], [sflag:$0x1] =	stream.indirect.gather [hbm4b:s4+s12], $0x80, s19, s12, $0xb8;
	[tilespmem:$0x1F080] =	vst v63  }
0x71: {  	_ =	swait.ge [sflag:s22], $0x1400  }
0x72: {  	[sflag:s22] =	ssyncset.done $0x0  }
0x73: {  	s19 =	sadd.s32 $0x1480, s17;
	[sflag:s22] =	ssyncadd.s32 $0xFFFFEC00  }
0x74: {  	[spmem:s2] =	stream.indirect.scatter.add.f32 [tilespmem:s14], [sflag:$0x6], $0x80, s19, s12, $0xb8;
	[tilespmem:$0x1F080] =	vst v63  }
0x75: {  	_ =	swait.ge [sflag:s10], $0x1400  }
0x76: {  	[sflag:s10] =	ssyncset.done $0x0  }
0x77: {  	s19 =	sadd.s32 $0xFFFFFF88, s15;
	[sflag:s10] =	ssyncadd.s32 $0xFFFFEC00  }
0x78: {  	[tilespmem:s14], [sflag:$0x2] =	stream.indirect.gather [hbm4b:s4+s12], $0x80, s19, s12, $0xb8;
	[tilespmem:$0x1F080] =	vst v63  }
0x79: {  	_ =	swait.ge [sflag:s23], $0x1400  }
0x7a: {  	[sflag:s23] =	ssyncset.done $0x0  }
0x7b: {  	s19 =	sadd.s32 $0x1500, s17;
	[sflag:s23] =	ssyncadd.s32 $0xFFFFEC00  }
0x7c: {  	[spmem:s2] =	stream.indirect.scatter.add.f32 [tilespmem:s16], [sflag:$0x6], $0x80, s19, s12, $0xb8;
	[tilespmem:$0x1F080] =	vst v63  }
0x7d: {  	_ =	swait.ge [sflag:s10], $0x1400  }
0x7e: {  	[sflag:s10] =	ssyncset.done $0x0  }
0x7f: {  	s19 =	sadd.s32 $0xFFFFFFB0, s15;
	[sflag:s10] =	ssyncadd.s32 $0xFFFFEC00  }
0x80: {  	[tilespmem:s16], [sflag:$0x3] =	stream.indirect.gather [hbm4b:s4+s12], $0x80, s19, s12, $0xb8;
	[tilespmem:$0x1F080] =	vst v63  }
0x81: {  	_ =	swait.ge [sflag:s24], $0x1400  }
0x82: {  	[sflag:s24] =	ssyncset.done $0x0  }
0x83: {  	s19 =	sadd.s32 $0x1580, s17;
	[sflag:s24] =	ssyncadd.s32 $0xFFFFEC00  }
0x84: {  	[spmem:s2] =	stream.indirect.scatter.add.f32 [tilespmem:s18], [sflag:$0x6], $0x80, s19, s12, $0xb8;
	[tilespmem:$0x1F080] =	vst v63  }
0x85: {  	_ =	swait.ge [sflag:s10], $0x1400  }
0x86: {  	[sflag:s10] =	ssyncset.done $0x0  }
0x87: {  	s19 =	sadd.s32 $0xFFFFFFD8, s15;
	[sflag:s10] =	ssyncadd.s32 $0xFFFFEC00  }
0x88: {  	[tilespmem:s18], [sflag:$0x4] =	stream.indirect.gather [hbm4b:s4+s12], $0x80, s19, s12, $0xb8;
	[tilespmem:$0x1F080] =	vst v63  }
0x89: {  	_ =	swait.ge [sflag:s25], $0x1400  }
0x8a: {  	[sflag:s25] =	ssyncset.done $0x0  }
.Ltmp2:
0x8b: {  	s17 =	sadd.s32 $0x1600, s17;
	[sflag:s25] =	ssyncadd.s32 $0xFFFFEC00;
	(pc) =	sbr.rel @p0 .LBB2_6-.Ltmp2, $4  }
0x8c: {  	[spmem:s2] =	stream.indirect.scatter.add.f32 [tilespmem:s20], [sflag:$0x6], $0x80, s17, s12, $0xb8;
	[tilespmem:$0x1F080] =	vst v63  }
0x8d: {  	_ =	swait.ge [sflag:s10], $0x1400  }
0x8e: {  	[sflag:s10] =	ssyncset.done $0x0  }
0x8f: {  	s15 =	sadd.s32 $0xC8, s15;
	[sflag:s10] =	ssyncadd.s32 $0xFFFFEC00  }
0x90: {  	[tilespmem:s20], [sflag:$0x5] =	stream.indirect.gather [hbm4b:s4+s12], $0x80, s1, s12, $0xb8;
	[tilespmem:$0x1F080] =	vst v63  }
0x91: {  	_ =	swait.ge [sflag:s21], $0x1400  }
0x92: {  	[sflag:s21] =	ssyncset.done $0x0  }
0x93: {  	s19 =	simm.s32 $0x5000;
	[sflag:s21] =	ssyncadd.s32 $0xFFFFEC00  }
0x94: {  	[spmem:s2] =	stream.indirect.scatter.add.f32 [tilespmem:s13], [sflag:$0x6], $0x80, s19, s12, $0xb8;
	[tilespmem:$0x1F080] =	vst v63  }
0x95: {  	_ =	swait.ge [sflag:s10], $0x1400  }
0x96: {  	[sflag:s10] =	ssyncset.done $0x0  }
0x97: {  	[sflag:s10] =	ssyncadd.s32 $0xFFFFEC00  }
0x98: {  	_ =	swait.ge [sflag:s22], $0x1400  }
0x99: {  	[sflag:s22] =	ssyncset.done $0x0  }
0x9a: {  	s26 =	simm.s32 $0x5080;
	[sflag:s22] =	ssyncadd.s32 $0xFFFFEC00  }
0x9b: {  	[spmem:s2] =	stream.indirect.scatter.add.f32 [tilespmem:s14], [sflag:$0x6], $0x80, s26, s12, $0xb8;
	[tilespmem:$0x1F080] =	vst v63  }
0x9c: {  	_ =	swait.ge [sflag:s10], $0x1400  }
0x9d: {  	[sflag:s10] =	ssyncset.done $0x0  }
0x9e: {  	[sflag:s10] =	ssyncadd.s32 $0xFFFFEC00  }
0x9f: {  	_ =	swait.ge [sflag:s23], $0x1400  }
0xa0: {  	[sflag:s23] =	ssyncset.done $0x0  }
0xa1: {  	[sflag:s23] =	ssyncadd.s32 $0xFFFFEC00  }
0xa2: {  	[spmem:s2] =	stream.indirect.scatter.add.f32 [tilespmem:s16], [sflag:$0x6], $0x80, s29, s12, $0xb8;
	[tilespmem:$0x1F080] =	vst v63  }
0xa3: {  	_ =	swait.ge [sflag:s10], $0x1400  }
0xa4: {  	[sflag:s10] =	ssyncset.done $0x0  }
0xa5: {  	[sflag:s10] =	ssyncadd.s32 $0xFFFFEC00  }
0xa6: {  	_ =	swait.ge [sflag:s24], $0x1400  }
0xa7: {  	[sflag:s24] =	ssyncset.done $0x0  }
0xa8: {  	[sflag:s24] =	ssyncadd.s32 $0xFFFFEC00  }
0xa9: {  	[spmem:s2] =	stream.indirect.scatter.add.f32 [tilespmem:s18], [sflag:$0x6], $0x80, s30, s12, $0xb8;
	[tilespmem:$0x1F080] =	vst v63  }
0xaa: {  	_ =	swait.ge [sflag:s10], $0x1400  }
0xab: {  	[sflag:s10] =	ssyncset.done $0x0  }
0xac: {  	[sflag:s10] =	ssyncadd.s32 $0xFFFFEC00  }
0xad: {  	_ =	swait.ge [sflag:s25], $0x1400  }
0xae: {  	[sflag:s25] =	ssyncset.done $0x0  }
0xaf: {  	[sflag:s25] =	ssyncadd.s32 $0xFFFFEC00  }
0xb0: {  	[spmem:s2] =	stream.indirect.scatter.add.f32 [tilespmem:s20], [sflag:$0x6], $0x80, s31, s12, $0xb8;
	[tilespmem:$0x1F080] =	vst v63  }
0xb1: {  	s28 =	sadd.s32 $0x0, s0;
	_ =	swait.ge [sflag:s10], $0x1400  }
0xb2: {  	p0 =	sgt.u32 s28, $0xF9;
	[sflag:s10] =	ssyncset.done $0x0  }
0xb3: {  	s1 =	sshll.u32 @!p0 s0, $0x6;
	s11 =	sshrl.u32 @!p0 s8, $0x3;
	[sflag:s10] =	ssyncadd.s32 $0xFFFFEC00  }
0xb4: {  	s17 =	simm.s32 @!p0 $0x6;
	s1 =	sor.u32 @!p0 $0x1C06, s1;
	[bflag:$0x0] =	sbarrier.arrive $0xFFFF  }
0xb5: {  	[hbm:s9], [sflag:s1] =	dma.local @!p0 [spmem:s11], $0x280  }
0xb6: {  	s15 =	simm.s32 $0x20;
	s19 =	sadd.s32 $0x10, s0;
	_ =	swait.ge @!p0 [sflag:s17], $0x280  }
0xb7: {  	s1 =	sadd.s32 $0x14000, s8;
	s11 =	sadd.s32 $0x2800, s9;
	[sflag:s17] =	ssyncset.done @!p0 $0x0  }
.LBB2_8:
0xb8: {  	[sflag:s17] =	ssyncadd.s32 @!p0 $0xFFFFFD80  }
0xb9: {  	p0 =	sgt.u32 s19, $0xF9;
	s19 =	smov.u32 s15;
	s15 =	sadd.s32 $0x10, s15  }
0xba: {  	p1 =	sne.s32 s15, $0x100  }
.Ltmp3:
0xbb: {  	s17 =	sshll.u32 @!p0 s0, $0x6;
	s26 =	sshrl.u32 @!p0 s1, $0x3;
	(pc) =	sbr.rel @p1 .LBB2_8-.Ltmp3, $4  }
0xbc: {  	s28 =	sor.u32 @!p0 $0x1C06, s17;
	s17 =	simm.s32 @!p0 $0x6  }
0xbd: {  	[hbm:s11], [sflag:s28] =	dma.local @!p0 [spmem:s26], $0x280  }
0xbe: {  	s1 =	sadd.s32 $0x14000, s1;
	_ =	swait.ge @!p0 [sflag:s17], $0x280  }
0xbf: {  	s19 =	sadd.s32 s19, s0;
	s11 =	sadd.s32 $0x2800, s11;
	[sflag:s17] =	ssyncset.done @!p0 $0x0  }
0xc0: {  	p1 =	sgt.u32 s19, $0xF9;
	[sflag:s17] =	ssyncadd.s32 @!p0 $0xFFFFFD80;
	s3 =	sadd.s32 $0x1, s3  }
0xc1: {  	s15 =	sshll.u32 @!p1 s0, $0x6;
	s1 =	sshrl.u32 @!p1 s1, $0x3;
	p0 =	sne.s32 s3, s7  }
.Ltmp4:
0xc2: {  	s17 =	simm.s32 @!p1 $0x6;
	s15 =	sor.u32 @!p1 $0x1C06, s15;
	(pc) =	sbr.rel @p0 .LBB2_1-.Ltmp4, $4  }
0xc3: {  	[hbm:s11], [sflag:s15] =	dma.local @!p1 [spmem:s1], $0x280  }
0xc4: {  	_ =	swait.ge @!p1 [sflag:s17], $0x280  }
0xc5: {  	[sflag:s17] =	ssyncset.done @!p1 $0x0  }
0xc6: {  	[sflag:s17] =	ssyncadd.s32 @!p1 $0xFFFFFD80  }
0xc7: {  	_ =	sfence.sel $0x180000  }
0xc8: {  	[bflag:$0x0] =	sbarrier.arrive $0xFFFF  }
0xc9: {  	_ =	strace $0x9000004D  }
0xca: {  	[bflag:$0x2] =	sbarrier.arrive $0xFFFF  }
0xcb: {  	p0 =	sne.s32 s0, $0x0;
	s0 =	rddreg [dreg:$0x5]  }
0xcc: {  	s0 =	sadd.s32 @!p0 $0x100000, s0  }
0xcd: {  	[sflag:s0] =	ssyncadd.tile.s32 @!p0 $0x1;
	_ =	shalt  }
.Lfunc_end2:
_tile_overlayer_lowered:
.L_overlay_start_2:
0xce: {  	(tag) =	ssettag $0x2  }
0xcf: {  	s0 =	rddreg [dreg:$0x0];
	s2 =	stileid.u32  }
0xd0: {  	s1 =	rddreg [dreg:$0x1];
	p0 =	sne.s32 s2, $0x0  }
0xd1: {  	s3 =	rddreg [dreg:$0x2];
	[bflag:$0x3] =	sbarrier.arrive $0xFFFF;
	s2 =	simm.s32 @!p0 $0x1C06  }
0xd2: {  	[timem:s3], [sflag:s2] =	dma.local @!p0 [hbm:s0], s1  }
0xd3: {  	s0 =	simm.s32 @!p0 $0x6  }
0xd4: {  	_ =	swait.ge @!p0 [sflag:s0], s1  }
0xd5: {  	s1 =	ssub.s32 @!p0 $0x0, s1;
	[sflag:s0] =	ssyncset.done @!p0 $0x0  }
0xd6: {  	[sflag:s0] =	ssyncadd.s32 @!p0 s1  }
0xd7: {  	[bflag:$0x3] =	sbarrier.arrive $0xFFFF  }
0xd8: {  	_ =	shalt  }

// kernel: kernel.9.cloned.1.call-start
scs
__scs_entry_jumppad:
0x0: {  	(pc) =	sbr.rel $0x88, $3  }
0x1: {  	(tag) =	ssettag $0x0;
	lr =	simm.s32 $0x1  }
0x2: {  	[smem:$0x3F93] =	sst lr;
	_ =	strace $0xD0000000  }
0x3: {  	_ = 	snop  }
0x4: {  	_ = 	snop  }
0x5: {  	_ = 	snop  }
0x6: {  	_ = 	snop  }
0x7: {  	_ = 	snop  }
__scs_overlays_trampoline_lowered:
0x8: {  	[smem:$0x3FA2] =	sst s0  }
0x9: {  	[smem:$0x3FA3] =	sst s1  }
0xa: {  	[smem:$0x3FA4] =	sst s2  }
0xb: {  	[smem:$0x3FA5] =	sst s3  }
0xc: {  	[smem:$0x3FA6] =	sst s4  }
0xd: {  	[smem:$0x3FA7] =	sst s5  }
0xe: {  	[smem:$0x3FA8] =	sst s6  }
0xf: {  	[smem:$0x3FA9] =	sst s7  }
0x10: {  	[smem:$0x3FAA] =	sst s8  }
0x11: {  	[smem:$0x3FAB] =	sst s9;
	s0 =	simm.s32 @!p0 $0x0  }
0x12: {  	s1 =	sld [smem:$0x3F91];
	s0 =	simm.s32 @p0 $0x1  }
0x13: {  	[smem:$0x3FAC] =	sst s0;
	s0 =	simm.s32 @!p1 $0x0  }
0x14: {  	s2 =	sld [smem:$0x3F90];
	s0 =	simm.s32 @p1 $0x1  }
0x15: {  	[smem:$0x3FAD] =	sst s0;
	s0 =	simm.s32 @!p2 $0x0  }
0x16: {  	s3 =	sld [smem:$0x3FDB];
	s0 =	simm.s32 @p2 $0x1  }
0x17: {  	s4 =	simm.s32 $0x1BF5;
	[smem:$0x3FAF] =	sst s0  }
0x18: {  	s0 =	sld [smem:$0x3F92];
	_ =	swait.ge [sflag:s4], $0x0  }
0x19: {  	s7 =	sld [smem:$0x3F93]  }
0x1a: {  	s8 =	sadd.s32 $0xFFFFE003, lr  }
0x1b: {  	s9 =	sadd.s32 $0xFFFFFEF7, lr;
	s5 =	simm.s32 $0xFFFFFFFF;
	p2 =	slt.u32 s8, $0xFFFFF086  }
0x1c: {  	p1 =	slt.u32 s9, $0xF7A;
	s5 =	simm.s32 @!p2 $0x0  }
0x1d: {  	s5 =	simm.s32 @p1 $0x1;
	p0 =	seq.s32 s7, s2  }
0x1e: {  	s7 =	smul.u32 @!p0 $0xF7A, s2;
	p2 =	seq.s32 @!p0 s5, $0x0  }
0x1f: {  	s9 =	smul.u32 $0xF7A, s1;
	s8 =	simm.s32 @!p0 $0x1BF5;
	p2 =	por !p2, p0  }
0x20: {  	[sflag:s8] =	ssyncset.s32 @!p0 $0xFFFFF086;
	s6 =	sadd.s32 @!p0 s3, s7;
	s7 =	simm.s32 @!p0 $0x108  }
0x21: {  	s3 =	sadd.s32 s3, s9;
	s6 =	sadd.s32 @!p0 $0x88, s6;
	s7 =	simm.s32 @p2 $0x1082  }
0x22: {  	[simem:s7], [sflag:s8] =	dma.local @!p0 [hbm:s6], $0xF7A  }
0x23: {  	s9 =	sor.u32 $0xD0000000, s2;
	s6 =	simm.s32 $0x108;
	_ =	swait.ge @!p0 [sflag:s8], $0x0  }
0x24: {  	s3 =	sadd.s32 $0x88, s3;
	s6 =	simm.s32 @!p1 $0x1082;
	[sflag:s4] =	ssyncset.s32 $0xFFFFF086  }
0x25: {  	[simem:s6], [sflag:s4] =	dma.local [hbm:s3], $0xF7A  }
0x26: {  	[smem:$0x3F93] =	sst s1;
	(tag) =	ssettag s2;
	_ =	strace s9  }
0x27: {  	s1 =	sld [smem:$0x3FA3]  }
0x28: {  	s2 =	sld [smem:$0x3FA4]  }
0x29: {  	s4 =	sld [smem:$0x3FA6]  }
0x2a: {  	p0 =	seq.s32 s5, $0x0;
	s5 =	sld [smem:$0x3FA7]  }
0x2b: {  	s6 =	sld [smem:$0x3FA8]  }
0x2c: {  	s7 =	sld [smem:$0x3FA9]  }
0x2d: {  	s3 =	simm.s32 $0x108;
	s8 =	sld [smem:$0x3FAA]  }
0x2e: {  	s3 =	simm.s32 @!p0 $0x1082;
	s9 =	sld [smem:$0x3FAB]  }
0x2f: {  	lr =	sadd.s32 s0, s3;
	s0 =	sld [smem:$0x3FA2]  }
0x30: {  	s3 =	sld [smem:$0x3FA5]  }
0x31: {  	[smem:$0x3FAE] =	sst s10  }
0x32: {  	s10 =	sld [smem:$0x3FAC];
	_ =	sdelay $0x3  }
0x33: {  	p0 =	seq.s32 s10, $0x1;
	s10 =	sld [smem:$0x3FAE];
	_ =	sdelay $0x3  }
0x34: {  	[smem:$0x3FAE] =	sst s10  }
0x35: {  	s10 =	sld [smem:$0x3FAD];
	_ =	sdelay $0x3  }
0x36: {  	p1 =	seq.s32 s10, $0x1;
	s10 =	sld [smem:$0x3FAE];
	_ =	sdelay $0x3  }
0x37: {  	[smem:$0x3FAE] =	sst s10  }
0x38: {  	s10 =	sld [smem:$0x3FAF]  }
0x39: {  	_ = 	snop;
	(pc) =	sbr.ind lr, $3  }
0x3a: {  	_ = 	snop  }
0x3b: {  	_ = 	snop  }
0x3c: {  	p2 =	seq.s32 s10, $0x1;
	s10 =	sld [smem:$0x3FAE]  }
0x3d: {  	_ =	shalt  }
0x3e: {  	_ =	shalt  }
0x3f: {  	_ =	shalt  }
0x40: {  	_ =	shalt  }
0x41: {  	_ =	shalt  }
0x42: {  	_ =	shalt  }
0x43: {  	_ =	shalt  }
0x44: {  	_ =	shalt  }
0x45: {  	_ =	shalt  }
0x46: {  	_ =	shalt  }
0x47: {  	_ =	shalt  }
0x48: {  	_ =	shalt  }
0x49: {  	_ =	shalt  }
0x4a: {  	_ =	shalt  }
0x4b: {  	_ =	shalt  }
0x4c: {  	_ =	shalt  }
0x4d: {  	_ =	shalt  }
0x4e: {  	_ =	shalt  }
0x4f: {  	_ =	shalt  }
0x50: {  	_ =	shalt  }
0x51: {  	_ =	shalt  }
0x52: {  	_ =	shalt  }
0x53: {  	_ =	shalt  }
0x54: {  	_ =	shalt  }
0x55: {  	_ =	shalt  }
0x56: {  	_ =	shalt  }
0x57: {  	_ =	shalt  }
0x58: {  	_ =	shalt  }
0x59: {  	_ =	shalt  }
0x5a: {  	_ =	shalt  }
0x5b: {  	_ =	shalt  }
0x5c: {  	_ =	shalt  }
0x5d: {  	_ =	shalt  }
0x5e: {  	_ =	shalt  }
0x5f: {  	_ =	shalt  }
0x60: {  	_ =	shalt  }
0x61: {  	_ =	shalt  }
0x62: {  	_ =	shalt  }
0x63: {  	_ =	shalt  }
0x64: {  	_ =	shalt  }
0x65: {  	_ =	shalt  }
0x66: {  	_ =	shalt  }
0x67: {  	_ =	shalt  }
0x68: {  	_ =	shalt  }
0x69: {  	_ =	shalt  }
0x6a: {  	_ =	shalt  }
0x6b: {  	_ =	shalt  }
0x6c: {  	_ =	shalt  }
0x6d: {  	_ =	shalt  }
0x6e: {  	_ =	shalt  }
0x6f: {  	_ =	shalt  }
0x70: {  	_ =	shalt  }
0x71: {  	_ =	shalt  }
0x72: {  	_ =	shalt  }
0x73: {  	_ =	shalt  }
0x74: {  	_ =	shalt  }
0x75: {  	_ =	shalt  }
0x76: {  	_ =	shalt  }
0x77: {  	_ =	shalt  }
0x78: {  	_ =	shalt  }
0x79: {  	_ =	shalt  }
0x7a: {  	_ =	shalt  }
0x7b: {  	_ =	shalt  }
0x7c: {  	_ =	shalt  }
0x7d: {  	_ =	shalt  }
0x7e: {  	_ =	shalt  }
0x7f: {  	_ =	shalt  }
0x80: {  	_ =	shalt  }
0x81: {  	_ =	shalt  }
0x82: {  	_ =	shalt  }
0x83: {  	_ =	shalt  }
0x84: {  	_ =	shalt  }
0x85: {  	_ =	shalt  }
0x86: {  	_ =	shalt  }
0x87: {  	_ =	shalt  }
.Lfunc_end0:
.L_simem_size_0:
called_computation_lowered:
.L_overlay_start_0:
0x88: {  	s2 =	sld [smem:$0x3FD9]  }
0x89: {  	s3 =	sld [smem:$0x3FFE];
	_ =	sdelay $0x1  }
0x8a: {  	s1 =	srdreg.scid  }
0x8b: {  	s0 =	sand.u32 $0x1, s1  }
0x8c: {  	s15 =	sshll.u32 s0, $0xA;
	s2 =	sadd.s32 s3, s2  }
0x8d: {  	s2 =	sadd.s32 s2, s15  }
0x8e: {  	[smem:$0x3FBA] =	sst s2  }
0x8f: {  	_ = 	snop  }
0x90: {  	s2 =	sld [smem:$0x3FD0];
	_ =	sdelay $0x2  }
0x91: {  	s16 =	simm.s32 $0xA;
	s4 =	simm.s32 $0x10  }
0x92: {  	[smem:s4], [sflag:s16] =	dma.local [hbm:s2], $0x1  }
0x93: {  	_ =	swait.eq [sflag:s16], $0x1  }
0x94: {  	[sflag:s16] =	ssyncset.done $0x0  }
0x95: {  	s17 =	sld [smem:$0x10];
	[sflag:s16] =	ssyncadd.s32 $0xFFFFFFFF  }
0x96: {  	s18 =	sld [smem:$0x12];
	(tm) =	ssettm $0x1  }
0x97: {  	s19 =	sld [smem:$0x3FFB];
	_ =	sdelay $0x3  }
0x98: {  	_ =	strace s19  }
0x99: {  	s4 =	sld [smem:$0x3FFC];
	_ =	sdelay $0x3  }
0x9a: {  	_ =	strace s4  }
0x9b: {  	s4 =	sld [smem:$0x3FFD];
	_ =	sdelay $0x3  }
0x9c: {  	_ =	strace s4  }
0x9d: {  	_ =	strace $0x8FFFFFFF  }
0x9e: {  	s20 =	sld [smem:$0x3FDB];
	_ =	sdelay $0x1  }
0x9f: {  	s5 =	simm.s32 $_scs_section_size  }
0xa0: {  	s6 =	simm.s32 $_size__tile_overlayer_lowered;
	s7 =	simm.s32 $_tile_overlayer_lowered  }
0xa1: {  	s23 =	simm.s32 $0x1BFF;
	s22 =	sshll.u32 s7, $0x1;
	s4 =	sadd.s32 s5, s20  }
0xa2: {  	s8 =	simm.s32 $0x0;
	s21 =	sshll.u32 s6, $0x1;
	s6 =	sadd.s32 s22, s4  }
0xa3: {  	[timem:s8], [sflag:s23] =	dma.local [hbm:s6], s21  }
0xa4: {  	_ =	swait.ge [sflag:s23], s21  }
0xa5: {  	s5 =	ssub.s32 $0x0, s21;
	[sflag:s23] =	ssyncset.done $0x0  }
0xa6: {  	[sflag:s23] =	ssyncadd.s32 s5;
	_ =	sdelay $0x1  }
0xa7: {  	s24 =	simm.s32 $0x1B8B  }
0xa8: {  	_ =	swait.ge [sflag:s24], $0x1  }
0xa9: {  	[sflag:s24] =	ssyncset.done $0x0  }
0xaa: {  	s25 =	simm.s32 $0x1B8E;
	[sflag:s24] =	ssyncadd.s32 $0xFFFFFFFF  }
0xab: {  	s26 =	simm.s32 $execute0_lowered;
	[smem:$0x3FD2] =	sst s25  }
0xac: {  	s5 =	sshll.u32 s26, $0x1;
	_ =	strace $0x80000046;
	[dreg:$0x1] =	wrdreg $0xFFFFFFFF  }
0xad: {  	s28 =	simm.s32 $_size_execute0_lowered;
	s4 =	sadd.s32 s4, s5;
	[dreg:$0x0] =	wrdreg $0x0  }
0xae: {  	s5 =	sshll.u32 s28, $0x1;
	[dreg:$0x2] =	wrdreg s4  }
0xaf: {  	[dreg:$0x3] =	wrdreg s5  }
0xb0: {  	[dreg:$0x4] =	wrdreg $0xC0  }
0xb1: {  	_ =	task [dreg:s8], $0x5FFFF  }
0xb2: {  	[dreg:$0x1] =	wrdreg $0xFFFFFFFF  }
0xb3: {  	[dreg:$0x0] =	wrdreg $0x60  }
0xb4: {  	[dreg:$0x2] =	wrdreg s18  }
0xb5: {  	[dreg:$0x3] =	wrdreg s17  }
0xb6: {  	[dreg:$0x4] =	wrdreg $0x41000  }
0xb7: {  	[dreg:$0x5] =	wrdreg $0x9  }
0xb8: {  	_ =	task.clear_ibuf [dreg:s8], $0x6FFFF;
	_ =	strace $0x90000046  }
0xb9: {  	s29 =	simm.s32 $0x9;
	_ =	strace $0x80000048  }
0xba: {  	_ =	swait.ge [sflag:s29], $0x1  }
0xbb: {  	[sflag:s29] =	ssyncadd.s32 $0xFFFFFFFF  }
0xbc: {  	_ =	strace $0x90000048  }
0xbd: {  	_ =	sfence  }
0xbe: {  	s30 =	sld [smem:$0x0];
	_ =	sdelay $0x2  }
0xbf: {  	s31 =	sshll.u32 s1, $0xD;
	s1 =	sshrl.u32 s1, $0x2  }
0xc0: {  	s3 =	sand.u32 $0x4000, s31;
	s1 =	sadd.s32 s1, s30  }
0xc1: {  	s0 =	sor.u32 s3, s0;
	s1 =	sshll.u32 s1, $0x11  }
0xc2: {  	s0 =	sor.u32 s1, s0  }
0xc3: {  	s0 =	sadd.s32 $0x8F2B, s0  }
0xc4: {  	[sflag:s0] =	ssyncadd.remote.s32 $0x1  }
0xc5: {  	_ =	sfence.sel $0xFFFF  }
0xc6: {  	[dreg:$0x0] =	wrdreg $0xFFFFFFFF;
	(pc) =	sbr.abs _section_cstart, $3  }
0xc7: {  	[dreg:$0x1] =	wrdreg $0xFFFFFFFF  }
0xc8: {  	_ =	task.clear_ibuf [dreg:s8], $0x2FFFF;
	_ =	strace $0x9FFFFFFF  }
0xc9: {  	(tm) =	ssettm $0x7FFFFFFF  }
tec
execute0_lowered:
.L_overlay_start_1:
0x0: {  	(tag) =	ssettag $0x1  }
0x1: {  	s0 =	srdreg.scid;
	s2 =	rddreg [dreg:$0x0]  }
0x2: {  	s4 =	rddreg [dreg:$0x1];
	s13 =	stileid.u32;
	s0 =	sand.u32 $0x1, s0  }
0x3: {  	s1 =	simm.s32 $0x0;
	s14 =	sor.u32 $0x20, s13;
	s9 =	smul.u32 $0x2710, s0  }
0x4: {  	s11 =	rddreg [dreg:$0x2];
	s15 =	sor.u32 $0x30, s13;
	s24 =	smul.u32 $0x50, s14  }
0x5: {  	s19 =	sshll.u32 s13, $0xB;
	s16 =	sor.u32 $0x40, s13;
	s25 =	smul.u32 $0x50, s15  }
0x6: {  	s6 =	sor.u32 $0x10, s13;
	s17 =	sor.u32 $0x50, s13;
	s26 =	smul.u32 $0x50, s16  }
0x7: {  	s18 =	sor.u32 $0x60, s13;
	s3 =	ssub.s32 $0x2, s0;
	s28 =	smul.u32 $0x50, s17  }
0x8: {  	s0 =	sshll.u32 s0, $0xF;
	s2 =	sadd.s32 s2, s19;
	s29 =	smul.u32 $0x50, s18  }
0x9: {  	s19 =	sor.u32 $0x70, s13;
	s0 =	sadd.s32 s0, s2;
	s2 =	smul.u32 $0x50, s6  }
0xa: {  	s31 =	simm.s32 $0x4080;
	s5 =	sshrl.u32 s3, $0x1;
	s30 =	smul.u32 $0x50, s19  }
0xb: {  	[smem:$0x7FF] =	sst s1;
	s3 =	ssub.s32 s3, s5;
	s5 =	smul.u32 $0x140, s6  }
0xc: {  	p0 =	sgt.u32 s19, $0x7C;
	[dreg:$0x4] =	wrdreg s0;
	s0 =	smul.u32 $0x50, s13  }
0xd: {  	s22 =	sadd.s32 s9, s24;
	s23 =	sadd.s32 s9, s25;
	s8 =	sadd.s32 s9, s26  }
0xe: {  	s10 =	sadd.s32 s9, s29;
	s24 =	sadd.s32 s24, s11;
	s25 =	sadd.s32 s25, s11  }
0xf: {  	s26 =	sadd.s32 s26, s11;
	s29 =	sadd.s32 s29, s11;
	s7 =	sadd.s32 s9, s2  }
0x10: {  	s10 =	sshrl.u32 s10, $0x3;
	s20 =	sadd.s32 s9, s0;
	s7 =	sshrl.u32 s7, $0x3  }
0x11: {  	s10 =	sadd.s32 s4, s10;
	s5 =	sshrl.u32 s5, $0x2;
	s6 =	sshrl.u32 s20, $0x3  }
0x12: {  	s21 =	sadd.s32 s4, s7;
	s7 =	sshrl.u32 s23, $0x3;
	s20 =	smul.u32 $0x140, s14  }
0x13: {  	s6 =	sadd.s32 s4, s6;
	[dreg:$0x6] =	wrdreg s21;
	s21 =	smul.u32 $0x140, s15  }
0x14: {  	s15 =	sadd.s32 s5, s11;
	[dreg:$0x5] =	wrdreg s6;
	s6 =	sshrl.u32 s22, $0x3  }
0x15: {  	s22 =	smul.u32 $0x140, s16;
	s6 =	sadd.s32 s4, s6;
	s23 =	sshrl.u32 s21, $0x2  }
0x16: {  	s21 =	smul.u32 $0x140, s19;
	[dreg:$0x7] =	wrdreg s6;
	s6 =	sadd.s32 s4, s7  }
0x17: {  	s7 =	sshrl.u32 s8, $0x3;
	s8 =	sadd.s32 s9, s28;
	s9 =	sadd.s32 s9, s30  }
0x18: {  	s28 =	sadd.s32 s28, s11;
	s30 =	sadd.s32 s30, s11;
	[dreg:$0x8] =	wrdreg s6  }
0x19: {  	s7 =	sadd.s32 s4, s7;
	s8 =	sshrl.u32 s8, $0x3;
	s9 =	sshrl.u32 s9, $0x3  }
0x1a: {  	s6 =	smul.u32 $0x140, s17;
	s17 =	sadd.s32 s23, s11;
	s23 =	sshrl.u32 s21, $0x2  }
0x1b: {  	s8 =	sadd.s32 s4, s8;
	s12 =	sadd.s32 s4, s9;
	s9 =	smul.u32 $0x140, s13  }
0x1c: {  	_ =	strace $0x80000047;
	s13 =	smax.u32 s3, $0x1;
	s3 =	sshrl.u32 s20, $0x2  }
0x1d: {  	s20 =	smul.u32 $0x140, s18;
	s21 =	sadd.s32 s23, s11;
	s23 =	sadd.s32 s2, s11  }
0x1e: {  	s2 =	simm.s32 $0x4000;
	s16 =	sadd.s32 s3, s11;
	s4 =	sshrl.u32 s9, $0x2  }
0x1f: {  	s3 =	sshrl.u32 s20, $0x2;
	s9 =	simm.s32 $0x1;
	s14 =	sadd.s32 s4, s11  }
0x20: {  	s4 =	sshrl.u32 s22, $0x2;
	s22 =	sshrl.u32 s6, $0x2;
	s20 =	sadd.s32 s3, s11  }
0x21: {  	s3 =	simm.s32 $0x2;
	s18 =	sadd.s32 s4, s11;
	s19 =	sadd.s32 s22, s11  }
0x22: {  	v0 =	vimm.f32 $0.0e+00;
	v1 =	vimm.f32 $1.000000000e+00;
	s22 =	sadd.s32 s0, s11;
	s0 =	simm.s32 $0x28;
	s4 =	simm.s32 $0x0  }
.LBB2_1:
0x23: {  	[tilespmem:$0x4080] =	vst v0  }
0x24: {  	[tilespmem:$0x4090] =	vst v0  }
0x25: {  	[tilespmem:$0x40A0] =	vst v0  }
0x26: {  	[tilespmem:$0x40B0] =	vst v0  }
0x27: {  	[tilespmem:$0x40C0] =	vst v0  }
0x28: {  	[tilespmem:$0x4000] =	vst v1  }
0x29: {  	[tilespmem:$0x4010] =	vst v1  }
0x2a: {  	[tilespmem:$0x4020] =	vst v1  }
0x2b: {  	[spmem:s14] =	stream.linear.scatter [tilespmem:s31], [sflag:$0x1], $0x50, $0x38;
	[tilespmem:$0x4378] =	vst v63  }
0x2c: {  	_ =	swait.ge [sflag:s9], $0x50  }
0x2d: {  	[sflag:s9] =	ssyncset.done $0x0  }
0x2e: {  	[sflag:s9] =	ssyncadd.s32 $0xFFFFFFB0  }
0x2f: {  	[spmem:s15] =	stream.linear.scatter [tilespmem:s31], [sflag:$0x1], $0x50, $0x38;
	[tilespmem:$0x4378] =	vst v63  }
0x30: {  	_ =	swait.ge [sflag:s9], $0x50  }
0x31: {  	[sflag:s9] =	ssyncset.done $0x0  }
0x32: {  	[sflag:s9] =	ssyncadd.s32 $0xFFFFFFB0  }
0x33: {  	[spmem:s16] =	stream.linear.scatter [tilespmem:s31], [sflag:$0x1], $0x50, $0x38;
	[tilespmem:$0x4378] =	vst v63  }
0x34: {  	_ =	swait.ge [sflag:s9], $0x50  }
0x35: {  	[sflag:s9] =	ssyncset.done $0x0  }
0x36: {  	[sflag:s9] =	ssyncadd.s32 $0xFFFFFFB0  }
0x37: {  	[spmem:s17] =	stream.linear.scatter [tilespmem:s31], [sflag:$0x1], $0x50, $0x38;
	[tilespmem:$0x4378] =	vst v63  }
0x38: {  	_ =	swait.ge [sflag:s9], $0x50  }
0x39: {  	[sflag:s9] =	ssyncset.done $0x0  }
0x3a: {  	[sflag:s9] =	ssyncadd.s32 $0xFFFFFFB0  }
0x3b: {  	[spmem:s18] =	stream.linear.scatter [tilespmem:s31], [sflag:$0x1], $0x50, $0x38;
	[tilespmem:$0x4378] =	vst v63  }
0x3c: {  	_ =	swait.ge [sflag:s9], $0x50  }
0x3d: {  	[sflag:s9] =	ssyncset.done $0x0  }
0x3e: {  	[sflag:s9] =	ssyncadd.s32 $0xFFFFFFB0  }
0x3f: {  	[spmem:s19] =	stream.linear.scatter [tilespmem:s31], [sflag:$0x1], $0x50, $0x38;
	[tilespmem:$0x4378] =	vst v63  }
0x40: {  	_ =	swait.ge [sflag:s9], $0x50  }
0x41: {  	[sflag:s9] =	ssyncset.done $0x0  }
0x42: {  	[sflag:s9] =	ssyncadd.s32 $0xFFFFFFB0  }
0x43: {  	[spmem:s20] =	stream.linear.scatter [tilespmem:s31], [sflag:$0x1], $0x50, $0x38;
	[tilespmem:$0x4378] =	vst v63  }
0x44: {  	_ =	swait.ge [sflag:s9], $0x50  }
0x45: {  	[sflag:s9] =	ssyncset.done $0x0  }
0x46: {  	s5 =	simm.s32 @!p0 $0x4080;
	[sflag:s9] =	ssyncadd.s32 $0xFFFFFFB0  }
0x47: {  	[spmem:s21] =	stream.linear.scatter @!p0 [tilespmem:s5], [sflag:$0x1], $0x50, $0x38;
	[tilespmem:$0x4378] =	vst v63  }
0x48: {  	s5 =	simm.s32 @!p0 $0x1  }
0x49: {  	_ =	swait.ge @!p0 [sflag:s5], $0x50  }
0x4a: {  	[sflag:s5] =	ssyncset.done @!p0 $0x0  }
0x4b: {  	[sflag:s5] =	ssyncadd.s32 @!p0 $0xFFFFFFB0  }
0x4c: {  	[bflag:$0x0] =	sbarrier.arrive $0xFFFF  }
0x4d: {  	s6 =	rddreg [dreg:$0x4]  }
0x4e: {  	[tilespmem:s1], [sflag:$0x1] =	stream.linear.gather [hbm4b:s6+s1], $0x3E80, $0x38;
	[tilespmem:$0x4378] =	vst v63  }
0x4f: {  	_ =	swait.ge [sflag:s9], $0x3E80  }
0x50: {  	[sflag:s9] =	ssyncset.done $0x0  }
0x51: {  	s6 =	simm.s32 $0x0;
	[sflag:s9] =	ssyncadd.s32 $0xFFFFC180  }
0x52: {  	[spmem:s11] =	stream.indirect.scatter.add.f32 [tilespmem:s2], [sflag:$0x1], $0x1, s6, s0, $0xb8;
	[tilespmem:$0x4378] =	vst v63  }
0x53: {  	_ =	swait.ge [sflag:s9], $0x28  }
0x54: {  	s5 =	simm.s32 $0x200;
	[sflag:s9] =	ssyncset.done $0x0  }
.LBB2_2:
0x55: {  	s6 =	sshra.s32 s5, $0x2;
	[sflag:s9] =	ssyncadd.s32 $0xFFFFFFD8;
	p1 =	sne.s32 s5, $0xF800  }
0x56: {  	[spmem:s11] =	stream.indirect.scatter.add.f32 [tilespmem:s2], [sflag:$0x1], $0x1, s6, s0, $0xb8;
	[tilespmem:$0x4378] =	vst v63  }
.Ltmp0:
0x57: {  	_ = 	snop;
	(pc) =	sbr.rel @p1 .LBB2_2-.Ltmp0, $4  }
0x58: {  	_ = 	snop  }
0x59: {  	s5 =	sadd.s32 $0x200, s5  }
0x5a: {  	_ =	swait.ge [sflag:s9], $0x28  }
0x5b: {  	[sflag:s9] =	ssyncset.done $0x0  }
0x5c: {  	[sflag:s9] =	ssyncadd.s32 $0xFFFFFFD8  }
0x5d: {  	[bflag:$0x0] =	sbarrier.arrive $0xFFFF  }
0x5e: {  	[tilespmem:s31], [sflag:$0x2] =	stream.linear.gather [spmem:s22], $0x50, $0x38;
	[tilespmem:$0x4378] =	vst v63  }
0x5f: {  	_ =	swait.ge [sflag:s3], $0x50  }
0x60: {  	[sflag:s3] =	ssyncset.done $0x0  }
0x61: {  	s5 =	rddreg [dreg:$0x5];
	[sflag:s3] =	ssyncadd.s32 $0xFFFFFFB0  }
0x62: {  	[hbm4b:s5+s1] =	stream.linear.scatter [tilespmem:s31], [sflag:$0x1], $0x50, $0x38;
	[tilespmem:$0x4378] =	vst v63  }
0x63: {  	_ =	swait.ge [sflag:s9], $0x50  }
0x64: {  	[sflag:s9] =	ssyncset.done $0x0  }
0x65: {  	[sflag:s9] =	ssyncadd.s32 $0xFFFFFFB0  }
0x66: {  	[tilespmem:s31], [sflag:$0x2] =	stream.linear.gather [spmem:s23], $0x50, $0x38;
	[tilespmem:$0x4378] =	vst v63  }
0x67: {  	_ =	swait.ge [sflag:s3], $0x50  }
0x68: {  	[sflag:s3] =	ssyncset.done $0x0  }
0x69: {  	s6 =	rddreg [dreg:$0x6];
	[sflag:s3] =	ssyncadd.s32 $0xFFFFFFB0  }
0x6a: {  	[hbm4b:s6+s1] =	stream.linear.scatter [tilespmem:s31], [sflag:$0x1], $0x50, $0x38;
	[tilespmem:$0x4378] =	vst v63  }
0x6b: {  	_ =	swait.ge [sflag:s9], $0x50  }
0x6c: {  	[sflag:s9] =	ssyncset.done $0x0  }
0x6d: {  	[sflag:s9] =	ssyncadd.s32 $0xFFFFFFB0  }
0x6e: {  	[tilespmem:s31], [sflag:$0x2] =	stream.linear.gather [spmem:s24], $0x50, $0x38;
	[tilespmem:$0x4378] =	vst v63  }
0x6f: {  	_ =	swait.ge [sflag:s3], $0x50  }
0x70: {  	[sflag:s3] =	ssyncset.done $0x0  }
0x71: {  	s6 =	rddreg [dreg:$0x7];
	[sflag:s3] =	ssyncadd.s32 $0xFFFFFFB0  }
0x72: {  	[hbm4b:s6+s1] =	stream.linear.scatter [tilespmem:s31], [sflag:$0x1], $0x50, $0x38;
	[tilespmem:$0x4378] =	vst v63  }
0x73: {  	_ =	swait.ge [sflag:s9], $0x50  }
0x74: {  	[sflag:s9] =	ssyncset.done $0x0  }
0x75: {  	[sflag:s9] =	ssyncadd.s32 $0xFFFFFFB0  }
0x76: {  	[tilespmem:s31], [sflag:$0x2] =	stream.linear.gather [spmem:s25], $0x50, $0x38;
	[tilespmem:$0x4378] =	vst v63  }
0x77: {  	_ =	swait.ge [sflag:s3], $0x50  }
0x78: {  	[sflag:s3] =	ssyncset.done $0x0  }
0x79: {  	s6 =	rddreg [dreg:$0x8];
	[sflag:s3] =	ssyncadd.s32 $0xFFFFFFB0  }
0x7a: {  	[hbm4b:s6+s1] =	stream.linear.scatter [tilespmem:s31], [sflag:$0x1], $0x50, $0x38;
	[tilespmem:$0x4378] =	vst v63  }
0x7b: {  	_ =	swait.ge [sflag:s9], $0x50  }
0x7c: {  	[sflag:s9] =	ssyncset.done $0x0  }
0x7d: {  	[sflag:s9] =	ssyncadd.s32 $0xFFFFFFB0  }
0x7e: {  	[tilespmem:s31], [sflag:$0x2] =	stream.linear.gather [spmem:s26], $0x50, $0x38;
	[tilespmem:$0x4378] =	vst v63  }
0x7f: {  	_ =	swait.ge [sflag:s3], $0x50  }
0x80: {  	[sflag:s3] =	ssyncset.done $0x0  }
0x81: {  	[sflag:s3] =	ssyncadd.s32 $0xFFFFFFB0  }
0x82: {  	[hbm4b:s7+s1] =	stream.linear.scatter [tilespmem:s31], [sflag:$0x1], $0x50, $0x38;
	[tilespmem:$0x4378] =	vst v63  }
0x83: {  	_ =	swait.ge [sflag:s9], $0x50  }
0x84: {  	[sflag:s9] =	ssyncset.done $0x0  }
0x85: {  	[sflag:s9] =	ssyncadd.s32 $0xFFFFFFB0  }
0x86: {  	[tilespmem:s31], [sflag:$0x2] =	stream.linear.gather [spmem:s28], $0x50, $0x38;
	[tilespmem:$0x4378] =	vst v63  }
0x87: {  	_ =	swait.ge [sflag:s3], $0x50  }
0x88: {  	[sflag:s3] =	ssyncset.done $0x0  }
0x89: {  	[sflag:s3] =	ssyncadd.s32 $0xFFFFFFB0  }
0x8a: {  	[hbm4b:s8+s1] =	stream.linear.scatter [tilespmem:s31], [sflag:$0x1], $0x50, $0x38;
	[tilespmem:$0x4378] =	vst v63  }
0x8b: {  	_ =	swait.ge [sflag:s9], $0x50  }
0x8c: {  	[sflag:s9] =	ssyncset.done $0x0  }
0x8d: {  	[sflag:s9] =	ssyncadd.s32 $0xFFFFFFB0  }
0x8e: {  	[tilespmem:s31], [sflag:$0x2] =	stream.linear.gather [spmem:s29], $0x50, $0x38;
	[tilespmem:$0x4378] =	vst v63  }
0x8f: {  	_ =	swait.ge [sflag:s3], $0x50  }
0x90: {  	[sflag:s3] =	ssyncset.done $0x0  }
0x91: {  	[sflag:s3] =	ssyncadd.s32 $0xFFFFFFB0  }
0x92: {  	[hbm4b:s10+s1] =	stream.linear.scatter [tilespmem:s31], [sflag:$0x1], $0x50, $0x38;
	[tilespmem:$0x4378] =	vst v63  }
0x93: {  	_ =	swait.ge [sflag:s9], $0x50  }
0x94: {  	[sflag:s9] =	ssyncset.done $0x0  }
0x95: {  	s5 =	simm.s32 @!p0 $0x4080;
	s6 =	simm.s32 @!p0 $0x2;
	[sflag:s9] =	ssyncadd.s32 $0xFFFFFFB0  }
0x96: {  	[tilespmem:s5], [sflag:$0x2] =	stream.linear.gather @!p0 [spmem:s30], $0x50, $0x38;
	[tilespmem:$0x4378] =	vst v63  }
0x97: {  	_ =	swait.ge @!p0 [sflag:s6], $0x50  }
0x98: {  	s4 =	sadd.s32 $0x1, s4;
	[sflag:s6] =	ssyncset.done @!p0 $0x0  }
0x99: {  	p1 =	sne.s32 s4, s13;
	[sflag:s6] =	ssyncadd.s32 @!p0 $0xFFFFFFB0;
	s6 =	simm.s32 @!p0 $0x0  }
0x9a: {  	[hbm4b:s12+s6] =	stream.linear.scatter @!p0 [tilespmem:s5], [sflag:$0x1], $0x50, $0x38;
	[tilespmem:$0x4378] =	vst v63  }
.Ltmp1:
0x9b: {  	_ = 	snop;
	(pc) =	sbr.rel @p1 .LBB2_1-.Ltmp1, $4  }
0x9c: {  	s5 =	simm.s32 @!p0 $0x1  }
0x9d: {  	_ =	swait.ge @!p0 [sflag:s5], $0x50  }
0x9e: {  	[sflag:s5] =	ssyncset.done @!p0 $0x0  }
0x9f: {  	[sflag:s5] =	ssyncadd.s32 @!p0 $0xFFFFFFB0  }
0xa0: {  	_ =	sfence.sel $0x180000  }
0xa1: {  	[bflag:$0x0] =	sbarrier.arrive $0xFFFF  }
0xa2: {  	_ =	strace $0x90000047  }
0xa3: {  	s0 =	stileid.u32;
	[bflag:$0x2] =	sbarrier.arrive $0xFFFF  }
0xa4: {  	p0 =	sne.s32 s0, $0x0;
	s0 =	rddreg [dreg:$0x3]  }
0xa5: {  	s0 =	sadd.s32 @!p0 $0x100000, s0  }
0xa6: {  	[sflag:s0] =	ssyncadd.tile.s32 @!p0 $0x1;
	_ =	shalt  }
.Lfunc_end2:
_tile_overlayer_lowered:
.L_overlay_start_2:
0xa7: {  	(tag) =	ssettag $0x2  }
0xa8: {  	s0 =	rddreg [dreg:$0x0];
	s2 =	stileid.u32  }
0xa9: {  	s1 =	rddreg [dreg:$0x1];
	p0 =	sne.s32 s2, $0x0  }
0xaa: {  	s3 =	rddreg [dreg:$0x2];
	[bflag:$0x3] =	sbarrier.arrive $0xFFFF;
	s2 =	simm.s32 @!p0 $0x1C01  }
0xab: {  	[timem:s3], [sflag:s2] =	dma.local @!p0 [hbm:s0], s1  }
0xac: {  	s0 =	simm.s32 @!p0 $0x1  }
0xad: {  	_ =	swait.ge @!p0 [sflag:s0], s1  }
0xae: {  	s1 =	ssub.s32 @!p0 $0x0, s1;
	[sflag:s0] =	ssyncset.done @!p0 $0x0  }
0xaf: {  	[sflag:s0] =	ssyncadd.s32 @!p0 s1  }
0xb0: {  	[bflag:$0x3] =	sbarrier.arrive $0xFFFF  }
0xb1: {  	_ =	shalt  }

</sc_bundles>
